<compile_context>
chip_gen: v7x
topology: tpu7x:2x2x1
jax: 0.10.2.dev20260603
libtpu: 0.0.44.dev20260713+nightly
codegen_flags: <defaults>
</compile_context>

<pallas_src>
import functools

import jax
import jax.numpy as jnp
from jax import lax
from jax.experimental import pallas as pl
from jax.experimental.pallas import tpu as pltpu
from jax.experimental.pallas import tpu_sc as plsc

BATCH = 16384
HIST = 200
EMBED = 64

BB = 256
NG = 2
TP = 130


def _build():
    info = plsc.get_sparse_core_info()
    nc, ns = info.num_cores, info.num_subcores
    nw = nc * ns
    bpw = BATCH // nw
    steps = HIST * (bpw // BB)

    mesh = plsc.VectorSubcoreMesh(core_axis_name="c", subcore_axis_name="s")

    @functools.partial(
        pl.kernel,
        mesh=mesh,
        out_type=jax.ShapeDtypeStruct((HIST, 8, 128, 8, 128), jnp.float32),
        scratch_types=[
            pltpu.VMEM((BB,), jnp.int32),
            pltpu.VMEM((BB,), jnp.int32),
            pltpu.VMEM((BB, EMBED), jnp.float32),
            pltpu.VMEM((BB, EMBED), jnp.float32),
            pltpu.VMEM((8, 2, 8, TP), jnp.float32),
            pltpu.VMEM((8, 2, 8, TP), jnp.float32),
            pltpu.SemaphoreType.DMA,
            pltpu.SemaphoreType.DMA,
            pltpu.SemaphoreType.DMA,
            pltpu.SemaphoreType.DMA,
            pltpu.SemaphoreType.DMA,
            pltpu.SemaphoreType.DMA,
        ],
        compiler_params=pltpu.CompilerParams(
            use_tc_tiling_on_sc=False, needs_layout_passes=False),
    )
    def gather_kernel(xt_hbm, table_hbm, out_hbm,
                      idx0, idx1, sb0, sb1, tb0, tb1,
                      asem0, asem1, gsem0, gsem1, wsem0, wsem1):
        wid = lax.axis_index("s") * nc + lax.axis_index("c")
        b_base = wid * bpw
        bo_base = wid * (bpw // 128)

        idx_b = (idx0, idx1)
        sb_b = (sb0, sb1)
        tb_b = (tb0, tb1)
        asem = (asem0, asem1)
        gsem = (gsem0, gsem1)
        wsem = (wsem0, wsem1)

        iota = lax.iota(jnp.int32, 16)
        i_hi = lax.shift_right_logical(iota, 3)
        i_lo = lax.bitwise_and(iota, 7)
        eo_g = tuple(i_hi + 2 * g for g in range(4))
        zeros16 = jnp.full((16,), 0, jnp.int32)

        def fire_idx(t, b):
            h = t // 2
            j = t % 2
            pltpu.async_copy(
                xt_hbm.at[h, pl.ds(b_base + j * BB, BB)], idx_b[b], asem[b])

        def wait_idx(b):
            pltpu.make_async_copy(
                xt_hbm.at[0, pl.ds(0, BB)], idx_b[b], asem[b]).wait()

        def fire_gather(b):
            for k in range(NG):
                pltpu.async_copy(
                    table_hbm.at[idx_b[b].at[pl.ds(k * 128, 128)]],
                    sb_b[b].at[pl.ds(k * 128, 128)],
                    gsem[b],
                )

        def wait_gather(b):
            pltpu.make_async_copy(
                table_hbm.at[pl.ds(0, BB)], sb_b[b], gsem[b]).wait()

        def transpose(b):
            sb = sb_b[b]
            tb = tb_b[b]

            def r_body(p, carry):
                r0 = p * 4
                for u in range(4):
                    r = r0 + u
                    b2v = zeros16 + lax.shift_right_logical(r, 7)
                    biv = zeros16 + lax.bitwise_and(r, 127)
                    for g in range(4):
                        v = sb[r, pl.ds(g * 16, 16)]
                        plsc.store_scatter(
                            tb, [eo_g[g], b2v, i_lo, biv], v)
                return carry

            lax.fori_loop(0, BB // 4, r_body, 0)

        def fire_write(t, b):
            h = t // 2
            j = t % 2
            pltpu.async_copy(
                tb_b[b].at[:, :, :, pl.ds(0, 128)],
                out_hbm.at[h, :, pl.ds(bo_base + j * 2, 2)],
                wsem[b])

        def wait_write(b):
            pltpu.make_async_copy(
                tb_b[b].at[:, :, :, pl.ds(0, 128)],
                out_hbm.at[0, :, pl.ds(0, 2)], wsem[b]).wait()

        def slot(t, b, first=False, last=False):
            if not first:
                wait_write(b)
            wait_idx(b)
            fire_gather(b)
            if not first:
                wait_gather(1 - b)
                transpose(1 - b)
                fire_write(t - 1, 1 - b)
            if not last:
                fire_idx(t + 1, 1 - b)

        fire_idx(0, 0)
        wait_idx(0)
        fire_gather(0)
        fire_idx(1, 1)
        wait_idx(1)
        fire_gather(1)
        wait_gather(0)
        transpose(0)
        fire_write(0, 0)
        fire_idx(2, 0)

        def pair(s, carry):
            t = 2 * s
            slot(t, 0)
            slot(t + 1, 1)
            return carry

        lax.fori_loop(1, steps // 2 - 1, pair, 0)

        slot(steps - 2, 0)
        slot(steps - 1, 1, last=True)

        wait_gather(1)
        transpose(1)
        fire_write(steps - 1, 1)
        wait_write(0)
        wait_write(1)

    return gather_kernel


_GATHER = _build()


@jax.jit
def kernel(x, table):
    xt = x.T.astype(jnp.int32)
    out5 = _GATHER(xt, table)
    return out5.transpose(2, 4, 0, 1, 3).reshape(BATCH, HIST, EMBED)

# --- scband reference (transcript-rebuilt; emitter-appended) ---
"""Pipeline reference for scband-embedder-57535381897819 (READ-ONLY COPY).

The authoritative reference and input builder live on the scoring server;
editing this copy changes nothing except your own understanding.
"""

import jax, jax.numpy as jnp
import numpy as np

VOCAB = 2 ** 16
EMBED_DIM = 64
BATCH = 16384
HIST = 200

def setup_inputs(seed: int = 0) -> dict:
    key = jax.random.key(seed)
    k_idx, k_tab = jax.random.split(key)
    x = jax.random.randint(k_idx, (BATCH, HIST), 0, VOCAB, dtype=jnp.int64 if jax.config.jax_enable_x64 else jnp.int32)
    table = jax.random.normal(k_tab, (VOCAB, EMBED_DIM), dtype=jnp.float32)
    return {"x": x, "table": table}

def reference(x, table):
    # torch.nn.Embedding forward: gather rows of the table by index
    return jnp.take(table, x, axis=0)

if __name__ == "__main__":
    import jax
    _d = setup_inputs()
    print(jax.jit(kernel)(*tuple(_d.values())))

</pallas_src>

<mosaic_0001>
#map = affine_map<(d0, d1) -> (0, 0)>
#map1 = affine_map<(d0, d1) -> (0, 0, 0, 0, 0)>
module attributes {stable_mosaic.version = 14 : i64} {
  func.func @gather_kernel(%arg0: i32, %arg1: i32, %arg2: memref<200x16384xi32, #tpu.memory_space<hbm>>, %arg3: memref<65536x64xf32, #tpu.memory_space<hbm>>, %arg4: memref<200x8x128x8x128xf32, #tpu.memory_space<hbm>>, %arg5: memref<256xi32, #tpu.memory_space<vmem>>, %arg6: memref<256xi32, #tpu.memory_space<vmem>>, %arg7: memref<256x64xf32, #tpu.memory_space<vmem>>, %arg8: memref<256x64xf32, #tpu.memory_space<vmem>>, %arg9: memref<8x2x8x130xf32, #tpu.memory_space<vmem>>, %arg10: memref<8x2x8x130xf32, #tpu.memory_space<vmem>>, %arg11: memref<!tpu.dma_semaphore, #tpu.memory_space<semaphore_mem>>, %arg12: memref<!tpu.dma_semaphore, #tpu.memory_space<semaphore_mem>>, %arg13: memref<!tpu.dma_semaphore, #tpu.memory_space<semaphore_mem>>, %arg14: memref<!tpu.dma_semaphore, #tpu.memory_space<semaphore_mem>>, %arg15: memref<!tpu.dma_semaphore, #tpu.memory_space<semaphore_mem>>, %arg16: memref<!tpu.dma_semaphore, #tpu.memory_space<semaphore_mem>>) attributes {dimension_semantics = [#tpu.dimension_semantics<core_parallel>, #tpu.dimension_semantics<subcore_parallel>], iteration_bounds = array<i64: 2, 16>, scalar_prefetch = 0 : i64, scratch_operands = 12 : i64, tpu.core_type = #tpu.core_type<sc_vector_subcore>, window_params = [{transform_indices = #map}, {transform_indices = #map}, {transform_indices = #map1}]} {
    %mul3A = arith.constant 2 : i32
    %mul3A_0 = arith.muli %arg1, %mul3A : i32
    %add3A = arith.addi %mul3A_0, %arg0 : i32
    %mul3A_1 = arith.constant 512 : i32
    %mul3A_2 = arith.muli %add3A, %mul3A_1 : i32
    %mul3A_3 = arith.constant 4 : i32
    %mul3A_4 = arith.muli %add3A, %mul3A_3 : i32
    %iota3A = tpu.iota {dimensions = array<i32: 0>} : vector<16xi32>
    %shift_right_logical3A = arith.constant 3 : i32
    %shift_right_logical3A_5 = vector.broadcast %shift_right_logical3A : i32 to vector<16xi32>
    %shift_right_logical3A_6 = arith.shrui %iota3A, %shift_right_logical3A_5 : vector<16xi32>
    %and3A = arith.constant 7 : i32
    %and3A_7 = vector.broadcast %and3A : i32 to vector<16xi32>
    %and3A_8 = arith.andi %iota3A, %and3A_7 : vector<16xi32>
    %add3A_9 = arith.constant 0 : i32
    %add3A_10 = vector.broadcast %add3A_9 : i32 to vector<16xi32>
    %add3A_11 = arith.addi %shift_right_logical3A_6, %add3A_10 : vector<16xi32>
    %add3A_12 = arith.constant 2 : i32
    %add3A_13 = vector.broadcast %add3A_12 : i32 to vector<16xi32>
    %add3A_14 = arith.addi %shift_right_logical3A_6, %add3A_13 : vector<16xi32>
    %add3A_15 = arith.constant 4 : i32
    %add3A_16 = vector.broadcast %add3A_15 : i32 to vector<16xi32>
    %add3A_17 = arith.addi %shift_right_logical3A_6, %add3A_16 : vector<16xi32>
    %add3A_18 = arith.constant 6 : i32
    %add3A_19 = vector.broadcast %add3A_18 : i32 to vector<16xi32>
    %add3A_20 = arith.addi %shift_right_logical3A_6, %add3A_19 : vector<16xi32>
    %broadcast_in_dim3A = arith.constant 0 : i32
    %broadcast_in_dim3A_21 = vector.broadcast %broadcast_in_dim3A : i32 to vector<16xi32>
    %add3A_22 = arith.constant 0 : i32
    %add3A_23 = arith.addi %mul3A_2, %add3A_22 : i32
    %dma_start3A = arith.constant 0 : i32
    %dma_start3A_24 = tpu.memref_slice %arg2[%dma_start3A, %add3A_23] : memref<200x16384xi32, #tpu.memory_space<hbm>> -> memref<1x256xi32, #tpu.memory_space<hbm>>
    %dma_start3A_25 = tpu.memref_squeeze %dma_start3A_24 : memref<1x256xi32, #tpu.memory_space<hbm>> -> memref<256xi32, #tpu.memory_space<hbm>>
    %dma_start3A_26 = tpu.memref_slice %arg2[%dma_start3A, %add3A_23] : memref<200x16384xi32, #tpu.memory_space<hbm>> -> memref<1x256xi32, #tpu.memory_space<hbm>>
    %dma_start3A_27 = tpu.memref_squeeze %dma_start3A_26 : memref<1x256xi32, #tpu.memory_space<hbm>> -> memref<256xi32, #tpu.memory_space<hbm>>
    tpu.enqueue_dma source(%dma_start3A_27 : memref<256xi32, #tpu.memory_space<hbm>>) target(%arg5 : memref<256xi32, #tpu.memory_space<vmem>>) target_semaphore(%arg11 : memref<!tpu.dma_semaphore, #tpu.memory_space<semaphore_mem>>)
    %dma_wait3A = arith.constant 0 : i32
    %dma_wait3A_28 = arith.constant 0 : i32
    %dma_wait3A_29 = tpu.memref_slice %arg2[%dma_wait3A, %dma_wait3A_28] : memref<200x16384xi32, #tpu.memory_space<hbm>> -> memref<1x256xi32, #tpu.memory_space<hbm>>
    %dma_wait3A_30 = tpu.memref_squeeze %dma_wait3A_29 : memref<1x256xi32, #tpu.memory_space<hbm>> -> memref<256xi32, #tpu.memory_space<hbm>>
    %dma_wait3A_31 = arith.constant 0 : i32
    %dma_wait3A_32 = tpu.memref_slice %arg2[%dma_wait3A, %dma_wait3A_31] : memref<200x16384xi32, #tpu.memory_space<hbm>> -> memref<1x256xi32, #tpu.memory_space<hbm>>
    %dma_wait3A_33 = tpu.memref_squeeze %dma_wait3A_32 : memref<1x256xi32, #tpu.memory_space<hbm>> -> memref<256xi32, #tpu.memory_space<hbm>>
    tpu.wait_dma2 semaphore(%arg11 : memref<!tpu.dma_semaphore, #tpu.memory_space<semaphore_mem>>) src(%dma_wait3A_33 : memref<256xi32, #tpu.memory_space<hbm>>) dst(%arg5 : memref<256xi32, #tpu.memory_space<vmem>>)
    %dma_start3A_34 = arith.constant 0 : i32
    %dma_start3A_35 = arith.constant 0 : i32
    %dma_start3A_36 = tpu.memref_slice %arg7[%dma_start3A_34, %dma_start3A_35] : memref<256x64xf32, #tpu.memory_space<vmem>> -> memref<128x64xf32, #tpu.memory_space<vmem>>
    %dma_start3A_37 = arith.constant 0 : i32
    %dma_start3A_38 = tpu.memref_slice %arg5[%dma_start3A_37] : memref<256xi32, #tpu.memory_space<vmem>> -> memref<128xi32, #tpu.memory_space<vmem>>
    %dma_start3A_39 = arith.constant 0 : i32
    %dma_start3A_40 = arith.constant 0 : i32
    %dma_start3A_41 = tpu.memref_slice %arg3[%dma_start3A_39, %dma_start3A_40] : memref<65536x64xf32, #tpu.memory_space<hbm>> -> memref<65536x64xf32, #tpu.memory_space<hbm>>
    tpu.enqueue_indirect_dma source(%dma_start3A_41 : memref<65536x64xf32, #tpu.memory_space<hbm>>) target(%dma_start3A_36 : memref<128x64xf32, #tpu.memory_space<vmem>>) offsets(%dma_start3A_38 : memref<128xi32, #tpu.memory_space<vmem>>) semaphore(%arg13 : memref<!tpu.dma_semaphore, #tpu.memory_space<semaphore_mem>>)
    %dma_start3A_42 = arith.constant 128 : i32
    %dma_start3A_43 = arith.constant 0 : i32
    %dma_start3A_44 = tpu.memref_slice %arg7[%dma_start3A_42, %dma_start3A_43] : memref<256x64xf32, #tpu.memory_space<vmem>> -> memref<128x64xf32, #tpu.memory_space<vmem>>
    %dma_start3A_45 = arith.constant 128 : i32
    %dma_start3A_46 = tpu.memref_slice %arg5[%dma_start3A_45] : memref<256xi32, #tpu.memory_space<vmem>> -> memref<128xi32, #tpu.memory_space<vmem>>
    %dma_start3A_47 = arith.constant 0 : i32
    %dma_start3A_48 = arith.constant 0 : i32
    %dma_start3A_49 = tpu.memref_slice %arg3[%dma_start3A_47, %dma_start3A_48] : memref<65536x64xf32, #tpu.memory_space<hbm>> -> memref<65536x64xf32, #tpu.memory_space<hbm>>
    tpu.enqueue_indirect_dma source(%dma_start3A_49 : memref<65536x64xf32, #tpu.memory_space<hbm>>) target(%dma_start3A_44 : memref<128x64xf32, #tpu.memory_space<vmem>>) offsets(%dma_start3A_46 : memref<128xi32, #tpu.memory_space<vmem>>) semaphore(%arg13 : memref<!tpu.dma_semaphore, #tpu.memory_space<semaphore_mem>>)
    %add3A_50 = arith.constant 256 : i32
    %add3A_51 = arith.addi %mul3A_2, %add3A_50 : i32
    %dma_start3A_52 = arith.constant 0 : i32
    %dma_start3A_53 = tpu.memref_slice %arg2[%dma_start3A_52, %add3A_51] : memref<200x16384xi32, #tpu.memory_space<hbm>> -> memref<1x256xi32, #tpu.memory_space<hbm>>
    %dma_start3A_54 = tpu.memref_squeeze %dma_start3A_53 : memref<1x256xi32, #tpu.memory_space<hbm>> -> memref<256xi32, #tpu.memory_space<hbm>>
    %dma_start3A_55 = tpu.memref_slice %arg2[%dma_start3A_52, %add3A_51] : memref<200x16384xi32, #tpu.memory_space<hbm>> -> memref<1x256xi32, #tpu.memory_space<hbm>>
    %dma_start3A_56 = tpu.memref_squeeze %dma_start3A_55 : memref<1x256xi32, #tpu.memory_space<hbm>> -> memref<256xi32, #tpu.memory_space<hbm>>
    tpu.enqueue_dma source(%dma_start3A_56 : memref<256xi32, #tpu.memory_space<hbm>>) target(%arg6 : memref<256xi32, #tpu.memory_space<vmem>>) target_semaphore(%arg12 : memref<!tpu.dma_semaphore, #tpu.memory_space<semaphore_mem>>)
    %dma_wait3A_57 = arith.constant 0 : i32
    %dma_wait3A_58 = arith.constant 0 : i32
    %dma_wait3A_59 = tpu.memref_slice %arg2[%dma_wait3A_57, %dma_wait3A_58] : memref<200x16384xi32, #tpu.memory_space<hbm>> -> memref<1x256xi32, #tpu.memory_space<hbm>>
    %dma_wait3A_60 = tpu.memref_squeeze %dma_wait3A_59 : memref<1x256xi32, #tpu.memory_space<hbm>> -> memref<256xi32, #tpu.memory_space<hbm>>
    %dma_wait3A_61 = arith.constant 0 : i32
    %dma_wait3A_62 = tpu.memref_slice %arg2[%dma_wait3A_57, %dma_wait3A_61] : memref<200x16384xi32, #tpu.memory_space<hbm>> -> memref<1x256xi32, #tpu.memory_space<hbm>>
    %dma_wait3A_63 = tpu.memref_squeeze %dma_wait3A_62 : memref<1x256xi32, #tpu.memory_space<hbm>> -> memref<256xi32, #tpu.memory_space<hbm>>
    tpu.wait_dma2 semaphore(%arg12 : memref<!tpu.dma_semaphore, #tpu.memory_space<semaphore_mem>>) src(%dma_wait3A_63 : memref<256xi32, #tpu.memory_space<hbm>>) dst(%arg6 : memref<256xi32, #tpu.memory_space<vmem>>)
    %dma_start3A_64 = arith.constant 0 : i32
    %dma_start3A_65 = arith.constant 0 : i32
    %dma_start3A_66 = tpu.memref_slice %arg8[%dma_start3A_64, %dma_start3A_65] : memref<256x64xf32, #tpu.memory_space<vmem>> -> memref<128x64xf32, #tpu.memory_space<vmem>>
    %dma_start3A_67 = arith.constant 0 : i32
    %dma_start3A_68 = tpu.memref_slice %arg6[%dma_start3A_67] : memref<256xi32, #tpu.memory_space<vmem>> -> memref<128xi32, #tpu.memory_space<vmem>>
    %dma_start3A_69 = arith.constant 0 : i32
    %dma_start3A_70 = arith.constant 0 : i32
    %dma_start3A_71 = tpu.memref_slice %arg3[%dma_start3A_69, %dma_start3A_70] : memref<65536x64xf32, #tpu.memory_space<hbm>> -> memref<65536x64xf32, #tpu.memory_space<hbm>>
    tpu.enqueue_indirect_dma source(%dma_start3A_71 : memref<65536x64xf32, #tpu.memory_space<hbm>>) target(%dma_start3A_66 : memref<128x64xf32, #tpu.memory_space<vmem>>) offsets(%dma_start3A_68 : memref<128xi32, #tpu.memory_space<vmem>>) semaphore(%arg14 : memref<!tpu.dma_semaphore, #tpu.memory_space<semaphore_mem>>)
    %dma_start3A_72 = arith.constant 128 : i32
    %dma_start3A_73 = arith.constant 0 : i32
    %dma_start3A_74 = tpu.memref_slice %arg8[%dma_start3A_72, %dma_start3A_73] : memref<256x64xf32, #tpu.memory_space<vmem>> -> memref<128x64xf32, #tpu.memory_space<vmem>>
    %dma_start3A_75 = arith.constant 128 : i32
    %dma_start3A_76 = tpu.memref_slice %arg6[%dma_start3A_75] : memref<256xi32, #tpu.memory_space<vmem>> -> memref<128xi32, #tpu.memory_space<vmem>>
    %dma_start3A_77 = arith.constant 0 : i32
    %dma_start3A_78 = arith.constant 0 : i32
    %dma_start3A_79 = tpu.memref_slice %arg3[%dma_start3A_77, %dma_start3A_78] : memref<65536x64xf32, #tpu.memory_space<hbm>> -> memref<65536x64xf32, #tpu.memory_space<hbm>>
    tpu.enqueue_indirect_dma source(%dma_start3A_79 : memref<65536x64xf32, #tpu.memory_space<hbm>>) target(%dma_start3A_74 : memref<128x64xf32, #tpu.memory_space<vmem>>) offsets(%dma_start3A_76 : memref<128xi32, #tpu.memory_space<vmem>>) semaphore(%arg14 : memref<!tpu.dma_semaphore, #tpu.memory_space<semaphore_mem>>)
    %dma_wait3A_80 = arith.constant 0 : i32
    %dma_wait3A_81 = arith.constant 0 : i32
    %dma_wait3A_82 = tpu.memref_slice %arg3[%dma_wait3A_80, %dma_wait3A_81] : memref<65536x64xf32, #tpu.memory_space<hbm>> -> memref<256x64xf32, #tpu.memory_space<hbm>>
    %dma_wait3A_83 = arith.constant 0 : i32
    %dma_wait3A_84 = arith.constant 0 : i32
    %dma_wait3A_85 = tpu.memref_slice %arg3[%dma_wait3A_83, %dma_wait3A_84] : memref<65536x64xf32, #tpu.memory_space<hbm>> -> memref<256x64xf32, #tpu.memory_space<hbm>>
    tpu.wait_dma2 semaphore(%arg13 : memref<!tpu.dma_semaphore, #tpu.memory_space<semaphore_mem>>) src(%dma_wait3A_85 : memref<256x64xf32, #tpu.memory_space<hbm>>) dst(%arg7 : memref<256x64xf32, #tpu.memory_space<vmem>>)
    %scan3A = arith.constant 0 : i32
    %scan3A_86 = arith.constant 0 : i32
    %scan3A_87 = arith.constant 64 : i32
    %scan3A_88 = arith.addi %scan3A_86, %scan3A_87 : i32
    %scan3A_89 = arith.constant 1 : i32
    scf.for %scan3A_377 = %scan3A_86 to %scan3A_88 step %scan3A_89  : i32 {
      %mul3A_378 = arith.constant 4 : i32
      %mul3A_379 = arith.muli %scan3A_377, %mul3A_378 : i32
      %add3A_380 = arith.constant 0 : i32
      %add3A_381 = arith.addi %mul3A_379, %add3A_380 : i32
      %shift_right_logical3A_382 = arith.constant 7 : i32
      %shift_right_logical3A_383 = arith.shrui %add3A_381, %shift_right_logical3A_382 : i32
      %add3A_384 = vector.broadcast %shift_right_logical3A_383 : i32 to vector<16xi32>
      %add3A_385 = arith.addi %broadcast_in_dim3A_21, %add3A_384 : vector<16xi32>
      %and3A_386 = arith.constant 127 : i32
      %and3A_387 = arith.andi %add3A_381, %and3A_386 : i32
      %add3A_388 = vector.broadcast %and3A_387 : i32 to vector<16xi32>
      %add3A_389 = arith.addi %broadcast_in_dim3A_21, %add3A_388 : vector<16xi32>
      %get3A = arith.index_cast %add3A_381 : i32 to index
      %get3A_390 = arith.constant 0 : index
      %get3A_391 = tpu.vector_load %arg7[%get3A, %get3A_390] {strides = array<i32>} : memref<256x64xf32, #tpu.memory_space<vmem>>, vector<16xf32>,
      tpu.vector_store_idx %arg9[%add3A_11, %add3A_385, %and3A_8, %add3A_389], %get3A_391 : memref<8x2x8x130xf32, #tpu.memory_space<vmem>>[vector<16xi32>, vector<16xi32>, vector<16xi32>, vector<16xi32>], vector<16xf32>,
      %get3A_392 = arith.index_cast %add3A_381 : i32 to index
      %get3A_393 = arith.constant 16 : index
      %get3A_394 = tpu.vector_load %arg7[%get3A_392, %get3A_393] {strides = array<i32>} : memref<256x64xf32, #tpu.memory_space<vmem>>, vector<16xf32>,
      tpu.vector_store_idx %arg9[%add3A_14, %add3A_385, %and3A_8, %add3A_389], %get3A_394 : memref<8x2x8x130xf32, #tpu.memory_space<vmem>>[vector<16xi32>, vector<16xi32>, vector<16xi32>, vector<16xi32>], vector<16xf32>,
      %get3A_395 = arith.index_cast %add3A_381 : i32 to index
      %get3A_396 = arith.constant 32 : index
      %get3A_397 = tpu.vector_load %arg7[%get3A_395, %get3A_396] {strides = array<i32>} : memref<256x64xf32, #tpu.memory_space<vmem>>, vector<16xf32>,
      tpu.vector_store_idx %arg9[%add3A_17, %add3A_385, %and3A_8, %add3A_389], %get3A_397 : memref<8x2x8x130xf32, #tpu.memory_space<vmem>>[vector<16xi32>, vector<16xi32>, vector<16xi32>, vector<16xi32>], vector<16xf32>,
      %get3A_398 = arith.index_cast %add3A_381 : i32 to index
      %get3A_399 = arith.constant 48 : index
      %get3A_400 = tpu.vector_load %arg7[%get3A_398, %get3A_399] {strides = array<i32>} : memref<256x64xf32, #tpu.memory_space<vmem>>, vector<16xf32>,
      tpu.vector_store_idx %arg9[%add3A_20, %add3A_385, %and3A_8, %add3A_389], %get3A_400 : memref<8x2x8x130xf32, #tpu.memory_space<vmem>>[vector<16xi32>, vector<16xi32>, vector<16xi32>, vector<16xi32>], vector<16xf32>,
      %add3A_401 = arith.constant 1 : i32
      %add3A_402 = arith.addi %mul3A_379, %add3A_401 : i32
      %shift_right_logical3A_403 = arith.constant 7 : i32
      %shift_right_logical3A_404 = arith.shrui %add3A_402, %shift_right_logical3A_403 : i32
      %add3A_405 = vector.broadcast %shift_right_logical3A_404 : i32 to vector<16xi32>
      %add3A_406 = arith.addi %broadcast_in_dim3A_21, %add3A_405 : vector<16xi32>
      %and3A_407 = arith.constant 127 : i32
      %and3A_408 = arith.andi %add3A_402, %and3A_407 : i32
      %add3A_409 = vector.broadcast %and3A_408 : i32 to vector<16xi32>
      %add3A_410 = arith.addi %broadcast_in_dim3A_21, %add3A_409 : vector<16xi32>
      %get3A_411 = arith.index_cast %add3A_402 : i32 to index
      %get3A_412 = arith.constant 0 : index
      %get3A_413 = tpu.vector_load %arg7[%get3A_411, %get3A_412] {strides = array<i32>} : memref<256x64xf32, #tpu.memory_space<vmem>>, vector<16xf32>,
      tpu.vector_store_idx %arg9[%add3A_11, %add3A_406, %and3A_8, %add3A_410], %get3A_413 : memref<8x2x8x130xf32, #tpu.memory_space<vmem>>[vector<16xi32>, vector<16xi32>, vector<16xi32>, vector<16xi32>], vector<16xf32>,
      %get3A_414 = arith.index_cast %add3A_402 : i32 to index
      %get3A_415 = arith.constant 16 : index
      %get3A_416 = tpu.vector_load %arg7[%get3A_414, %get3A_415] {strides = array<i32>} : memref<256x64xf32, #tpu.memory_space<vmem>>, vector<16xf32>,
      tpu.vector_store_idx %arg9[%add3A_14, %add3A_406, %and3A_8, %add3A_410], %get3A_416 : memref<8x2x8x130xf32, #tpu.memory_space<vmem>>[vector<16xi32>, vector<16xi32>, vector<16xi32>, vector<16xi32>], vector<16xf32>,
      %get3A_417 = arith.index_cast %add3A_402 : i32 to index
      %get3A_418 = arith.constant 32 : index
      %get3A_419 = tpu.vector_load %arg7[%get3A_417, %get3A_418] {strides = array<i32>} : memref<256x64xf32, #tpu.memory_space<vmem>>, vector<16xf32>,
      tpu.vector_store_idx %arg9[%add3A_17, %add3A_406, %and3A_8, %add3A_410], %get3A_419 : memref<8x2x8x130xf32, #tpu.memory_space<vmem>>[vector<16xi32>, vector<16xi32>, vector<16xi32>, vector<16xi32>], vector<16xf32>,
      %get3A_420 = arith.index_cast %add3A_402 : i32 to index
      %get3A_421 = arith.constant 48 : index
      %get3A_422 = tpu.vector_load %arg7[%get3A_420, %get3A_421] {strides = array<i32>} : memref<256x64xf32, #tpu.memory_space<vmem>>, vector<16xf32>,
      tpu.vector_store_idx %arg9[%add3A_20, %add3A_406, %and3A_8, %add3A_410], %get3A_422 : memref<8x2x8x130xf32, #tpu.memory_space<vmem>>[vector<16xi32>, vector<16xi32>, vector<16xi32>, vector<16xi32>], vector<16xf32>,
      %add3A_423 = arith.constant 2 : i32
      %add3A_424 = arith.addi %mul3A_379, %add3A_423 : i32
      %shift_right_logical3A_425 = arith.constant 7 : i32
      %shift_right_logical3A_426 = arith.shrui %add3A_424, %shift_right_logical3A_425 : i32
      %add3A_427 = vector.broadcast %shift_right_logical3A_426 : i32 to vector<16xi32>
      %add3A_428 = arith.addi %broadcast_in_dim3A_21, %add3A_427 : vector<16xi32>
      %and3A_429 = arith.constant 127 : i32
      %and3A_430 = arith.andi %add3A_424, %and3A_429 : i32
      %add3A_431 = vector.broadcast %and3A_430 : i32 to vector<16xi32>
      %add3A_432 = arith.addi %broadcast_in_dim3A_21, %add3A_431 : vector<16xi32>
      %get3A_433 = arith.index_cast %add3A_424 : i32 to index
      %get3A_434 = arith.constant 0 : index
      %get3A_435 = tpu.vector_load %arg7[%get3A_433, %get3A_434] {strides = array<i32>} : memref<256x64xf32, #tpu.memory_space<vmem>>, vector<16xf32>,
      tpu.vector_store_idx %arg9[%add3A_11, %add3A_428, %and3A_8, %add3A_432], %get3A_435 : memref<8x2x8x130xf32, #tpu.memory_space<vmem>>[vector<16xi32>, vector<16xi32>, vector<16xi32>, vector<16xi32>], vector<16xf32>,
      %get3A_436 = arith.index_cast %add3A_424 : i32 to index
      %get3A_437 = arith.constant 16 : index
      %get3A_438 = tpu.vector_load %arg7[%get3A_436, %get3A_437] {strides = array<i32>} : memref<256x64xf32, #tpu.memory_space<vmem>>, vector<16xf32>,
      tpu.vector_store_idx %arg9[%add3A_14, %add3A_428, %and3A_8, %add3A_432], %get3A_438 : memref<8x2x8x130xf32, #tpu.memory_space<vmem>>[vector<16xi32>, vector<16xi32>, vector<16xi32>, vector<16xi32>], vector<16xf32>,
      %get3A_439 = arith.index_cast %add3A_424 : i32 to index
      %get3A_440 = arith.constant 32 : index
      %get3A_441 = tpu.vector_load %arg7[%get3A_439, %get3A_440] {strides = array<i32>} : memref<256x64xf32, #tpu.memory_space<vmem>>, vector<16xf32>,
      tpu.vector_store_idx %arg9[%add3A_17, %add3A_428, %and3A_8, %add3A_432], %get3A_441 : memref<8x2x8x130xf32, #tpu.memory_space<vmem>>[vector<16xi32>, vector<16xi32>, vector<16xi32>, vector<16xi32>], vector<16xf32>,
      %get3A_442 = arith.index_cast %add3A_424 : i32 to index
      %get3A_443 = arith.constant 48 : index
      %get3A_444 = tpu.vector_load %arg7[%get3A_442, %get3A_443] {strides = array<i32>} : memref<256x64xf32, #tpu.memory_space<vmem>>, vector<16xf32>,
      tpu.vector_store_idx %arg9[%add3A_20, %add3A_428, %and3A_8, %add3A_432], %get3A_444 : memref<8x2x8x130xf32, #tpu.memory_space<vmem>>[vector<16xi32>, vector<16xi32>, vector<16xi32>, vector<16xi32>], vector<16xf32>,
      %add3A_445 = arith.constant 3 : i32
      %add3A_446 = arith.addi %mul3A_379, %add3A_445 : i32
      %shift_right_logical3A_447 = arith.constant 7 : i32
      %shift_right_logical3A_448 = arith.shrui %add3A_446, %shift_right_logical3A_447 : i32
      %add3A_449 = vector.broadcast %shift_right_logical3A_448 : i32 to vector<16xi32>
      %add3A_450 = arith.addi %broadcast_in_dim3A_21, %add3A_449 : vector<16xi32>
      %and3A_451 = arith.constant 127 : i32
      %and3A_452 = arith.andi %add3A_446, %and3A_451 : i32
      %add3A_453 = vector.broadcast %and3A_452 : i32 to vector<16xi32>
      %add3A_454 = arith.addi %broadcast_in_dim3A_21, %add3A_453 : vector<16xi32>
      %get3A_455 = arith.index_cast %add3A_446 : i32 to index
      %get3A_456 = arith.constant 0 : index
      %get3A_457 = tpu.vector_load %arg7[%get3A_455, %get3A_456] {strides = array<i32>} : memref<256x64xf32, #tpu.memory_space<vmem>>, vector<16xf32>,
      tpu.vector_store_idx %arg9[%add3A_11, %add3A_450, %and3A_8, %add3A_454], %get3A_457 : memref<8x2x8x130xf32, #tpu.memory_space<vmem>>[vector<16xi32>, vector<16xi32>, vector<16xi32>, vector<16xi32>], vector<16xf32>,
      %get3A_458 = arith.index_cast %add3A_446 : i32 to index
      %get3A_459 = arith.constant 16 : index
      %get3A_460 = tpu.vector_load %arg7[%get3A_458, %get3A_459] {strides = array<i32>} : memref<256x64xf32, #tpu.memory_space<vmem>>, vector<16xf32>,
      tpu.vector_store_idx %arg9[%add3A_14, %add3A_450, %and3A_8, %add3A_454], %get3A_460 : memref<8x2x8x130xf32, #tpu.memory_space<vmem>>[vector<16xi32>, vector<16xi32>, vector<16xi32>, vector<16xi32>], vector<16xf32>,
      %get3A_461 = arith.index_cast %add3A_446 : i32 to index
      %get3A_462 = arith.constant 32 : index
      %get3A_463 = tpu.vector_load %arg7[%get3A_461, %get3A_462] {strides = array<i32>} : memref<256x64xf32, #tpu.memory_space<vmem>>, vector<16xf32>,
      tpu.vector_store_idx %arg9[%add3A_17, %add3A_450, %and3A_8, %add3A_454], %get3A_463 : memref<8x2x8x130xf32, #tpu.memory_space<vmem>>[vector<16xi32>, vector<16xi32>, vector<16xi32>, vector<16xi32>], vector<16xf32>,
      %get3A_464 = arith.index_cast %add3A_446 : i32 to index
      %get3A_465 = arith.constant 48 : index
      %get3A_466 = tpu.vector_load %arg7[%get3A_464, %get3A_465] {strides = array<i32>} : memref<256x64xf32, #tpu.memory_space<vmem>>, vector<16xf32>,
      tpu.vector_store_idx %arg9[%add3A_20, %add3A_450, %and3A_8, %add3A_454], %get3A_466 : memref<8x2x8x130xf32, #tpu.memory_space<vmem>>[vector<16xi32>, vector<16xi32>, vector<16xi32>, vector<16xi32>], vector<16xf32>,
    }
    %scan3A_90 = arith.constant 64 : i32
    %add3A_91 = arith.constant 0 : i32
    %add3A_92 = arith.addi %mul3A_4, %add3A_91 : i32
    %dma_start3A_93 = arith.constant 0 : i32
    %dma_start3A_94 = arith.constant 0 : i32
    %dma_start3A_95 = arith.constant 0 : i32
    %dma_start3A_96 = arith.constant 0 : i32
    %dma_start3A_97 = arith.constant 0 : i32
    %dma_start3A_98 = tpu.memref_slice %arg9[%dma_start3A_94, %dma_start3A_95, %dma_start3A_96, %dma_start3A_97] : memref<8x2x8x130xf32, #tpu.memory_space<vmem>> -> memref<8x2x8x128xf32, #tpu.memory_space<vmem>>
    %dma_start3A_99 = arith.constant 0 : i32
    %dma_start3A_100 = arith.constant 0 : i32
    %dma_start3A_101 = arith.constant 0 : i32
    %dma_start3A_102 = tpu.memref_slice %arg4[%dma_start3A_93, %dma_start3A_99, %add3A_92, %dma_start3A_100, %dma_start3A_101] : memref<200x8x128x8x128xf32, #tpu.memory_space<hbm>> -> memref<1x8x2x8x128xf32, #tpu.memory_space<hbm>>
    %dma_start3A_103 = tpu.memref_squeeze %dma_start3A_102 : memref<1x8x2x8x128xf32, #tpu.memory_space<hbm>> -> memref<8x2x8x128xf32, #tpu.memory_space<hbm>>
    %dma_start3A_104 = arith.constant 0 : i32
    %dma_start3A_105 = arith.constant 0 : i32
    %dma_start3A_106 = arith.constant 0 : i32
    %dma_start3A_107 = tpu.memref_slice %arg4[%dma_start3A_93, %dma_start3A_104, %add3A_92, %dma_start3A_105, %dma_start3A_106] : memref<200x8x128x8x128xf32, #tpu.memory_space<hbm>> -> memref<1x8x2x8x128xf32, #tpu.memory_space<hbm>>
    %dma_start3A_108 = tpu.memref_squeeze %dma_start3A_107 : memref<1x8x2x8x128xf32, #tpu.memory_space<hbm>> -> memref<8x2x8x128xf32, #tpu.memory_space<hbm>>
    %dma_start3A_109 = arith.constant 0 : i32
    %dma_start3A_110 = arith.constant 0 : i32
    %dma_start3A_111 = arith.constant 0 : i32
    %dma_start3A_112 = arith.constant 0 : i32
    %dma_start3A_113 = tpu.memref_slice %arg9[%dma_start3A_109, %dma_start3A_110, %dma_start3A_111, %dma_start3A_112] : memref<8x2x8x130xf32, #tpu.memory_space<vmem>> -> memref<8x2x8x128xf32, #tpu.memory_space<vmem>>
    tpu.enqueue_dma source(%dma_start3A_113 : memref<8x2x8x128xf32, #tpu.memory_space<vmem>>) target(%dma_start3A_108 : memref<8x2x8x128xf32, #tpu.memory_space<hbm>>) target_semaphore(%arg15 : memref<!tpu.dma_semaphore, #tpu.memory_space<semaphore_mem>>)
    %add3A_114 = arith.constant 0 : i32
    %add3A_115 = arith.addi %mul3A_2, %add3A_114 : i32
    %dma_start3A_116 = arith.constant 1 : i32
    %dma_start3A_117 = tpu.memref_slice %arg2[%dma_start3A_116, %add3A_115] : memref<200x16384xi32, #tpu.memory_space<hbm>> -> memref<1x256xi32, #tpu.memory_space<hbm>>
    %dma_start3A_118 = tpu.memref_squeeze %dma_start3A_117 : memref<1x256xi32, #tpu.memory_space<hbm>> -> memref<256xi32, #tpu.memory_space<hbm>>
    %dma_start3A_119 = tpu.memref_slice %arg2[%dma_start3A_116, %add3A_115] : memref<200x16384xi32, #tpu.memory_space<hbm>> -> memref<1x256xi32, #tpu.memory_space<hbm>>
    %dma_start3A_120 = tpu.memref_squeeze %dma_start3A_119 : memref<1x256xi32, #tpu.memory_space<hbm>> -> memref<256xi32, #tpu.memory_space<hbm>>
    tpu.enqueue_dma source(%dma_start3A_120 : memref<256xi32, #tpu.memory_space<hbm>>) target(%arg5 : memref<256xi32, #tpu.memory_space<vmem>>) target_semaphore(%arg11 : memref<!tpu.dma_semaphore, #tpu.memory_space<semaphore_mem>>)
    %scan3A_121 = arith.constant 0 : i32
    %scan3A_122 = arith.constant 1 : i32
    %scan3A_123 = arith.constant 198 : i32
    %scan3A_124 = arith.addi %scan3A_122, %scan3A_123 : i32
    %scan3A_125 = arith.constant 1 : i32
    scf.for %scan3A_377 = %scan3A_122 to %scan3A_124 step %scan3A_125  : i32 {
      %mul3A_378 = arith.constant 2 : i32
      %mul3A_379 = arith.muli %mul3A_378, %scan3A_377 : i32
      %dma_wait3A_380 = arith.constant 0 : i32
      %dma_wait3A_381 = arith.constant 0 : i32
      %dma_wait3A_382 = arith.constant 0 : i32
      %dma_wait3A_383 = arith.constant 0 : i32
      %dma_wait3A_384 = arith.constant 0 : i32
      %dma_wait3A_385 = tpu.memref_slice %arg9[%dma_wait3A_381, %dma_wait3A_382, %dma_wait3A_383, %dma_wait3A_384] : memref<8x2x8x130xf32, #tpu.memory_space<vmem>> -> memref<8x2x8x128xf32, #tpu.memory_space<vmem>>
      %dma_wait3A_386 = arith.constant 0 : i32
      %dma_wait3A_387 = arith.constant 0 : i32
      %dma_wait3A_388 = arith.constant 0 : i32
      %dma_wait3A_389 = arith.constant 0 : i32
      %dma_wait3A_390 = tpu.memref_slice %arg4[%dma_wait3A_380, %dma_wait3A_386, %dma_wait3A_387, %dma_wait3A_388, %dma_wait3A_389] : memref<200x8x128x8x128xf32, #tpu.memory_space<hbm>> -> memref<1x8x2x8x128xf32, #tpu.memory_space<hbm>>
      %dma_wait3A_391 = tpu.memref_squeeze %dma_wait3A_390 : memref<1x8x2x8x128xf32, #tpu.memory_space<hbm>> -> memref<8x2x8x128xf32, #tpu.memory_space<hbm>>
      %dma_wait3A_392 = arith.constant 0 : i32
      %dma_wait3A_393 = arith.constant 0 : i32
      %dma_wait3A_394 = arith.constant 0 : i32
      %dma_wait3A_395 = arith.constant 0 : i32
      %dma_wait3A_396 = tpu.memref_slice %arg4[%dma_wait3A_380, %dma_wait3A_392, %dma_wait3A_393, %dma_wait3A_394, %dma_wait3A_395] : memref<200x8x128x8x128xf32, #tpu.memory_space<hbm>> -> memref<1x8x2x8x128xf32, #tpu.memory_space<hbm>>
      %dma_wait3A_397 = tpu.memref_squeeze %dma_wait3A_396 : memref<1x8x2x8x128xf32, #tpu.memory_space<hbm>> -> memref<8x2x8x128xf32, #tpu.memory_space<hbm>>
      %dma_wait3A_398 = arith.constant 0 : i32
      %dma_wait3A_399 = arith.constant 0 : i32
      %dma_wait3A_400 = arith.constant 0 : i32
      %dma_wait3A_401 = arith.constant 0 : i32
      %dma_wait3A_402 = tpu.memref_slice %arg9[%dma_wait3A_398, %dma_wait3A_399, %dma_wait3A_400, %dma_wait3A_401] : memref<8x2x8x130xf32, #tpu.memory_space<vmem>> -> memref<8x2x8x128xf32, #tpu.memory_space<vmem>>
      tpu.wait_dma2 semaphore(%arg15 : memref<!tpu.dma_semaphore, #tpu.memory_space<semaphore_mem>>) src(%dma_wait3A_402 : memref<8x2x8x128xf32, #tpu.memory_space<vmem>>) dst(%dma_wait3A_397 : memref<8x2x8x128xf32, #tpu.memory_space<hbm>>)
      %dma_wait3A_403 = arith.constant 0 : i32
      %dma_wait3A_404 = arith.constant 0 : i32
      %dma_wait3A_405 = tpu.memref_slice %arg2[%dma_wait3A_403, %dma_wait3A_404] : memref<200x16384xi32, #tpu.memory_space<hbm>> -> memref<1x256xi32, #tpu.memory_space<hbm>>
      %dma_wait3A_406 = tpu.memref_squeeze %dma_wait3A_405 : memref<1x256xi32, #tpu.memory_space<hbm>> -> memref<256xi32, #tpu.memory_space<hbm>>
      %dma_wait3A_407 = arith.constant 0 : i32
      %dma_wait3A_408 = tpu.memref_slice %arg2[%dma_wait3A_403, %dma_wait3A_407] : memref<200x16384xi32, #tpu.memory_space<hbm>> -> memref<1x256xi32, #tpu.memory_space<hbm>>
      %dma_wait3A_409 = tpu.memref_squeeze %dma_wait3A_408 : memref<1x256xi32, #tpu.memory_space<hbm>> -> memref<256xi32, #tpu.memory_space<hbm>>
      tpu.wait_dma2 semaphore(%arg11 : memref<!tpu.dma_semaphore, #tpu.memory_space<semaphore_mem>>) src(%dma_wait3A_409 : memref<256xi32, #tpu.memory_space<hbm>>) dst(%arg5 : memref<256xi32, #tpu.memory_space<vmem>>)
      %dma_start3A_410 = arith.constant 0 : i32
      %dma_start3A_411 = arith.constant 0 : i32
      %dma_start3A_412 = tpu.memref_slice %arg7[%dma_start3A_410, %dma_start3A_411] : memref<256x64xf32, #tpu.memory_space<vmem>> -> memref<128x64xf32, #tpu.memory_space<vmem>>
      %dma_start3A_413 = arith.constant 0 : i32
      %dma_start3A_414 = tpu.memref_slice %arg5[%dma_start3A_413] : memref<256xi32, #tpu.memory_space<vmem>> -> memref<128xi32, #tpu.memory_space<vmem>>
      %dma_start3A_415 = arith.constant 0 : i32
      %dma_start3A_416 = arith.constant 0 : i32
      %dma_start3A_417 = tpu.memref_slice %arg3[%dma_start3A_415, %dma_start3A_416] : memref<65536x64xf32, #tpu.memory_space<hbm>> -> memref<65536x64xf32, #tpu.memory_space<hbm>>
      tpu.enqueue_indirect_dma source(%dma_start3A_417 : memref<65536x64xf32, #tpu.memory_space<hbm>>) target(%dma_start3A_412 : memref<128x64xf32, #tpu.memory_space<vmem>>) offsets(%dma_start3A_414 : memref<128xi32, #tpu.memory_space<vmem>>) semaphore(%arg13 : memref<!tpu.dma_semaphore, #tpu.memory_space<semaphore_mem>>)
      %dma_start3A_418 = arith.constant 128 : i32
      %dma_start3A_419 = arith.constant 0 : i32
      %dma_start3A_420 = tpu.memref_slice %arg7[%dma_start3A_418, %dma_start3A_419] : memref<256x64xf32, #tpu.memory_space<vmem>> -> memref<128x64xf32, #tpu.memory_space<vmem>>
      %dma_start3A_421 = arith.constant 128 : i32
      %dma_start3A_422 = tpu.memref_slice %arg5[%dma_start3A_421] : memref<256xi32, #tpu.memory_space<vmem>> -> memref<128xi32, #tpu.memory_space<vmem>>
      %dma_start3A_423 = arith.constant 0 : i32
      %dma_start3A_424 = arith.constant 0 : i32
      %dma_start3A_425 = tpu.memref_slice %arg3[%dma_start3A_423, %dma_start3A_424] : memref<65536x64xf32, #tpu.memory_space<hbm>> -> memref<65536x64xf32, #tpu.memory_space<hbm>>
      tpu.enqueue_indirect_dma source(%dma_start3A_425 : memref<65536x64xf32, #tpu.memory_space<hbm>>) target(%dma_start3A_420 : memref<128x64xf32, #tpu.memory_space<vmem>>) offsets(%dma_start3A_422 : memref<128xi32, #tpu.memory_space<vmem>>) semaphore(%arg13 : memref<!tpu.dma_semaphore, #tpu.memory_space<semaphore_mem>>)
      %dma_wait3A_426 = arith.constant 0 : i32
      %dma_wait3A_427 = arith.constant 0 : i32
      %dma_wait3A_428 = tpu.memref_slice %arg3[%dma_wait3A_426, %dma_wait3A_427] : memref<65536x64xf32, #tpu.memory_space<hbm>> -> memref<256x64xf32, #tpu.memory_space<hbm>>
      %dma_wait3A_429 = arith.constant 0 : i32
      %dma_wait3A_430 = arith.constant 0 : i32
      %dma_wait3A_431 = tpu.memref_slice %arg3[%dma_wait3A_429, %dma_wait3A_430] : memref<65536x64xf32, #tpu.memory_space<hbm>> -> memref<256x64xf32, #tpu.memory_space<hbm>>
      tpu.wait_dma2 semaphore(%arg14 : memref<!tpu.dma_semaphore, #tpu.memory_space<semaphore_mem>>) src(%dma_wait3A_431 : memref<256x64xf32, #tpu.memory_space<hbm>>) dst(%arg8 : memref<256x64xf32, #tpu.memory_space<vmem>>)
      %scan3A_432 = arith.constant 0 : i32
      %scan3A_433 = arith.constant 0 : i32
      %scan3A_434 = arith.constant 64 : i32
      %scan3A_435 = arith.addi %scan3A_433, %scan3A_434 : i32
      %scan3A_436 = arith.constant 1 : i32
      scf.for %scan3A_717 = %scan3A_433 to %scan3A_435 step %scan3A_436  : i32 {
        %mul3A_718 = arith.constant 4 : i32
        %mul3A_719 = arith.muli %scan3A_717, %mul3A_718 : i32
        %add3A_720 = arith.constant 0 : i32
        %add3A_721 = arith.addi %mul3A_719, %add3A_720 : i32
        %shift_right_logical3A_722 = arith.constant 7 : i32
        %shift_right_logical3A_723 = arith.shrui %add3A_721, %shift_right_logical3A_722 : i32
        %add3A_724 = vector.broadcast %shift_right_logical3A_723 : i32 to vector<16xi32>
        %add3A_725 = arith.addi %broadcast_in_dim3A_21, %add3A_724 : vector<16xi32>
        %and3A_726 = arith.constant 127 : i32
        %and3A_727 = arith.andi %add3A_721, %and3A_726 : i32
        %add3A_728 = vector.broadcast %and3A_727 : i32 to vector<16xi32>
        %add3A_729 = arith.addi %broadcast_in_dim3A_21, %add3A_728 : vector<16xi32>
        %get3A = arith.index_cast %add3A_721 : i32 to index
        %get3A_730 = arith.constant 0 : index
        %get3A_731 = tpu.vector_load %arg8[%get3A, %get3A_730] {strides = array<i32>} : memref<256x64xf32, #tpu.memory_space<vmem>>, vector<16xf32>,
        tpu.vector_store_idx %arg10[%add3A_11, %add3A_725, %and3A_8, %add3A_729], %get3A_731 : memref<8x2x8x130xf32, #tpu.memory_space<vmem>>[vector<16xi32>, vector<16xi32>, vector<16xi32>, vector<16xi32>], vector<16xf32>,
        %get3A_732 = arith.index_cast %add3A_721 : i32 to index
        %get3A_733 = arith.constant 16 : index
        %get3A_734 = tpu.vector_load %arg8[%get3A_732, %get3A_733] {strides = array<i32>} : memref<256x64xf32, #tpu.memory_space<vmem>>, vector<16xf32>,
        tpu.vector_store_idx %arg10[%add3A_14, %add3A_725, %and3A_8, %add3A_729], %get3A_734 : memref<8x2x8x130xf32, #tpu.memory_space<vmem>>[vector<16xi32>, vector<16xi32>, vector<16xi32>, vector<16xi32>], vector<16xf32>,
        %get3A_735 = arith.index_cast %add3A_721 : i32 to index
        %get3A_736 = arith.constant 32 : index
        %get3A_737 = tpu.vector_load %arg8[%get3A_735, %get3A_736] {strides = array<i32>} : memref<256x64xf32, #tpu.memory_space<vmem>>, vector<16xf32>,
        tpu.vector_store_idx %arg10[%add3A_17, %add3A_725, %and3A_8, %add3A_729], %get3A_737 : memref<8x2x8x130xf32, #tpu.memory_space<vmem>>[vector<16xi32>, vector<16xi32>, vector<16xi32>, vector<16xi32>], vector<16xf32>,
        %get3A_738 = arith.index_cast %add3A_721 : i32 to index
        %get3A_739 = arith.constant 48 : index
        %get3A_740 = tpu.vector_load %arg8[%get3A_738, %get3A_739] {strides = array<i32>} : memref<256x64xf32, #tpu.memory_space<vmem>>, vector<16xf32>,
        tpu.vector_store_idx %arg10[%add3A_20, %add3A_725, %and3A_8, %add3A_729], %get3A_740 : memref<8x2x8x130xf32, #tpu.memory_space<vmem>>[vector<16xi32>, vector<16xi32>, vector<16xi32>, vector<16xi32>], vector<16xf32>,
        %add3A_741 = arith.constant 1 : i32
        %add3A_742 = arith.addi %mul3A_719, %add3A_741 : i32
        %shift_right_logical3A_743 = arith.constant 7 : i32
        %shift_right_logical3A_744 = arith.shrui %add3A_742, %shift_right_logical3A_743 : i32
        %add3A_745 = vector.broadcast %shift_right_logical3A_744 : i32 to vector<16xi32>
        %add3A_746 = arith.addi %broadcast_in_dim3A_21, %add3A_745 : vector<16xi32>
        %and3A_747 = arith.constant 127 : i32
        %and3A_748 = arith.andi %add3A_742, %and3A_747 : i32
        %add3A_749 = vector.broadcast %and3A_748 : i32 to vector<16xi32>
        %add3A_750 = arith.addi %broadcast_in_dim3A_21, %add3A_749 : vector<16xi32>
        %get3A_751 = arith.index_cast %add3A_742 : i32 to index
        %get3A_752 = arith.constant 0 : index
        %get3A_753 = tpu.vector_load %arg8[%get3A_751, %get3A_752] {strides = array<i32>} : memref<256x64xf32, #tpu.memory_space<vmem>>, vector<16xf32>,
        tpu.vector_store_idx %arg10[%add3A_11, %add3A_746, %and3A_8, %add3A_750], %get3A_753 : memref<8x2x8x130xf32, #tpu.memory_space<vmem>>[vector<16xi32>, vector<16xi32>, vector<16xi32>, vector<16xi32>], vector<16xf32>,
        %get3A_754 = arith.index_cast %add3A_742 : i32 to index
        %get3A_755 = arith.constant 16 : index
        %get3A_756 = tpu.vector_load %arg8[%get3A_754, %get3A_755] {strides = array<i32>} : memref<256x64xf32, #tpu.memory_space<vmem>>, vector<16xf32>,
        tpu.vector_store_idx %arg10[%add3A_14, %add3A_746, %and3A_8, %add3A_750], %get3A_756 : memref<8x2x8x130xf32, #tpu.memory_space<vmem>>[vector<16xi32>, vector<16xi32>, vector<16xi32>, vector<16xi32>], vector<16xf32>,
        %get3A_757 = arith.index_cast %add3A_742 : i32 to index
        %get3A_758 = arith.constant 32 : index
        %get3A_759 = tpu.vector_load %arg8[%get3A_757, %get3A_758] {strides = array<i32>} : memref<256x64xf32, #tpu.memory_space<vmem>>, vector<16xf32>,
        tpu.vector_store_idx %arg10[%add3A_17, %add3A_746, %and3A_8, %add3A_750], %get3A_759 : memref<8x2x8x130xf32, #tpu.memory_space<vmem>>[vector<16xi32>, vector<16xi32>, vector<16xi32>, vector<16xi32>], vector<16xf32>,
        %get3A_760 = arith.index_cast %add3A_742 : i32 to index
        %get3A_761 = arith.constant 48 : index
        %get3A_762 = tpu.vector_load %arg8[%get3A_760, %get3A_761] {strides = array<i32>} : memref<256x64xf32, #tpu.memory_space<vmem>>, vector<16xf32>,
        tpu.vector_store_idx %arg10[%add3A_20, %add3A_746, %and3A_8, %add3A_750], %get3A_762 : memref<8x2x8x130xf32, #tpu.memory_space<vmem>>[vector<16xi32>, vector<16xi32>, vector<16xi32>, vector<16xi32>], vector<16xf32>,
        %add3A_763 = arith.constant 2 : i32
        %add3A_764 = arith.addi %mul3A_719, %add3A_763 : i32
        %shift_right_logical3A_765 = arith.constant 7 : i32
        %shift_right_logical3A_766 = arith.shrui %add3A_764, %shift_right_logical3A_765 : i32
        %add3A_767 = vector.broadcast %shift_right_logical3A_766 : i32 to vector<16xi32>
        %add3A_768 = arith.addi %broadcast_in_dim3A_21, %add3A_767 : vector<16xi32>
        %and3A_769 = arith.constant 127 : i32
        %and3A_770 = arith.andi %add3A_764, %and3A_769 : i32
        %add3A_771 = vector.broadcast %and3A_770 : i32 to vector<16xi32>
        %add3A_772 = arith.addi %broadcast_in_dim3A_21, %add3A_771 : vector<16xi32>
        %get3A_773 = arith.index_cast %add3A_764 : i32 to index
        %get3A_774 = arith.constant 0 : index
        %get3A_775 = tpu.vector_load %arg8[%get3A_773, %get3A_774] {strides = array<i32>} : memref<256x64xf32, #tpu.memory_space<vmem>>, vector<16xf32>,
        tpu.vector_store_idx %arg10[%add3A_11, %add3A_768, %and3A_8, %add3A_772], %get3A_775 : memref<8x2x8x130xf32, #tpu.memory_space<vmem>>[vector<16xi32>, vector<16xi32>, vector<16xi32>, vector<16xi32>], vector<16xf32>,
        %get3A_776 = arith.index_cast %add3A_764 : i32 to index
        %get3A_777 = arith.constant 16 : index
        %get3A_778 = tpu.vector_load %arg8[%get3A_776, %get3A_777] {strides = array<i32>} : memref<256x64xf32, #tpu.memory_space<vmem>>, vector<16xf32>,
        tpu.vector_store_idx %arg10[%add3A_14, %add3A_768, %and3A_8, %add3A_772], %get3A_778 : memref<8x2x8x130xf32, #tpu.memory_space<vmem>>[vector<16xi32>, vector<16xi32>, vector<16xi32>, vector<16xi32>], vector<16xf32>,
        %get3A_779 = arith.index_cast %add3A_764 : i32 to index
        %get3A_780 = arith.constant 32 : index
        %get3A_781 = tpu.vector_load %arg8[%get3A_779, %get3A_780] {strides = array<i32>} : memref<256x64xf32, #tpu.memory_space<vmem>>, vector<16xf32>,
        tpu.vector_store_idx %arg10[%add3A_17, %add3A_768, %and3A_8, %add3A_772], %get3A_781 : memref<8x2x8x130xf32, #tpu.memory_space<vmem>>[vector<16xi32>, vector<16xi32>, vector<16xi32>, vector<16xi32>], vector<16xf32>,
        %get3A_782 = arith.index_cast %add3A_764 : i32 to index
        %get3A_783 = arith.constant 48 : index
        %get3A_784 = tpu.vector_load %arg8[%get3A_782, %get3A_783] {strides = array<i32>} : memref<256x64xf32, #tpu.memory_space<vmem>>, vector<16xf32>,
        tpu.vector_store_idx %arg10[%add3A_20, %add3A_768, %and3A_8, %add3A_772], %get3A_784 : memref<8x2x8x130xf32, #tpu.memory_space<vmem>>[vector<16xi32>, vector<16xi32>, vector<16xi32>, vector<16xi32>], vector<16xf32>,
        %add3A_785 = arith.constant 3 : i32
        %add3A_786 = arith.addi %mul3A_719, %add3A_785 : i32
        %shift_right_logical3A_787 = arith.constant 7 : i32
        %shift_right_logical3A_788 = arith.shrui %add3A_786, %shift_right_logical3A_787 : i32
        %add3A_789 = vector.broadcast %shift_right_logical3A_788 : i32 to vector<16xi32>
        %add3A_790 = arith.addi %broadcast_in_dim3A_21, %add3A_789 : vector<16xi32>
        %and3A_791 = arith.constant 127 : i32
        %and3A_792 = arith.andi %add3A_786, %and3A_791 : i32
        %add3A_793 = vector.broadcast %and3A_792 : i32 to vector<16xi32>
        %add3A_794 = arith.addi %broadcast_in_dim3A_21, %add3A_793 : vector<16xi32>
        %get3A_795 = arith.index_cast %add3A_786 : i32 to index
        %get3A_796 = arith.constant 0 : index
        %get3A_797 = tpu.vector_load %arg8[%get3A_795, %get3A_796] {strides = array<i32>} : memref<256x64xf32, #tpu.memory_space<vmem>>, vector<16xf32>,
        tpu.vector_store_idx %arg10[%add3A_11, %add3A_790, %and3A_8, %add3A_794], %get3A_797 : memref<8x2x8x130xf32, #tpu.memory_space<vmem>>[vector<16xi32>, vector<16xi32>, vector<16xi32>, vector<16xi32>], vector<16xf32>,
        %get3A_798 = arith.index_cast %add3A_786 : i32 to index
        %get3A_799 = arith.constant 16 : index
        %get3A_800 = tpu.vector_load %arg8[%get3A_798, %get3A_799] {strides = array<i32>} : memref<256x64xf32, #tpu.memory_space<vmem>>, vector<16xf32>,
        tpu.vector_store_idx %arg10[%add3A_14, %add3A_790, %and3A_8, %add3A_794], %get3A_800 : memref<8x2x8x130xf32, #tpu.memory_space<vmem>>[vector<16xi32>, vector<16xi32>, vector<16xi32>, vector<16xi32>], vector<16xf32>,
        %get3A_801 = arith.index_cast %add3A_786 : i32 to index
        %get3A_802 = arith.constant 32 : index
        %get3A_803 = tpu.vector_load %arg8[%get3A_801, %get3A_802] {strides = array<i32>} : memref<256x64xf32, #tpu.memory_space<vmem>>, vector<16xf32>,
        tpu.vector_store_idx %arg10[%add3A_17, %add3A_790, %and3A_8, %add3A_794], %get3A_803 : memref<8x2x8x130xf32, #tpu.memory_space<vmem>>[vector<16xi32>, vector<16xi32>, vector<16xi32>, vector<16xi32>], vector<16xf32>,
        %get3A_804 = arith.index_cast %add3A_786 : i32 to index
        %get3A_805 = arith.constant 48 : index
        %get3A_806 = tpu.vector_load %arg8[%get3A_804, %get3A_805] {strides = array<i32>} : memref<256x64xf32, #tpu.memory_space<vmem>>, vector<16xf32>,
        tpu.vector_store_idx %arg10[%add3A_20, %add3A_790, %and3A_8, %add3A_794], %get3A_806 : memref<8x2x8x130xf32, #tpu.memory_space<vmem>>[vector<16xi32>, vector<16xi32>, vector<16xi32>, vector<16xi32>], vector<16xf32>,
      }
      %scan3A_437 = arith.constant 64 : i32
      %sub3A = arith.constant 1 : i32
      %sub3A_438 = arith.subi %mul3A_379, %sub3A : i32
      %jit3A = arith.constant 2 : i32
      %div3A = arith.divsi %sub3A_438, %jit3A : i32
      %sign3A = arith.constant 0 : i32
      %sign3A_439 = arith.cmpi sgt, %sub3A_438, %sign3A : i32
      %sign3A_440 = arith.extui %sign3A_439 : i1 to i32
      %sign3A_441 = arith.constant 0 : i32
      %sign3A_442 = arith.cmpi slt, %sub3A_438, %sign3A_441 : i32
      %sign3A_443 = arith.extui %sign3A_442 : i1 to i32
      %sign3A_444 = arith.subi %sign3A_440, %sign3A_443 : i32
      %sign3A_445 = arith.constant 0 : i32
      %sign3A_446 = arith.cmpi sgt, %jit3A, %sign3A_445 : i32
      %sign3A_447 = arith.extui %sign3A_446 : i1 to i32
      %sign3A_448 = arith.constant 0 : i32
      %sign3A_449 = arith.cmpi slt, %jit3A, %sign3A_448 : i32
      %sign3A_450 = arith.extui %sign3A_449 : i1 to i32
      %sign3A_451 = arith.subi %sign3A_447, %sign3A_450 : i32
      %ne3A = arith.cmpi ne, %sign3A_444, %sign3A_451 : i32
      %rem3A = arith.remsi %sub3A_438, %jit3A : i32
      %ne3A_452 = arith.constant 0 : i32
      %ne3A_453 = arith.cmpi ne, %rem3A, %ne3A_452 : i32
      %and3A_454 = arith.andi %ne3A, %ne3A_453 : i1
      %sub3A_455 = arith.constant 1 : i32
      %sub3A_456 = arith.subi %div3A, %sub3A_455 : i32
      %select_n3A = arith.select %and3A_454, %sub3A_456, %div3A : i32
      %jit3A_457 = arith.constant 2 : i32
      %eq3A = arith.constant 0 : i32
      %eq3A_458 = arith.cmpi eq, %jit3A_457, %eq3A : i32
      %jit3A_459 = arith.constant 1 : i32
      %select_n3A_460 = arith.select %eq3A_458, %jit3A_459, %jit3A_457 : i32
      %rem3A_461 = arith.remsi %sub3A_438, %select_n3A_460 : i32
      %ne3A_462 = arith.constant 0 : i32
      %ne3A_463 = arith.cmpi ne, %rem3A_461, %ne3A_462 : i32
      %lt3A = arith.constant 0 : i32
      %lt3A_464 = arith.cmpi slt, %rem3A_461, %lt3A : i32
      %lt3A_465 = arith.constant 0 : i32
      %lt3A_466 = arith.cmpi slt, %select_n3A_460, %lt3A_465 : i32
      %ne3A_467 = arith.xori %lt3A_464, %lt3A_466 : i1
      %and3A_468 = arith.andi %ne3A_467, %ne3A_463 : i1
      %add3A_469 = arith.addi %rem3A_461, %select_n3A_460 : i32
      %select_n3A_470 = arith.select %and3A_468, %add3A_469, %rem3A_461 : i32
      %mul3A_471 = arith.constant 2 : i32
      %mul3A_472 = arith.muli %select_n3A_470, %mul3A_471 : i32
      %add3A_473 = arith.addi %mul3A_4, %mul3A_472 : i32
      %dma_start3A_474 = arith.constant 0 : i32
      %dma_start3A_475 = arith.constant 0 : i32
      %dma_start3A_476 = arith.constant 0 : i32
      %dma_start3A_477 = arith.constant 0 : i32
      %dma_start3A_478 = tpu.memref_slice %arg10[%dma_start3A_474, %dma_start3A_475, %dma_start3A_476, %dma_start3A_477] : memref<8x2x8x130xf32, #tpu.memory_space<vmem>> -> memref<8x2x8x128xf32, #tpu.memory_space<vmem>>
      %dma_start3A_479 = arith.constant 0 : i32
      %dma_start3A_480 = arith.constant 0 : i32
      %dma_start3A_481 = arith.constant 0 : i32
      %dma_start3A_482 = tpu.memref_slice %arg4[%select_n3A, %dma_start3A_479, %add3A_473, %dma_start3A_480, %dma_start3A_481] : memref<200x8x128x8x128xf32, #tpu.memory_space<hbm>> -> memref<1x8x2x8x128xf32, #tpu.memory_space<hbm>>
      %dma_start3A_483 = tpu.memref_squeeze %dma_start3A_482 : memref<1x8x2x8x128xf32, #tpu.memory_space<hbm>> -> memref<8x2x8x128xf32, #tpu.memory_space<hbm>>
      %dma_start3A_484 = arith.constant 0 : i32
      %dma_start3A_485 = arith.constant 0 : i32
      %dma_start3A_486 = arith.constant 0 : i32
      %dma_start3A_487 = tpu.memref_slice %arg4[%select_n3A, %dma_start3A_484, %add3A_473, %dma_start3A_485, %dma_start3A_486] : memref<200x8x128x8x128xf32, #tpu.memory_space<hbm>> -> memref<1x8x2x8x128xf32, #tpu.memory_space<hbm>>
      %dma_start3A_488 = tpu.memref_squeeze %dma_start3A_487 : memref<1x8x2x8x128xf32, #tpu.memory_space<hbm>> -> memref<8x2x8x128xf32, #tpu.memory_space<hbm>>
      %dma_start3A_489 = arith.constant 0 : i32
      %dma_start3A_490 = arith.constant 0 : i32
      %dma_start3A_491 = arith.constant 0 : i32
      %dma_start3A_492 = arith.constant 0 : i32
      %dma_start3A_493 = tpu.memref_slice %arg10[%dma_start3A_489, %dma_start3A_490, %dma_start3A_491, %dma_start3A_492] : memref<8x2x8x130xf32, #tpu.memory_space<vmem>> -> memref<8x2x8x128xf32, #tpu.memory_space<vmem>>
      tpu.enqueue_dma source(%dma_start3A_493 : memref<8x2x8x128xf32, #tpu.memory_space<vmem>>) target(%dma_start3A_488 : memref<8x2x8x128xf32, #tpu.memory_space<hbm>>) target_semaphore(%arg16 : memref<!tpu.dma_semaphore, #tpu.memory_space<semaphore_mem>>)
      %add3A_494 = arith.constant 1 : i32
      %add3A_495 = arith.addi %mul3A_379, %add3A_494 : i32
      %jit3A_496 = arith.constant 2 : i32
      %div3A_497 = arith.divsi %add3A_495, %jit3A_496 : i32
      %sign3A_498 = arith.constant 0 : i32
      %sign3A_499 = arith.cmpi sgt, %add3A_495, %sign3A_498 : i32
      %sign3A_500 = arith.extui %sign3A_499 : i1 to i32
      %sign3A_501 = arith.constant 0 : i32
      %sign3A_502 = arith.cmpi slt, %add3A_495, %sign3A_501 : i32
      %sign3A_503 = arith.extui %sign3A_502 : i1 to i32
      %sign3A_504 = arith.subi %sign3A_500, %sign3A_503 : i32
      %sign3A_505 = arith.constant 0 : i32
      %sign3A_506 = arith.cmpi sgt, %jit3A_496, %sign3A_505 : i32
      %sign3A_507 = arith.extui %sign3A_506 : i1 to i32
      %sign3A_508 = arith.constant 0 : i32
      %sign3A_509 = arith.cmpi slt, %jit3A_496, %sign3A_508 : i32
      %sign3A_510 = arith.extui %sign3A_509 : i1 to i32
      %sign3A_511 = arith.subi %sign3A_507, %sign3A_510 : i32
      %ne3A_512 = arith.cmpi ne, %sign3A_504, %sign3A_511 : i32
      %rem3A_513 = arith.remsi %add3A_495, %jit3A_496 : i32
      %ne3A_514 = arith.constant 0 : i32
      %ne3A_515 = arith.cmpi ne, %rem3A_513, %ne3A_514 : i32
      %and3A_516 = arith.andi %ne3A_512, %ne3A_515 : i1
      %sub3A_517 = arith.constant 1 : i32
      %sub3A_518 = arith.subi %div3A_497, %sub3A_517 : i32
      %select_n3A_519 = arith.select %and3A_516, %sub3A_518, %div3A_497 : i32
      %jit3A_520 = arith.constant 2 : i32
      %eq3A_521 = arith.constant 0 : i32
      %eq3A_522 = arith.cmpi eq, %jit3A_520, %eq3A_521 : i32
      %jit3A_523 = arith.constant 1 : i32
      %select_n3A_524 = arith.select %eq3A_522, %jit3A_523, %jit3A_520 : i32
      %rem3A_525 = arith.remsi %add3A_495, %select_n3A_524 : i32
      %ne3A_526 = arith.constant 0 : i32
      %ne3A_527 = arith.cmpi ne, %rem3A_525, %ne3A_526 : i32
      %lt3A_528 = arith.constant 0 : i32
      %lt3A_529 = arith.cmpi slt, %rem3A_525, %lt3A_528 : i32
      %lt3A_530 = arith.constant 0 : i32
      %lt3A_531 = arith.cmpi slt, %select_n3A_524, %lt3A_530 : i32
      %ne3A_532 = arith.xori %lt3A_529, %lt3A_531 : i1
      %and3A_533 = arith.andi %ne3A_532, %ne3A_527 : i1
      %add3A_534 = arith.addi %rem3A_525, %select_n3A_524 : i32
      %select_n3A_535 = arith.select %and3A_533, %add3A_534, %rem3A_525 : i32
      %mul3A_536 = arith.constant 256 : i32
      %mul3A_537 = arith.muli %select_n3A_535, %mul3A_536 : i32
      %add3A_538 = arith.addi %mul3A_2, %mul3A_537 : i32
      %dma_start3A_539 = tpu.memref_slice %arg2[%select_n3A_519, %add3A_538] : memref<200x16384xi32, #tpu.memory_space<hbm>> -> memref<1x256xi32, #tpu.memory_space<hbm>>
      %dma_start3A_540 = tpu.memref_squeeze %dma_start3A_539 : memref<1x256xi32, #tpu.memory_space<hbm>> -> memref<256xi32, #tpu.memory_space<hbm>>
      %dma_start3A_541 = tpu.memref_slice %arg2[%select_n3A_519, %add3A_538] : memref<200x16384xi32, #tpu.memory_space<hbm>> -> memref<1x256xi32, #tpu.memory_space<hbm>>
      %dma_start3A_542 = tpu.memref_squeeze %dma_start3A_541 : memref<1x256xi32, #tpu.memory_space<hbm>> -> memref<256xi32, #tpu.memory_space<hbm>>
      tpu.enqueue_dma source(%dma_start3A_542 : memref<256xi32, #tpu.memory_space<hbm>>) target(%arg6 : memref<256xi32, #tpu.memory_space<vmem>>) target_semaphore(%arg12 : memref<!tpu.dma_semaphore, #tpu.memory_space<semaphore_mem>>)
      %add3A_543 = arith.constant 1 : i32
      %add3A_544 = arith.addi %mul3A_379, %add3A_543 : i32
      %dma_wait3A_545 = arith.constant 0 : i32
      %dma_wait3A_546 = arith.constant 0 : i32
      %dma_wait3A_547 = arith.constant 0 : i32
      %dma_wait3A_548 = arith.constant 0 : i32
      %dma_wait3A_549 = arith.constant 0 : i32
      %dma_wait3A_550 = tpu.memref_slice %arg10[%dma_wait3A_546, %dma_wait3A_547, %dma_wait3A_548, %dma_wait3A_549] : memref<8x2x8x130xf32, #tpu.memory_space<vmem>> -> memref<8x2x8x128xf32, #tpu.memory_space<vmem>>
      %dma_wait3A_551 = arith.constant 0 : i32
      %dma_wait3A_552 = arith.constant 0 : i32
      %dma_wait3A_553 = arith.constant 0 : i32
      %dma_wait3A_554 = arith.constant 0 : i32
      %dma_wait3A_555 = tpu.memref_slice %arg4[%dma_wait3A_545, %dma_wait3A_551, %dma_wait3A_552, %dma_wait3A_553, %dma_wait3A_554] : memref<200x8x128x8x128xf32, #tpu.memory_space<hbm>> -> memref<1x8x2x8x128xf32, #tpu.memory_space<hbm>>
      %dma_wait3A_556 = tpu.memref_squeeze %dma_wait3A_555 : memref<1x8x2x8x128xf32, #tpu.memory_space<hbm>> -> memref<8x2x8x128xf32, #tpu.memory_space<hbm>>
      %dma_wait3A_557 = arith.constant 0 : i32
      %dma_wait3A_558 = arith.constant 0 : i32
      %dma_wait3A_559 = arith.constant 0 : i32
      %dma_wait3A_560 = arith.constant 0 : i32
      %dma_wait3A_561 = tpu.memref_slice %arg4[%dma_wait3A_545, %dma_wait3A_557, %dma_wait3A_558, %dma_wait3A_559, %dma_wait3A_560] : memref<200x8x128x8x128xf32, #tpu.memory_space<hbm>> -> memref<1x8x2x8x128xf32, #tpu.memory_space<hbm>>
      %dma_wait3A_562 = tpu.memref_squeeze %dma_wait3A_561 : memref<1x8x2x8x128xf32, #tpu.memory_space<hbm>> -> memref<8x2x8x128xf32, #tpu.memory_space<hbm>>
      %dma_wait3A_563 = arith.constant 0 : i32
      %dma_wait3A_564 = arith.constant 0 : i32
      %dma_wait3A_565 = arith.constant 0 : i32
      %dma_wait3A_566 = arith.constant 0 : i32
      %dma_wait3A_567 = tpu.memref_slice %arg10[%dma_wait3A_563, %dma_wait3A_564, %dma_wait3A_565, %dma_wait3A_566] : memref<8x2x8x130xf32, #tpu.memory_space<vmem>> -> memref<8x2x8x128xf32, #tpu.memory_space<vmem>>
      tpu.wait_dma2 semaphore(%arg16 : memref<!tpu.dma_semaphore, #tpu.memory_space<semaphore_mem>>) src(%dma_wait3A_567 : memref<8x2x8x128xf32, #tpu.memory_space<vmem>>) dst(%dma_wait3A_562 : memref<8x2x8x128xf32, #tpu.memory_space<hbm>>)
      %dma_wait3A_568 = arith.constant 0 : i32
      %dma_wait3A_569 = arith.constant 0 : i32
      %dma_wait3A_570 = tpu.memref_slice %arg2[%dma_wait3A_568, %dma_wait3A_569] : memref<200x16384xi32, #tpu.memory_space<hbm>> -> memref<1x256xi32, #tpu.memory_space<hbm>>
      %dma_wait3A_571 = tpu.memref_squeeze %dma_wait3A_570 : memref<1x256xi32, #tpu.memory_space<hbm>> -> memref<256xi32, #tpu.memory_space<hbm>>
      %dma_wait3A_572 = arith.constant 0 : i32
      %dma_wait3A_573 = tpu.memref_slice %arg2[%dma_wait3A_568, %dma_wait3A_572] : memref<200x16384xi32, #tpu.memory_space<hbm>> -> memref<1x256xi32, #tpu.memory_space<hbm>>
      %dma_wait3A_574 = tpu.memref_squeeze %dma_wait3A_573 : memref<1x256xi32, #tpu.memory_space<hbm>> -> memref<256xi32, #tpu.memory_space<hbm>>
      tpu.wait_dma2 semaphore(%arg12 : memref<!tpu.dma_semaphore, #tpu.memory_space<semaphore_mem>>) src(%dma_wait3A_574 : memref<256xi32, #tpu.memory_space<hbm>>) dst(%arg6 : memref<256xi32, #tpu.memory_space<vmem>>)
      %dma_start3A_575 = arith.constant 0 : i32
      %dma_start3A_576 = arith.constant 0 : i32
      %dma_start3A_577 = tpu.memref_slice %arg8[%dma_start3A_575, %dma_start3A_576] : memref<256x64xf32, #tpu.memory_space<vmem>> -> memref<128x64xf32, #tpu.memory_space<vmem>>
      %dma_start3A_578 = arith.constant 0 : i32
      %dma_start3A_579 = tpu.memref_slice %arg6[%dma_start3A_578] : memref<256xi32, #tpu.memory_space<vmem>> -> memref<128xi32, #tpu.memory_space<vmem>>
      %dma_start3A_580 = arith.constant 0 : i32
      %dma_start3A_581 = arith.constant 0 : i32
      %dma_start3A_582 = tpu.memref_slice %arg3[%dma_start3A_580, %dma_start3A_581] : memref<65536x64xf32, #tpu.memory_space<hbm>> -> memref<65536x64xf32, #tpu.memory_space<hbm>>
      tpu.enqueue_indirect_dma source(%dma_start3A_582 : memref<65536x64xf32, #tpu.memory_space<hbm>>) target(%dma_start3A_577 : memref<128x64xf32, #tpu.memory_space<vmem>>) offsets(%dma_start3A_579 : memref<128xi32, #tpu.memory_space<vmem>>) semaphore(%arg14 : memref<!tpu.dma_semaphore, #tpu.memory_space<semaphore_mem>>)
      %dma_start3A_583 = arith.constant 128 : i32
      %dma_start3A_584 = arith.constant 0 : i32
      %dma_start3A_585 = tpu.memref_slice %arg8[%dma_start3A_583, %dma_start3A_584] : memref<256x64xf32, #tpu.memory_space<vmem>> -> memref<128x64xf32, #tpu.memory_space<vmem>>
      %dma_start3A_586 = arith.constant 128 : i32
      %dma_start3A_587 = tpu.memref_slice %arg6[%dma_start3A_586] : memref<256xi32, #tpu.memory_space<vmem>> -> memref<128xi32, #tpu.memory_space<vmem>>
      %dma_start3A_588 = arith.constant 0 : i32
      %dma_start3A_589 = arith.constant 0 : i32
      %dma_start3A_590 = tpu.memref_slice %arg3[%dma_start3A_588, %dma_start3A_589] : memref<65536x64xf32, #tpu.memory_space<hbm>> -> memref<65536x64xf32, #tpu.memory_space<hbm>>
      tpu.enqueue_indirect_dma source(%dma_start3A_590 : memref<65536x64xf32, #tpu.memory_space<hbm>>) target(%dma_start3A_585 : memref<128x64xf32, #tpu.memory_space<vmem>>) offsets(%dma_start3A_587 : memref<128xi32, #tpu.memory_space<vmem>>) semaphore(%arg14 : memref<!tpu.dma_semaphore, #tpu.memory_space<semaphore_mem>>)
      %dma_wait3A_591 = arith.constant 0 : i32
      %dma_wait3A_592 = arith.constant 0 : i32
      %dma_wait3A_593 = tpu.memref_slice %arg3[%dma_wait3A_591, %dma_wait3A_592] : memref<65536x64xf32, #tpu.memory_space<hbm>> -> memref<256x64xf32, #tpu.memory_space<hbm>>
      %dma_wait3A_594 = arith.constant 0 : i32
      %dma_wait3A_595 = arith.constant 0 : i32
      %dma_wait3A_596 = tpu.memref_slice %arg3[%dma_wait3A_594, %dma_wait3A_595] : memref<65536x64xf32, #tpu.memory_space<hbm>> -> memref<256x64xf32, #tpu.memory_space<hbm>>
      tpu.wait_dma2 semaphore(%arg13 : memref<!tpu.dma_semaphore, #tpu.memory_space<semaphore_mem>>) src(%dma_wait3A_596 : memref<256x64xf32, #tpu.memory_space<hbm>>) dst(%arg7 : memref<256x64xf32, #tpu.memory_space<vmem>>)
      %scan3A_597 = arith.constant 0 : i32
      %scan3A_598 = arith.constant 0 : i32
      %scan3A_599 = arith.constant 64 : i32
      %scan3A_600 = arith.addi %scan3A_598, %scan3A_599 : i32
      %scan3A_601 = arith.constant 1 : i32
      scf.for %scan3A_717 = %scan3A_598 to %scan3A_600 step %scan3A_601  : i32 {
        %mul3A_718 = arith.constant 4 : i32
        %mul3A_719 = arith.muli %scan3A_717, %mul3A_718 : i32
        %add3A_720 = arith.constant 0 : i32
        %add3A_721 = arith.addi %mul3A_719, %add3A_720 : i32
        %shift_right_logical3A_722 = arith.constant 7 : i32
        %shift_right_logical3A_723 = arith.shrui %add3A_721, %shift_right_logical3A_722 : i32
        %add3A_724 = vector.broadcast %shift_right_logical3A_723 : i32 to vector<16xi32>
        %add3A_725 = arith.addi %broadcast_in_dim3A_21, %add3A_724 : vector<16xi32>
        %and3A_726 = arith.constant 127 : i32
        %and3A_727 = arith.andi %add3A_721, %and3A_726 : i32
        %add3A_728 = vector.broadcast %and3A_727 : i32 to vector<16xi32>
        %add3A_729 = arith.addi %broadcast_in_dim3A_21, %add3A_728 : vector<16xi32>
        %get3A = arith.index_cast %add3A_721 : i32 to index
        %get3A_730 = arith.constant 0 : index
        %get3A_731 = tpu.vector_load %arg7[%get3A, %get3A_730] {strides = array<i32>} : memref<256x64xf32, #tpu.memory_space<vmem>>, vector<16xf32>,
        tpu.vector_store_idx %arg9[%add3A_11, %add3A_725, %and3A_8, %add3A_729], %get3A_731 : memref<8x2x8x130xf32, #tpu.memory_space<vmem>>[vector<16xi32>, vector<16xi32>, vector<16xi32>, vector<16xi32>], vector<16xf32>,
        %get3A_732 = arith.index_cast %add3A_721 : i32 to index
        %get3A_733 = arith.constant 16 : index
        %get3A_734 = tpu.vector_load %arg7[%get3A_732, %get3A_733] {strides = array<i32>} : memref<256x64xf32, #tpu.memory_space<vmem>>, vector<16xf32>,
        tpu.vector_store_idx %arg9[%add3A_14, %add3A_725, %and3A_8, %add3A_729], %get3A_734 : memref<8x2x8x130xf32, #tpu.memory_space<vmem>>[vector<16xi32>, vector<16xi32>, vector<16xi32>, vector<16xi32>], vector<16xf32>,
        %get3A_735 = arith.index_cast %add3A_721 : i32 to index
        %get3A_736 = arith.constant 32 : index
        %get3A_737 = tpu.vector_load %arg7[%get3A_735, %get3A_736] {strides = array<i32>} : memref<256x64xf32, #tpu.memory_space<vmem>>, vector<16xf32>,
        tpu.vector_store_idx %arg9[%add3A_17, %add3A_725, %and3A_8, %add3A_729], %get3A_737 : memref<8x2x8x130xf32, #tpu.memory_space<vmem>>[vector<16xi32>, vector<16xi32>, vector<16xi32>, vector<16xi32>], vector<16xf32>,
        %get3A_738 = arith.index_cast %add3A_721 : i32 to index
        %get3A_739 = arith.constant 48 : index
        %get3A_740 = tpu.vector_load %arg7[%get3A_738, %get3A_739] {strides = array<i32>} : memref<256x64xf32, #tpu.memory_space<vmem>>, vector<16xf32>,
        tpu.vector_store_idx %arg9[%add3A_20, %add3A_725, %and3A_8, %add3A_729], %get3A_740 : memref<8x2x8x130xf32, #tpu.memory_space<vmem>>[vector<16xi32>, vector<16xi32>, vector<16xi32>, vector<16xi32>], vector<16xf32>,
        %add3A_741 = arith.constant 1 : i32
        %add3A_742 = arith.addi %mul3A_719, %add3A_741 : i32
        %shift_right_logical3A_743 = arith.constant 7 : i32
        %shift_right_logical3A_744 = arith.shrui %add3A_742, %shift_right_logical3A_743 : i32
        %add3A_745 = vector.broadcast %shift_right_logical3A_744 : i32 to vector<16xi32>
        %add3A_746 = arith.addi %broadcast_in_dim3A_21, %add3A_745 : vector<16xi32>
        %and3A_747 = arith.constant 127 : i32
        %and3A_748 = arith.andi %add3A_742, %and3A_747 : i32
        %add3A_749 = vector.broadcast %and3A_748 : i32 to vector<16xi32>
        %add3A_750 = arith.addi %broadcast_in_dim3A_21, %add3A_749 : vector<16xi32>
        %get3A_751 = arith.index_cast %add3A_742 : i32 to index
        %get3A_752 = arith.constant 0 : index
        %get3A_753 = tpu.vector_load %arg7[%get3A_751, %get3A_752] {strides = array<i32>} : memref<256x64xf32, #tpu.memory_space<vmem>>, vector<16xf32>,
        tpu.vector_store_idx %arg9[%add3A_11, %add3A_746, %and3A_8, %add3A_750], %get3A_753 : memref<8x2x8x130xf32, #tpu.memory_space<vmem>>[vector<16xi32>, vector<16xi32>, vector<16xi32>, vector<16xi32>], vector<16xf32>,
        %get3A_754 = arith.index_cast %add3A_742 : i32 to index
        %get3A_755 = arith.constant 16 : index
        %get3A_756 = tpu.vector_load %arg7[%get3A_754, %get3A_755] {strides = array<i32>} : memref<256x64xf32, #tpu.memory_space<vmem>>, vector<16xf32>,
        tpu.vector_store_idx %arg9[%add3A_14, %add3A_746, %and3A_8, %add3A_750], %get3A_756 : memref<8x2x8x130xf32, #tpu.memory_space<vmem>>[vector<16xi32>, vector<16xi32>, vector<16xi32>, vector<16xi32>], vector<16xf32>,
        %get3A_757 = arith.index_cast %add3A_742 : i32 to index
        %get3A_758 = arith.constant 32 : index
        %get3A_759 = tpu.vector_load %arg7[%get3A_757, %get3A_758] {strides = array<i32>} : memref<256x64xf32, #tpu.memory_space<vmem>>, vector<16xf32>,
        tpu.vector_store_idx %arg9[%add3A_17, %add3A_746, %and3A_8, %add3A_750], %get3A_759 : memref<8x2x8x130xf32, #tpu.memory_space<vmem>>[vector<16xi32>, vector<16xi32>, vector<16xi32>, vector<16xi32>], vector<16xf32>,
        %get3A_760 = arith.index_cast %add3A_742 : i32 to index
        %get3A_761 = arith.constant 48 : index
        %get3A_762 = tpu.vector_load %arg7[%get3A_760, %get3A_761] {strides = array<i32>} : memref<256x64xf32, #tpu.memory_space<vmem>>, vector<16xf32>,
        tpu.vector_store_idx %arg9[%add3A_20, %add3A_746, %and3A_8, %add3A_750], %get3A_762 : memref<8x2x8x130xf32, #tpu.memory_space<vmem>>[vector<16xi32>, vector<16xi32>, vector<16xi32>, vector<16xi32>], vector<16xf32>,
        %add3A_763 = arith.constant 2 : i32
        %add3A_764 = arith.addi %mul3A_719, %add3A_763 : i32
        %shift_right_logical3A_765 = arith.constant 7 : i32
        %shift_right_logical3A_766 = arith.shrui %add3A_764, %shift_right_logical3A_765 : i32
        %add3A_767 = vector.broadcast %shift_right_logical3A_766 : i32 to vector<16xi32>
        %add3A_768 = arith.addi %broadcast_in_dim3A_21, %add3A_767 : vector<16xi32>
        %and3A_769 = arith.constant 127 : i32
        %and3A_770 = arith.andi %add3A_764, %and3A_769 : i32
        %add3A_771 = vector.broadcast %and3A_770 : i32 to vector<16xi32>
        %add3A_772 = arith.addi %broadcast_in_dim3A_21, %add3A_771 : vector<16xi32>
        %get3A_773 = arith.index_cast %add3A_764 : i32 to index
        %get3A_774 = arith.constant 0 : index
        %get3A_775 = tpu.vector_load %arg7[%get3A_773, %get3A_774] {strides = array<i32>} : memref<256x64xf32, #tpu.memory_space<vmem>>, vector<16xf32>,
        tpu.vector_store_idx %arg9[%add3A_11, %add3A_768, %and3A_8, %add3A_772], %get3A_775 : memref<8x2x8x130xf32, #tpu.memory_space<vmem>>[vector<16xi32>, vector<16xi32>, vector<16xi32>, vector<16xi32>], vector<16xf32>,
        %get3A_776 = arith.index_cast %add3A_764 : i32 to index
        %get3A_777 = arith.constant 16 : index
        %get3A_778 = tpu.vector_load %arg7[%get3A_776, %get3A_777] {strides = array<i32>} : memref<256x64xf32, #tpu.memory_space<vmem>>, vector<16xf32>,
        tpu.vector_store_idx %arg9[%add3A_14, %add3A_768, %and3A_8, %add3A_772], %get3A_778 : memref<8x2x8x130xf32, #tpu.memory_space<vmem>>[vector<16xi32>, vector<16xi32>, vector<16xi32>, vector<16xi32>], vector<16xf32>,
        %get3A_779 = arith.index_cast %add3A_764 : i32 to index
        %get3A_780 = arith.constant 32 : index
        %get3A_781 = tpu.vector_load %arg7[%get3A_779, %get3A_780] {strides = array<i32>} : memref<256x64xf32, #tpu.memory_space<vmem>>, vector<16xf32>,
        tpu.vector_store_idx %arg9[%add3A_17, %add3A_768, %and3A_8, %add3A_772], %get3A_781 : memref<8x2x8x130xf32, #tpu.memory_space<vmem>>[vector<16xi32>, vector<16xi32>, vector<16xi32>, vector<16xi32>], vector<16xf32>,
        %get3A_782 = arith.index_cast %add3A_764 : i32 to index
        %get3A_783 = arith.constant 48 : index
        %get3A_784 = tpu.vector_load %arg7[%get3A_782, %get3A_783] {strides = array<i32>} : memref<256x64xf32, #tpu.memory_space<vmem>>, vector<16xf32>,
        tpu.vector_store_idx %arg9[%add3A_20, %add3A_768, %and3A_8, %add3A_772], %get3A_784 : memref<8x2x8x130xf32, #tpu.memory_space<vmem>>[vector<16xi32>, vector<16xi32>, vector<16xi32>, vector<16xi32>], vector<16xf32>,
        %add3A_785 = arith.constant 3 : i32
        %add3A_786 = arith.addi %mul3A_719, %add3A_785 : i32
        %shift_right_logical3A_787 = arith.constant 7 : i32
        %shift_right_logical3A_788 = arith.shrui %add3A_786, %shift_right_logical3A_787 : i32
        %add3A_789 = vector.broadcast %shift_right_logical3A_788 : i32 to vector<16xi32>
        %add3A_790 = arith.addi %broadcast_in_dim3A_21, %add3A_789 : vector<16xi32>
        %and3A_791 = arith.constant 127 : i32
        %and3A_792 = arith.andi %add3A_786, %and3A_791 : i32
        %add3A_793 = vector.broadcast %and3A_792 : i32 to vector<16xi32>
        %add3A_794 = arith.addi %broadcast_in_dim3A_21, %add3A_793 : vector<16xi32>
        %get3A_795 = arith.index_cast %add3A_786 : i32 to index
        %get3A_796 = arith.constant 0 : index
        %get3A_797 = tpu.vector_load %arg7[%get3A_795, %get3A_796] {strides = array<i32>} : memref<256x64xf32, #tpu.memory_space<vmem>>, vector<16xf32>,
        tpu.vector_store_idx %arg9[%add3A_11, %add3A_790, %and3A_8, %add3A_794], %get3A_797 : memref<8x2x8x130xf32, #tpu.memory_space<vmem>>[vector<16xi32>, vector<16xi32>, vector<16xi32>, vector<16xi32>], vector<16xf32>,
        %get3A_798 = arith.index_cast %add3A_786 : i32 to index
        %get3A_799 = arith.constant 16 : index
        %get3A_800 = tpu.vector_load %arg7[%get3A_798, %get3A_799] {strides = array<i32>} : memref<256x64xf32, #tpu.memory_space<vmem>>, vector<16xf32>,
        tpu.vector_store_idx %arg9[%add3A_14, %add3A_790, %and3A_8, %add3A_794], %get3A_800 : memref<8x2x8x130xf32, #tpu.memory_space<vmem>>[vector<16xi32>, vector<16xi32>, vector<16xi32>, vector<16xi32>], vector<16xf32>,
        %get3A_801 = arith.index_cast %add3A_786 : i32 to index
        %get3A_802 = arith.constant 32 : index
        %get3A_803 = tpu.vector_load %arg7[%get3A_801, %get3A_802] {strides = array<i32>} : memref<256x64xf32, #tpu.memory_space<vmem>>, vector<16xf32>,
        tpu.vector_store_idx %arg9[%add3A_17, %add3A_790, %and3A_8, %add3A_794], %get3A_803 : memref<8x2x8x130xf32, #tpu.memory_space<vmem>>[vector<16xi32>, vector<16xi32>, vector<16xi32>, vector<16xi32>], vector<16xf32>,
        %get3A_804 = arith.index_cast %add3A_786 : i32 to index
        %get3A_805 = arith.constant 48 : index
        %get3A_806 = tpu.vector_load %arg7[%get3A_804, %get3A_805] {strides = array<i32>} : memref<256x64xf32, #tpu.memory_space<vmem>>, vector<16xf32>,
        tpu.vector_store_idx %arg9[%add3A_20, %add3A_790, %and3A_8, %add3A_794], %get3A_806 : memref<8x2x8x130xf32, #tpu.memory_space<vmem>>[vector<16xi32>, vector<16xi32>, vector<16xi32>, vector<16xi32>], vector<16xf32>,
      }
      %scan3A_602 = arith.constant 64 : i32
      %sub3A_603 = arith.constant 1 : i32
      %sub3A_604 = arith.subi %add3A_544, %sub3A_603 : i32
      %jit3A_605 = arith.constant 2 : i32
      %div3A_606 = arith.divsi %sub3A_604, %jit3A_605 : i32
      %sign3A_607 = arith.constant 0 : i32
      %sign3A_608 = arith.cmpi sgt, %sub3A_604, %sign3A_607 : i32
      %sign3A_609 = arith.extui %sign3A_608 : i1 to i32
      %sign3A_610 = arith.constant 0 : i32
      %sign3A_611 = arith.cmpi slt, %sub3A_604, %sign3A_610 : i32
      %sign3A_612 = arith.extui %sign3A_611 : i1 to i32
      %sign3A_613 = arith.subi %sign3A_609, %sign3A_612 : i32
      %sign3A_614 = arith.constant 0 : i32
      %sign3A_615 = arith.cmpi sgt, %jit3A_605, %sign3A_614 : i32
      %sign3A_616 = arith.extui %sign3A_615 : i1 to i32
      %sign3A_617 = arith.constant 0 : i32
      %sign3A_618 = arith.cmpi slt, %jit3A_605, %sign3A_617 : i32
      %sign3A_619 = arith.extui %sign3A_618 : i1 to i32
      %sign3A_620 = arith.subi %sign3A_616, %sign3A_619 : i32
      %ne3A_621 = arith.cmpi ne, %sign3A_613, %sign3A_620 : i32
      %rem3A_622 = arith.remsi %sub3A_604, %jit3A_605 : i32
      %ne3A_623 = arith.constant 0 : i32
      %ne3A_624 = arith.cmpi ne, %rem3A_622, %ne3A_623 : i32
      %and3A_625 = arith.andi %ne3A_621, %ne3A_624 : i1
      %sub3A_626 = arith.constant 1 : i32
      %sub3A_627 = arith.subi %div3A_606, %sub3A_626 : i32
      %select_n3A_628 = arith.select %and3A_625, %sub3A_627, %div3A_606 : i32
      %jit3A_629 = arith.constant 2 : i32
      %eq3A_630 = arith.constant 0 : i32
      %eq3A_631 = arith.cmpi eq, %jit3A_629, %eq3A_630 : i32
      %jit3A_632 = arith.constant 1 : i32
      %select_n3A_633 = arith.select %eq3A_631, %jit3A_632, %jit3A_629 : i32
      %rem3A_634 = arith.remsi %sub3A_604, %select_n3A_633 : i32
      %ne3A_635 = arith.constant 0 : i32
      %ne3A_636 = arith.cmpi ne, %rem3A_634, %ne3A_635 : i32
      %lt3A_637 = arith.constant 0 : i32
      %lt3A_638 = arith.cmpi slt, %rem3A_634, %lt3A_637 : i32
      %lt3A_639 = arith.constant 0 : i32
      %lt3A_640 = arith.cmpi slt, %select_n3A_633, %lt3A_639 : i32
      %ne3A_641 = arith.xori %lt3A_638, %lt3A_640 : i1
      %and3A_642 = arith.andi %ne3A_641, %ne3A_636 : i1
      %add3A_643 = arith.addi %rem3A_634, %select_n3A_633 : i32
      %select_n3A_644 = arith.select %and3A_642, %add3A_643, %rem3A_634 : i32
      %mul3A_645 = arith.constant 2 : i32
      %mul3A_646 = arith.muli %select_n3A_644, %mul3A_645 : i32
      %add3A_647 = arith.addi %mul3A_4, %mul3A_646 : i32
      %dma_start3A_648 = arith.constant 0 : i32
      %dma_start3A_649 = arith.constant 0 : i32
      %dma_start3A_650 = arith.constant 0 : i32
      %dma_start3A_651 = arith.constant 0 : i32
      %dma_start3A_652 = tpu.memref_slice %arg9[%dma_start3A_648, %dma_start3A_649, %dma_start3A_650, %dma_start3A_651] : memref<8x2x8x130xf32, #tpu.memory_space<vmem>> -> memref<8x2x8x128xf32, #tpu.memory_space<vmem>>
      %dma_start3A_653 = arith.constant 0 : i32
      %dma_start3A_654 = arith.constant 0 : i32
      %dma_start3A_655 = arith.constant 0 : i32
      %dma_start3A_656 = tpu.memref_slice %arg4[%select_n3A_628, %dma_start3A_653, %add3A_647, %dma_start3A_654, %dma_start3A_655] : memref<200x8x128x8x128xf32, #tpu.memory_space<hbm>> -> memref<1x8x2x8x128xf32, #tpu.memory_space<hbm>>
      %dma_start3A_657 = tpu.memref_squeeze %dma_start3A_656 : memref<1x8x2x8x128xf32, #tpu.memory_space<hbm>> -> memref<8x2x8x128xf32, #tpu.memory_space<hbm>>
      %dma_start3A_658 = arith.constant 0 : i32
      %dma_start3A_659 = arith.constant 0 : i32
      %dma_start3A_660 = arith.constant 0 : i32
      %dma_start3A_661 = tpu.memref_slice %arg4[%select_n3A_628, %dma_start3A_658, %add3A_647, %dma_start3A_659, %dma_start3A_660] : memref<200x8x128x8x128xf32, #tpu.memory_space<hbm>> -> memref<1x8x2x8x128xf32, #tpu.memory_space<hbm>>
      %dma_start3A_662 = tpu.memref_squeeze %dma_start3A_661 : memref<1x8x2x8x128xf32, #tpu.memory_space<hbm>> -> memref<8x2x8x128xf32, #tpu.memory_space<hbm>>
      %dma_start3A_663 = arith.constant 0 : i32
      %dma_start3A_664 = arith.constant 0 : i32
      %dma_start3A_665 = arith.constant 0 : i32
      %dma_start3A_666 = arith.constant 0 : i32
      %dma_start3A_667 = tpu.memref_slice %arg9[%dma_start3A_663, %dma_start3A_664, %dma_start3A_665, %dma_start3A_666] : memref<8x2x8x130xf32, #tpu.memory_space<vmem>> -> memref<8x2x8x128xf32, #tpu.memory_space<vmem>>
      tpu.enqueue_dma source(%dma_start3A_667 : memref<8x2x8x128xf32, #tpu.memory_space<vmem>>) target(%dma_start3A_662 : memref<8x2x8x128xf32, #tpu.memory_space<hbm>>) target_semaphore(%arg15 : memref<!tpu.dma_semaphore, #tpu.memory_space<semaphore_mem>>)
      %add3A_668 = arith.constant 1 : i32
      %add3A_669 = arith.addi %add3A_544, %add3A_668 : i32
      %jit3A_670 = arith.constant 2 : i32
      %div3A_671 = arith.divsi %add3A_669, %jit3A_670 : i32
      %sign3A_672 = arith.constant 0 : i32
      %sign3A_673 = arith.cmpi sgt, %add3A_669, %sign3A_672 : i32
      %sign3A_674 = arith.extui %sign3A_673 : i1 to i32
      %sign3A_675 = arith.constant 0 : i32
      %sign3A_676 = arith.cmpi slt, %add3A_669, %sign3A_675 : i32
      %sign3A_677 = arith.extui %sign3A_676 : i1 to i32
      %sign3A_678 = arith.subi %sign3A_674, %sign3A_677 : i32
      %sign3A_679 = arith.constant 0 : i32
      %sign3A_680 = arith.cmpi sgt, %jit3A_670, %sign3A_679 : i32
      %sign3A_681 = arith.extui %sign3A_680 : i1 to i32
      %sign3A_682 = arith.constant 0 : i32
      %sign3A_683 = arith.cmpi slt, %jit3A_670, %sign3A_682 : i32
      %sign3A_684 = arith.extui %sign3A_683 : i1 to i32
      %sign3A_685 = arith.subi %sign3A_681, %sign3A_684 : i32
      %ne3A_686 = arith.cmpi ne, %sign3A_678, %sign3A_685 : i32
      %rem3A_687 = arith.remsi %add3A_669, %jit3A_670 : i32
      %ne3A_688 = arith.constant 0 : i32
      %ne3A_689 = arith.cmpi ne, %rem3A_687, %ne3A_688 : i32
      %and3A_690 = arith.andi %ne3A_686, %ne3A_689 : i1
      %sub3A_691 = arith.constant 1 : i32
      %sub3A_692 = arith.subi %div3A_671, %sub3A_691 : i32
      %select_n3A_693 = arith.select %and3A_690, %sub3A_692, %div3A_671 : i32
      %jit3A_694 = arith.constant 2 : i32
      %eq3A_695 = arith.constant 0 : i32
      %eq3A_696 = arith.cmpi eq, %jit3A_694, %eq3A_695 : i32
      %jit3A_697 = arith.constant 1 : i32
      %select_n3A_698 = arith.select %eq3A_696, %jit3A_697, %jit3A_694 : i32
      %rem3A_699 = arith.remsi %add3A_669, %select_n3A_698 : i32
      %ne3A_700 = arith.constant 0 : i32
      %ne3A_701 = arith.cmpi ne, %rem3A_699, %ne3A_700 : i32
      %lt3A_702 = arith.constant 0 : i32
      %lt3A_703 = arith.cmpi slt, %rem3A_699, %lt3A_702 : i32
      %lt3A_704 = arith.constant 0 : i32
      %lt3A_705 = arith.cmpi slt, %select_n3A_698, %lt3A_704 : i32
      %ne3A_706 = arith.xori %lt3A_703, %lt3A_705 : i1
      %and3A_707 = arith.andi %ne3A_706, %ne3A_701 : i1
      %add3A_708 = arith.addi %rem3A_699, %select_n3A_698 : i32
      %select_n3A_709 = arith.select %and3A_707, %add3A_708, %rem3A_699 : i32
      %mul3A_710 = arith.constant 256 : i32
      %mul3A_711 = arith.muli %select_n3A_709, %mul3A_710 : i32
      %add3A_712 = arith.addi %mul3A_2, %mul3A_711 : i32
      %dma_start3A_713 = tpu.memref_slice %arg2[%select_n3A_693, %add3A_712] : memref<200x16384xi32, #tpu.memory_space<hbm>> -> memref<1x256xi32, #tpu.memory_space<hbm>>
      %dma_start3A_714 = tpu.memref_squeeze %dma_start3A_713 : memref<1x256xi32, #tpu.memory_space<hbm>> -> memref<256xi32, #tpu.memory_space<hbm>>
      %dma_start3A_715 = tpu.memref_slice %arg2[%select_n3A_693, %add3A_712] : memref<200x16384xi32, #tpu.memory_space<hbm>> -> memref<1x256xi32, #tpu.memory_space<hbm>>
      %dma_start3A_716 = tpu.memref_squeeze %dma_start3A_715 : memref<1x256xi32, #tpu.memory_space<hbm>> -> memref<256xi32, #tpu.memory_space<hbm>>
      tpu.enqueue_dma source(%dma_start3A_716 : memref<256xi32, #tpu.memory_space<hbm>>) target(%arg5 : memref<256xi32, #tpu.memory_space<vmem>>) target_semaphore(%arg11 : memref<!tpu.dma_semaphore, #tpu.memory_space<semaphore_mem>>)
    }
    %scan3A_126 = arith.constant 198 : i32
    %dma_wait3A_127 = arith.constant 0 : i32
    %dma_wait3A_128 = arith.constant 0 : i32
    %dma_wait3A_129 = arith.constant 0 : i32
    %dma_wait3A_130 = arith.constant 0 : i32
    %dma_wait3A_131 = arith.constant 0 : i32
    %dma_wait3A_132 = tpu.memref_slice %arg9[%dma_wait3A_128, %dma_wait3A_129, %dma_wait3A_130, %dma_wait3A_131] : memref<8x2x8x130xf32, #tpu.memory_space<vmem>> -> memref<8x2x8x128xf32, #tpu.memory_space<vmem>>
    %dma_wait3A_133 = arith.constant 0 : i32
    %dma_wait3A_134 = arith.constant 0 : i32
    %dma_wait3A_135 = arith.constant 0 : i32
    %dma_wait3A_136 = arith.constant 0 : i32
    %dma_wait3A_137 = tpu.memref_slice %arg4[%dma_wait3A_127, %dma_wait3A_133, %dma_wait3A_134, %dma_wait3A_135, %dma_wait3A_136] : memref<200x8x128x8x128xf32, #tpu.memory_space<hbm>> -> memref<1x8x2x8x128xf32, #tpu.memory_space<hbm>>
    %dma_wait3A_138 = tpu.memref_squeeze %dma_wait3A_137 : memref<1x8x2x8x128xf32, #tpu.memory_space<hbm>> -> memref<8x2x8x128xf32, #tpu.memory_space<hbm>>
    %dma_wait3A_139 = arith.constant 0 : i32
    %dma_wait3A_140 = arith.constant 0 : i32
    %dma_wait3A_141 = arith.constant 0 : i32
    %dma_wait3A_142 = arith.constant 0 : i32
    %dma_wait3A_143 = tpu.memref_slice %arg4[%dma_wait3A_127, %dma_wait3A_139, %dma_wait3A_140, %dma_wait3A_141, %dma_wait3A_142] : memref<200x8x128x8x128xf32, #tpu.memory_space<hbm>> -> memref<1x8x2x8x128xf32, #tpu.memory_space<hbm>>
    %dma_wait3A_144 = tpu.memref_squeeze %dma_wait3A_143 : memref<1x8x2x8x128xf32, #tpu.memory_space<hbm>> -> memref<8x2x8x128xf32, #tpu.memory_space<hbm>>
    %dma_wait3A_145 = arith.constant 0 : i32
    %dma_wait3A_146 = arith.constant 0 : i32
    %dma_wait3A_147 = arith.constant 0 : i32
    %dma_wait3A_148 = arith.constant 0 : i32
    %dma_wait3A_149 = tpu.memref_slice %arg9[%dma_wait3A_145, %dma_wait3A_146, %dma_wait3A_147, %dma_wait3A_148] : memref<8x2x8x130xf32, #tpu.memory_space<vmem>> -> memref<8x2x8x128xf32, #tpu.memory_space<vmem>>
    tpu.wait_dma2 semaphore(%arg15 : memref<!tpu.dma_semaphore, #tpu.memory_space<semaphore_mem>>) src(%dma_wait3A_149 : memref<8x2x8x128xf32, #tpu.memory_space<vmem>>) dst(%dma_wait3A_144 : memref<8x2x8x128xf32, #tpu.memory_space<hbm>>)
    %dma_wait3A_150 = arith.constant 0 : i32
    %dma_wait3A_151 = arith.constant 0 : i32
    %dma_wait3A_152 = tpu.memref_slice %arg2[%dma_wait3A_150, %dma_wait3A_151] : memref<200x16384xi32, #tpu.memory_space<hbm>> -> memref<1x256xi32, #tpu.memory_space<hbm>>
    %dma_wait3A_153 = tpu.memref_squeeze %dma_wait3A_152 : memref<1x256xi32, #tpu.memory_space<hbm>> -> memref<256xi32, #tpu.memory_space<hbm>>
    %dma_wait3A_154 = arith.constant 0 : i32
    %dma_wait3A_155 = tpu.memref_slice %arg2[%dma_wait3A_150, %dma_wait3A_154] : memref<200x16384xi32, #tpu.memory_space<hbm>> -> memref<1x256xi32, #tpu.memory_space<hbm>>
    %dma_wait3A_156 = tpu.memref_squeeze %dma_wait3A_155 : memref<1x256xi32, #tpu.memory_space<hbm>> -> memref<256xi32, #tpu.memory_space<hbm>>
    tpu.wait_dma2 semaphore(%arg11 : memref<!tpu.dma_semaphore, #tpu.memory_space<semaphore_mem>>) src(%dma_wait3A_156 : memref<256xi32, #tpu.memory_space<hbm>>) dst(%arg5 : memref<256xi32, #tpu.memory_space<vmem>>)
    %dma_start3A_157 = arith.constant 0 : i32
    %dma_start3A_158 = arith.constant 0 : i32
    %dma_start3A_159 = tpu.memref_slice %arg7[%dma_start3A_157, %dma_start3A_158] : memref<256x64xf32, #tpu.memory_space<vmem>> -> memref<128x64xf32, #tpu.memory_space<vmem>>
    %dma_start3A_160 = arith.constant 0 : i32
    %dma_start3A_161 = tpu.memref_slice %arg5[%dma_start3A_160] : memref<256xi32, #tpu.memory_space<vmem>> -> memref<128xi32, #tpu.memory_space<vmem>>
    %dma_start3A_162 = arith.constant 0 : i32
    %dma_start3A_163 = arith.constant 0 : i32
    %dma_start3A_164 = tpu.memref_slice %arg3[%dma_start3A_162, %dma_start3A_163] : memref<65536x64xf32, #tpu.memory_space<hbm>> -> memref<65536x64xf32, #tpu.memory_space<hbm>>
    tpu.enqueue_indirect_dma source(%dma_start3A_164 : memref<65536x64xf32, #tpu.memory_space<hbm>>) target(%dma_start3A_159 : memref<128x64xf32, #tpu.memory_space<vmem>>) offsets(%dma_start3A_161 : memref<128xi32, #tpu.memory_space<vmem>>) semaphore(%arg13 : memref<!tpu.dma_semaphore, #tpu.memory_space<semaphore_mem>>)
    %dma_start3A_165 = arith.constant 128 : i32
    %dma_start3A_166 = arith.constant 0 : i32
    %dma_start3A_167 = tpu.memref_slice %arg7[%dma_start3A_165, %dma_start3A_166] : memref<256x64xf32, #tpu.memory_space<vmem>> -> memref<128x64xf32, #tpu.memory_space<vmem>>
    %dma_start3A_168 = arith.constant 128 : i32
    %dma_start3A_169 = tpu.memref_slice %arg5[%dma_start3A_168] : memref<256xi32, #tpu.memory_space<vmem>> -> memref<128xi32, #tpu.memory_space<vmem>>
    %dma_start3A_170 = arith.constant 0 : i32
    %dma_start3A_171 = arith.constant 0 : i32
    %dma_start3A_172 = tpu.memref_slice %arg3[%dma_start3A_170, %dma_start3A_171] : memref<65536x64xf32, #tpu.memory_space<hbm>> -> memref<65536x64xf32, #tpu.memory_space<hbm>>
    tpu.enqueue_indirect_dma source(%dma_start3A_172 : memref<65536x64xf32, #tpu.memory_space<hbm>>) target(%dma_start3A_167 : memref<128x64xf32, #tpu.memory_space<vmem>>) offsets(%dma_start3A_169 : memref<128xi32, #tpu.memory_space<vmem>>) semaphore(%arg13 : memref<!tpu.dma_semaphore, #tpu.memory_space<semaphore_mem>>)
    %dma_wait3A_173 = arith.constant 0 : i32
    %dma_wait3A_174 = arith.constant 0 : i32
    %dma_wait3A_175 = tpu.memref_slice %arg3[%dma_wait3A_173, %dma_wait3A_174] : memref<65536x64xf32, #tpu.memory_space<hbm>> -> memref<256x64xf32, #tpu.memory_space<hbm>>
    %dma_wait3A_176 = arith.constant 0 : i32
    %dma_wait3A_177 = arith.constant 0 : i32
    %dma_wait3A_178 = tpu.memref_slice %arg3[%dma_wait3A_176, %dma_wait3A_177] : memref<65536x64xf32, #tpu.memory_space<hbm>> -> memref<256x64xf32, #tpu.memory_space<hbm>>
    tpu.wait_dma2 semaphore(%arg14 : memref<!tpu.dma_semaphore, #tpu.memory_space<semaphore_mem>>) src(%dma_wait3A_178 : memref<256x64xf32, #tpu.memory_space<hbm>>) dst(%arg8 : memref<256x64xf32, #tpu.memory_space<vmem>>)
    %scan3A_179 = arith.constant 0 : i32
    %scan3A_180 = arith.constant 0 : i32
    %scan3A_181 = arith.constant 64 : i32
    %scan3A_182 = arith.addi %scan3A_180, %scan3A_181 : i32
    %scan3A_183 = arith.constant 1 : i32
    scf.for %scan3A_377 = %scan3A_180 to %scan3A_182 step %scan3A_183  : i32 {
      %mul3A_378 = arith.constant 4 : i32
      %mul3A_379 = arith.muli %scan3A_377, %mul3A_378 : i32
      %add3A_380 = arith.constant 0 : i32
      %add3A_381 = arith.addi %mul3A_379, %add3A_380 : i32
      %shift_right_logical3A_382 = arith.constant 7 : i32
      %shift_right_logical3A_383 = arith.shrui %add3A_381, %shift_right_logical3A_382 : i32
      %add3A_384 = vector.broadcast %shift_right_logical3A_383 : i32 to vector<16xi32>
      %add3A_385 = arith.addi %broadcast_in_dim3A_21, %add3A_384 : vector<16xi32>
      %and3A_386 = arith.constant 127 : i32
      %and3A_387 = arith.andi %add3A_381, %and3A_386 : i32
      %add3A_388 = vector.broadcast %and3A_387 : i32 to vector<16xi32>
      %add3A_389 = arith.addi %broadcast_in_dim3A_21, %add3A_388 : vector<16xi32>
      %get3A = arith.index_cast %add3A_381 : i32 to index
      %get3A_390 = arith.constant 0 : index
      %get3A_391 = tpu.vector_load %arg8[%get3A, %get3A_390] {strides = array<i32>} : memref<256x64xf32, #tpu.memory_space<vmem>>, vector<16xf32>,
      tpu.vector_store_idx %arg10[%add3A_11, %add3A_385, %and3A_8, %add3A_389], %get3A_391 : memref<8x2x8x130xf32, #tpu.memory_space<vmem>>[vector<16xi32>, vector<16xi32>, vector<16xi32>, vector<16xi32>], vector<16xf32>,
      %get3A_392 = arith.index_cast %add3A_381 : i32 to index
      %get3A_393 = arith.constant 16 : index
      %get3A_394 = tpu.vector_load %arg8[%get3A_392, %get3A_393] {strides = array<i32>} : memref<256x64xf32, #tpu.memory_space<vmem>>, vector<16xf32>,
      tpu.vector_store_idx %arg10[%add3A_14, %add3A_385, %and3A_8, %add3A_389], %get3A_394 : memref<8x2x8x130xf32, #tpu.memory_space<vmem>>[vector<16xi32>, vector<16xi32>, vector<16xi32>, vector<16xi32>], vector<16xf32>,
      %get3A_395 = arith.index_cast %add3A_381 : i32 to index
      %get3A_396 = arith.constant 32 : index
      %get3A_397 = tpu.vector_load %arg8[%get3A_395, %get3A_396] {strides = array<i32>} : memref<256x64xf32, #tpu.memory_space<vmem>>, vector<16xf32>,
      tpu.vector_store_idx %arg10[%add3A_17, %add3A_385, %and3A_8, %add3A_389], %get3A_397 : memref<8x2x8x130xf32, #tpu.memory_space<vmem>>[vector<16xi32>, vector<16xi32>, vector<16xi32>, vector<16xi32>], vector<16xf32>,
      %get3A_398 = arith.index_cast %add3A_381 : i32 to index
      %get3A_399 = arith.constant 48 : index
      %get3A_400 = tpu.vector_load %arg8[%get3A_398, %get3A_399] {strides = array<i32>} : memref<256x64xf32, #tpu.memory_space<vmem>>, vector<16xf32>,
      tpu.vector_store_idx %arg10[%add3A_20, %add3A_385, %and3A_8, %add3A_389], %get3A_400 : memref<8x2x8x130xf32, #tpu.memory_space<vmem>>[vector<16xi32>, vector<16xi32>, vector<16xi32>, vector<16xi32>], vector<16xf32>,
      %add3A_401 = arith.constant 1 : i32
      %add3A_402 = arith.addi %mul3A_379, %add3A_401 : i32
      %shift_right_logical3A_403 = arith.constant 7 : i32
      %shift_right_logical3A_404 = arith.shrui %add3A_402, %shift_right_logical3A_403 : i32
      %add3A_405 = vector.broadcast %shift_right_logical3A_404 : i32 to vector<16xi32>
      %add3A_406 = arith.addi %broadcast_in_dim3A_21, %add3A_405 : vector<16xi32>
      %and3A_407 = arith.constant 127 : i32
      %and3A_408 = arith.andi %add3A_402, %and3A_407 : i32
      %add3A_409 = vector.broadcast %and3A_408 : i32 to vector<16xi32>
      %add3A_410 = arith.addi %broadcast_in_dim3A_21, %add3A_409 : vector<16xi32>
      %get3A_411 = arith.index_cast %add3A_402 : i32 to index
      %get3A_412 = arith.constant 0 : index
      %get3A_413 = tpu.vector_load %arg8[%get3A_411, %get3A_412] {strides = array<i32>} : memref<256x64xf32, #tpu.memory_space<vmem>>, vector<16xf32>,
      tpu.vector_store_idx %arg10[%add3A_11, %add3A_406, %and3A_8, %add3A_410], %get3A_413 : memref<8x2x8x130xf32, #tpu.memory_space<vmem>>[vector<16xi32>, vector<16xi32>, vector<16xi32>, vector<16xi32>], vector<16xf32>,
      %get3A_414 = arith.index_cast %add3A_402 : i32 to index
      %get3A_415 = arith.constant 16 : index
      %get3A_416 = tpu.vector_load %arg8[%get3A_414, %get3A_415] {strides = array<i32>} : memref<256x64xf32, #tpu.memory_space<vmem>>, vector<16xf32>,
      tpu.vector_store_idx %arg10[%add3A_14, %add3A_406, %and3A_8, %add3A_410], %get3A_416 : memref<8x2x8x130xf32, #tpu.memory_space<vmem>>[vector<16xi32>, vector<16xi32>, vector<16xi32>, vector<16xi32>], vector<16xf32>,
      %get3A_417 = arith.index_cast %add3A_402 : i32 to index
      %get3A_418 = arith.constant 32 : index
      %get3A_419 = tpu.vector_load %arg8[%get3A_417, %get3A_418] {strides = array<i32>} : memref<256x64xf32, #tpu.memory_space<vmem>>, vector<16xf32>,
      tpu.vector_store_idx %arg10[%add3A_17, %add3A_406, %and3A_8, %add3A_410], %get3A_419 : memref<8x2x8x130xf32, #tpu.memory_space<vmem>>[vector<16xi32>, vector<16xi32>, vector<16xi32>, vector<16xi32>], vector<16xf32>,
      %get3A_420 = arith.index_cast %add3A_402 : i32 to index
      %get3A_421 = arith.constant 48 : index
      %get3A_422 = tpu.vector_load %arg8[%get3A_420, %get3A_421] {strides = array<i32>} : memref<256x64xf32, #tpu.memory_space<vmem>>, vector<16xf32>,
      tpu.vector_store_idx %arg10[%add3A_20, %add3A_406, %and3A_8, %add3A_410], %get3A_422 : memref<8x2x8x130xf32, #tpu.memory_space<vmem>>[vector<16xi32>, vector<16xi32>, vector<16xi32>, vector<16xi32>], vector<16xf32>,
      %add3A_423 = arith.constant 2 : i32
      %add3A_424 = arith.addi %mul3A_379, %add3A_423 : i32
      %shift_right_logical3A_425 = arith.constant 7 : i32
      %shift_right_logical3A_426 = arith.shrui %add3A_424, %shift_right_logical3A_425 : i32
      %add3A_427 = vector.broadcast %shift_right_logical3A_426 : i32 to vector<16xi32>
      %add3A_428 = arith.addi %broadcast_in_dim3A_21, %add3A_427 : vector<16xi32>
      %and3A_429 = arith.constant 127 : i32
      %and3A_430 = arith.andi %add3A_424, %and3A_429 : i32
      %add3A_431 = vector.broadcast %and3A_430 : i32 to vector<16xi32>
      %add3A_432 = arith.addi %broadcast_in_dim3A_21, %add3A_431 : vector<16xi32>
      %get3A_433 = arith.index_cast %add3A_424 : i32 to index
      %get3A_434 = arith.constant 0 : index
      %get3A_435 = tpu.vector_load %arg8[%get3A_433, %get3A_434] {strides = array<i32>} : memref<256x64xf32, #tpu.memory_space<vmem>>, vector<16xf32>,
      tpu.vector_store_idx %arg10[%add3A_11, %add3A_428, %and3A_8, %add3A_432], %get3A_435 : memref<8x2x8x130xf32, #tpu.memory_space<vmem>>[vector<16xi32>, vector<16xi32>, vector<16xi32>, vector<16xi32>], vector<16xf32>,
      %get3A_436 = arith.index_cast %add3A_424 : i32 to index
      %get3A_437 = arith.constant 16 : index
      %get3A_438 = tpu.vector_load %arg8[%get3A_436, %get3A_437] {strides = array<i32>} : memref<256x64xf32, #tpu.memory_space<vmem>>, vector<16xf32>,
      tpu.vector_store_idx %arg10[%add3A_14, %add3A_428, %and3A_8, %add3A_432], %get3A_438 : memref<8x2x8x130xf32, #tpu.memory_space<vmem>>[vector<16xi32>, vector<16xi32>, vector<16xi32>, vector<16xi32>], vector<16xf32>,
      %get3A_439 = arith.index_cast %add3A_424 : i32 to index
      %get3A_440 = arith.constant 32 : index
      %get3A_441 = tpu.vector_load %arg8[%get3A_439, %get3A_440] {strides = array<i32>} : memref<256x64xf32, #tpu.memory_space<vmem>>, vector<16xf32>,
      tpu.vector_store_idx %arg10[%add3A_17, %add3A_428, %and3A_8, %add3A_432], %get3A_441 : memref<8x2x8x130xf32, #tpu.memory_space<vmem>>[vector<16xi32>, vector<16xi32>, vector<16xi32>, vector<16xi32>], vector<16xf32>,
      %get3A_442 = arith.index_cast %add3A_424 : i32 to index
      %get3A_443 = arith.constant 48 : index
      %get3A_444 = tpu.vector_load %arg8[%get3A_442, %get3A_443] {strides = array<i32>} : memref<256x64xf32, #tpu.memory_space<vmem>>, vector<16xf32>,
      tpu.vector_store_idx %arg10[%add3A_20, %add3A_428, %and3A_8, %add3A_432], %get3A_444 : memref<8x2x8x130xf32, #tpu.memory_space<vmem>>[vector<16xi32>, vector<16xi32>, vector<16xi32>, vector<16xi32>], vector<16xf32>,
      %add3A_445 = arith.constant 3 : i32
      %add3A_446 = arith.addi %mul3A_379, %add3A_445 : i32
      %shift_right_logical3A_447 = arith.constant 7 : i32
      %shift_right_logical3A_448 = arith.shrui %add3A_446, %shift_right_logical3A_447 : i32
      %add3A_449 = vector.broadcast %shift_right_logical3A_448 : i32 to vector<16xi32>
      %add3A_450 = arith.addi %broadcast_in_dim3A_21, %add3A_449 : vector<16xi32>
      %and3A_451 = arith.constant 127 : i32
      %and3A_452 = arith.andi %add3A_446, %and3A_451 : i32
      %add3A_453 = vector.broadcast %and3A_452 : i32 to vector<16xi32>
      %add3A_454 = arith.addi %broadcast_in_dim3A_21, %add3A_453 : vector<16xi32>
      %get3A_455 = arith.index_cast %add3A_446 : i32 to index
      %get3A_456 = arith.constant 0 : index
      %get3A_457 = tpu.vector_load %arg8[%get3A_455, %get3A_456] {strides = array<i32>} : memref<256x64xf32, #tpu.memory_space<vmem>>, vector<16xf32>,
      tpu.vector_store_idx %arg10[%add3A_11, %add3A_450, %and3A_8, %add3A_454], %get3A_457 : memref<8x2x8x130xf32, #tpu.memory_space<vmem>>[vector<16xi32>, vector<16xi32>, vector<16xi32>, vector<16xi32>], vector<16xf32>,
      %get3A_458 = arith.index_cast %add3A_446 : i32 to index
      %get3A_459 = arith.constant 16 : index
      %get3A_460 = tpu.vector_load %arg8[%get3A_458, %get3A_459] {strides = array<i32>} : memref<256x64xf32, #tpu.memory_space<vmem>>, vector<16xf32>,
      tpu.vector_store_idx %arg10[%add3A_14, %add3A_450, %and3A_8, %add3A_454], %get3A_460 : memref<8x2x8x130xf32, #tpu.memory_space<vmem>>[vector<16xi32>, vector<16xi32>, vector<16xi32>, vector<16xi32>], vector<16xf32>,
      %get3A_461 = arith.index_cast %add3A_446 : i32 to index
      %get3A_462 = arith.constant 32 : index
      %get3A_463 = tpu.vector_load %arg8[%get3A_461, %get3A_462] {strides = array<i32>} : memref<256x64xf32, #tpu.memory_space<vmem>>, vector<16xf32>,
      tpu.vector_store_idx %arg10[%add3A_17, %add3A_450, %and3A_8, %add3A_454], %get3A_463 : memref<8x2x8x130xf32, #tpu.memory_space<vmem>>[vector<16xi32>, vector<16xi32>, vector<16xi32>, vector<16xi32>], vector<16xf32>,
      %get3A_464 = arith.index_cast %add3A_446 : i32 to index
      %get3A_465 = arith.constant 48 : index
      %get3A_466 = tpu.vector_load %arg8[%get3A_464, %get3A_465] {strides = array<i32>} : memref<256x64xf32, #tpu.memory_space<vmem>>, vector<16xf32>,
      tpu.vector_store_idx %arg10[%add3A_20, %add3A_450, %and3A_8, %add3A_454], %get3A_466 : memref<8x2x8x130xf32, #tpu.memory_space<vmem>>[vector<16xi32>, vector<16xi32>, vector<16xi32>, vector<16xi32>], vector<16xf32>,
    }
    %scan3A_184 = arith.constant 64 : i32
    %add3A_185 = arith.constant 2 : i32
    %add3A_186 = arith.addi %mul3A_4, %add3A_185 : i32
    %dma_start3A_187 = arith.constant 198 : i32
    %dma_start3A_188 = arith.constant 0 : i32
    %dma_start3A_189 = arith.constant 0 : i32
    %dma_start3A_190 = arith.constant 0 : i32
    %dma_start3A_191 = arith.constant 0 : i32
    %dma_start3A_192 = tpu.memref_slice %arg10[%dma_start3A_188, %dma_start3A_189, %dma_start3A_190, %dma_start3A_191] : memref<8x2x8x130xf32, #tpu.memory_space<vmem>> -> memref<8x2x8x128xf32, #tpu.memory_space<vmem>>
    %dma_start3A_193 = arith.constant 0 : i32
    %dma_start3A_194 = arith.constant 0 : i32
    %dma_start3A_195 = arith.constant 0 : i32
    %dma_start3A_196 = tpu.memref_slice %arg4[%dma_start3A_187, %dma_start3A_193, %add3A_186, %dma_start3A_194, %dma_start3A_195] : memref<200x8x128x8x128xf32, #tpu.memory_space<hbm>> -> memref<1x8x2x8x128xf32, #tpu.memory_space<hbm>>
    %dma_start3A_197 = tpu.memref_squeeze %dma_start3A_196 : memref<1x8x2x8x128xf32, #tpu.memory_space<hbm>> -> memref<8x2x8x128xf32, #tpu.memory_space<hbm>>
    %dma_start3A_198 = arith.constant 0 : i32
    %dma_start3A_199 = arith.constant 0 : i32
    %dma_start3A_200 = arith.constant 0 : i32
    %dma_start3A_201 = tpu.memref_slice %arg4[%dma_start3A_187, %dma_start3A_198, %add3A_186, %dma_start3A_199, %dma_start3A_200] : memref<200x8x128x8x128xf32, #tpu.memory_space<hbm>> -> memref<1x8x2x8x128xf32, #tpu.memory_space<hbm>>
    %dma_start3A_202 = tpu.memref_squeeze %dma_start3A_201 : memref<1x8x2x8x128xf32, #tpu.memory_space<hbm>> -> memref<8x2x8x128xf32, #tpu.memory_space<hbm>>
    %dma_start3A_203 = arith.constant 0 : i32
    %dma_start3A_204 = arith.constant 0 : i32
    %dma_start3A_205 = arith.constant 0 : i32
    %dma_start3A_206 = arith.constant 0 : i32
    %dma_start3A_207 = tpu.memref_slice %arg10[%dma_start3A_203, %dma_start3A_204, %dma_start3A_205, %dma_start3A_206] : memref<8x2x8x130xf32, #tpu.memory_space<vmem>> -> memref<8x2x8x128xf32, #tpu.memory_space<vmem>>
    tpu.enqueue_dma source(%dma_start3A_207 : memref<8x2x8x128xf32, #tpu.memory_space<vmem>>) target(%dma_start3A_202 : memref<8x2x8x128xf32, #tpu.memory_space<hbm>>) target_semaphore(%arg16 : memref<!tpu.dma_semaphore, #tpu.memory_space<semaphore_mem>>)
    %add3A_208 = arith.constant 256 : i32
    %add3A_209 = arith.addi %mul3A_2, %add3A_208 : i32
    %dma_start3A_210 = arith.constant 199 : i32
    %dma_start3A_211 = tpu.memref_slice %arg2[%dma_start3A_210, %add3A_209] : memref<200x16384xi32, #tpu.memory_space<hbm>> -> memref<1x256xi32, #tpu.memory_space<hbm>>
    %dma_start3A_212 = tpu.memref_squeeze %dma_start3A_211 : memref<1x256xi32, #tpu.memory_space<hbm>> -> memref<256xi32, #tpu.memory_space<hbm>>
    %dma_start3A_213 = tpu.memref_slice %arg2[%dma_start3A_210, %add3A_209] : memref<200x16384xi32, #tpu.memory_space<hbm>> -> memref<1x256xi32, #tpu.memory_space<hbm>>
    %dma_start3A_214 = tpu.memref_squeeze %dma_start3A_213 : memref<1x256xi32, #tpu.memory_space<hbm>> -> memref<256xi32, #tpu.memory_space<hbm>>
    tpu.enqueue_dma source(%dma_start3A_214 : memref<256xi32, #tpu.memory_space<hbm>>) target(%arg6 : memref<256xi32, #tpu.memory_space<vmem>>) target_semaphore(%arg12 : memref<!tpu.dma_semaphore, #tpu.memory_space<semaphore_mem>>)
    %dma_wait3A_215 = arith.constant 0 : i32
    %dma_wait3A_216 = arith.constant 0 : i32
    %dma_wait3A_217 = arith.constant 0 : i32
    %dma_wait3A_218 = arith.constant 0 : i32
    %dma_wait3A_219 = arith.constant 0 : i32
    %dma_wait3A_220 = tpu.memref_slice %arg10[%dma_wait3A_216, %dma_wait3A_217, %dma_wait3A_218, %dma_wait3A_219] : memref<8x2x8x130xf32, #tpu.memory_space<vmem>> -> memref<8x2x8x128xf32, #tpu.memory_space<vmem>>
    %dma_wait3A_221 = arith.constant 0 : i32
    %dma_wait3A_222 = arith.constant 0 : i32
    %dma_wait3A_223 = arith.constant 0 : i32
    %dma_wait3A_224 = arith.constant 0 : i32
    %dma_wait3A_225 = tpu.memref_slice %arg4[%dma_wait3A_215, %dma_wait3A_221, %dma_wait3A_222, %dma_wait3A_223, %dma_wait3A_224] : memref<200x8x128x8x128xf32, #tpu.memory_space<hbm>> -> memref<1x8x2x8x128xf32, #tpu.memory_space<hbm>>
    %dma_wait3A_226 = tpu.memref_squeeze %dma_wait3A_225 : memref<1x8x2x8x128xf32, #tpu.memory_space<hbm>> -> memref<8x2x8x128xf32, #tpu.memory_space<hbm>>
    %dma_wait3A_227 = arith.constant 0 : i32
    %dma_wait3A_228 = arith.constant 0 : i32
    %dma_wait3A_229 = arith.constant 0 : i32
    %dma_wait3A_230 = arith.constant 0 : i32
    %dma_wait3A_231 = tpu.memref_slice %arg4[%dma_wait3A_215, %dma_wait3A_227, %dma_wait3A_228, %dma_wait3A_229, %dma_wait3A_230] : memref<200x8x128x8x128xf32, #tpu.memory_space<hbm>> -> memref<1x8x2x8x128xf32, #tpu.memory_space<hbm>>
    %dma_wait3A_232 = tpu.memref_squeeze %dma_wait3A_231 : memref<1x8x2x8x128xf32, #tpu.memory_space<hbm>> -> memref<8x2x8x128xf32, #tpu.memory_space<hbm>>
    %dma_wait3A_233 = arith.constant 0 : i32
    %dma_wait3A_234 = arith.constant 0 : i32
    %dma_wait3A_235 = arith.constant 0 : i32
    %dma_wait3A_236 = arith.constant 0 : i32
    %dma_wait3A_237 = tpu.memref_slice %arg10[%dma_wait3A_233, %dma_wait3A_234, %dma_wait3A_235, %dma_wait3A_236] : memref<8x2x8x130xf32, #tpu.memory_space<vmem>> -> memref<8x2x8x128xf32, #tpu.memory_space<vmem>>
    tpu.wait_dma2 semaphore(%arg16 : memref<!tpu.dma_semaphore, #tpu.memory_space<semaphore_mem>>) src(%dma_wait3A_237 : memref<8x2x8x128xf32, #tpu.memory_space<vmem>>) dst(%dma_wait3A_232 : memref<8x2x8x128xf32, #tpu.memory_space<hbm>>)
    %dma_wait3A_238 = arith.constant 0 : i32
    %dma_wait3A_239 = arith.constant 0 : i32
    %dma_wait3A_240 = tpu.memref_slice %arg2[%dma_wait3A_238, %dma_wait3A_239] : memref<200x16384xi32, #tpu.memory_space<hbm>> -> memref<1x256xi32, #tpu.memory_space<hbm>>
    %dma_wait3A_241 = tpu.memref_squeeze %dma_wait3A_240 : memref<1x256xi32, #tpu.memory_space<hbm>> -> memref<256xi32, #tpu.memory_space<hbm>>
    %dma_wait3A_242 = arith.constant 0 : i32
    %dma_wait3A_243 = tpu.memref_slice %arg2[%dma_wait3A_238, %dma_wait3A_242] : memref<200x16384xi32, #tpu.memory_space<hbm>> -> memref<1x256xi32, #tpu.memory_space<hbm>>
    %dma_wait3A_244 = tpu.memref_squeeze %dma_wait3A_243 : memref<1x256xi32, #tpu.memory_space<hbm>> -> memref<256xi32, #tpu.memory_space<hbm>>
    tpu.wait_dma2 semaphore(%arg12 : memref<!tpu.dma_semaphore, #tpu.memory_space<semaphore_mem>>) src(%dma_wait3A_244 : memref<256xi32, #tpu.memory_space<hbm>>) dst(%arg6 : memref<256xi32, #tpu.memory_space<vmem>>)
    %dma_start3A_245 = arith.constant 0 : i32
    %dma_start3A_246 = arith.constant 0 : i32
    %dma_start3A_247 = tpu.memref_slice %arg8[%dma_start3A_245, %dma_start3A_246] : memref<256x64xf32, #tpu.memory_space<vmem>> -> memref<128x64xf32, #tpu.memory_space<vmem>>
    %dma_start3A_248 = arith.constant 0 : i32
    %dma_start3A_249 = tpu.memref_slice %arg6[%dma_start3A_248] : memref<256xi32, #tpu.memory_space<vmem>> -> memref<128xi32, #tpu.memory_space<vmem>>
    %dma_start3A_250 = arith.constant 0 : i32
    %dma_start3A_251 = arith.constant 0 : i32
    %dma_start3A_252 = tpu.memref_slice %arg3[%dma_start3A_250, %dma_start3A_251] : memref<65536x64xf32, #tpu.memory_space<hbm>> -> memref<65536x64xf32, #tpu.memory_space<hbm>>
    tpu.enqueue_indirect_dma source(%dma_start3A_252 : memref<65536x64xf32, #tpu.memory_space<hbm>>) target(%dma_start3A_247 : memref<128x64xf32, #tpu.memory_space<vmem>>) offsets(%dma_start3A_249 : memref<128xi32, #tpu.memory_space<vmem>>) semaphore(%arg14 : memref<!tpu.dma_semaphore, #tpu.memory_space<semaphore_mem>>)
    %dma_start3A_253 = arith.constant 128 : i32
    %dma_start3A_254 = arith.constant 0 : i32
    %dma_start3A_255 = tpu.memref_slice %arg8[%dma_start3A_253, %dma_start3A_254] : memref<256x64xf32, #tpu.memory_space<vmem>> -> memref<128x64xf32, #tpu.memory_space<vmem>>
    %dma_start3A_256 = arith.constant 128 : i32
    %dma_start3A_257 = tpu.memref_slice %arg6[%dma_start3A_256] : memref<256xi32, #tpu.memory_space<vmem>> -> memref<128xi32, #tpu.memory_space<vmem>>
    %dma_start3A_258 = arith.constant 0 : i32
    %dma_start3A_259 = arith.constant 0 : i32
    %dma_start3A_260 = tpu.memref_slice %arg3[%dma_start3A_258, %dma_start3A_259] : memref<65536x64xf32, #tpu.memory_space<hbm>> -> memref<65536x64xf32, #tpu.memory_space<hbm>>
    tpu.enqueue_indirect_dma source(%dma_start3A_260 : memref<65536x64xf32, #tpu.memory_space<hbm>>) target(%dma_start3A_255 : memref<128x64xf32, #tpu.memory_space<vmem>>) offsets(%dma_start3A_257 : memref<128xi32, #tpu.memory_space<vmem>>) semaphore(%arg14 : memref<!tpu.dma_semaphore, #tpu.memory_space<semaphore_mem>>)
    %dma_wait3A_261 = arith.constant 0 : i32
    %dma_wait3A_262 = arith.constant 0 : i32
    %dma_wait3A_263 = tpu.memref_slice %arg3[%dma_wait3A_261, %dma_wait3A_262] : memref<65536x64xf32, #tpu.memory_space<hbm>> -> memref<256x64xf32, #tpu.memory_space<hbm>>
    %dma_wait3A_264 = arith.constant 0 : i32
    %dma_wait3A_265 = arith.constant 0 : i32
    %dma_wait3A_266 = tpu.memref_slice %arg3[%dma_wait3A_264, %dma_wait3A_265] : memref<65536x64xf32, #tpu.memory_space<hbm>> -> memref<256x64xf32, #tpu.memory_space<hbm>>
    tpu.wait_dma2 semaphore(%arg13 : memref<!tpu.dma_semaphore, #tpu.memory_space<semaphore_mem>>) src(%dma_wait3A_266 : memref<256x64xf32, #tpu.memory_space<hbm>>) dst(%arg7 : memref<256x64xf32, #tpu.memory_space<vmem>>)
    %scan3A_267 = arith.constant 0 : i32
    %scan3A_268 = arith.constant 0 : i32
    %scan3A_269 = arith.constant 64 : i32
    %scan3A_270 = arith.addi %scan3A_268, %scan3A_269 : i32
    %scan3A_271 = arith.constant 1 : i32
    scf.for %scan3A_377 = %scan3A_268 to %scan3A_270 step %scan3A_271  : i32 {
      %mul3A_378 = arith.constant 4 : i32
      %mul3A_379 = arith.muli %scan3A_377, %mul3A_378 : i32
      %add3A_380 = arith.constant 0 : i32
      %add3A_381 = arith.addi %mul3A_379, %add3A_380 : i32
      %shift_right_logical3A_382 = arith.constant 7 : i32
      %shift_right_logical3A_383 = arith.shrui %add3A_381, %shift_right_logical3A_382 : i32
      %add3A_384 = vector.broadcast %shift_right_logical3A_383 : i32 to vector<16xi32>
      %add3A_385 = arith.addi %broadcast_in_dim3A_21, %add3A_384 : vector<16xi32>
      %and3A_386 = arith.constant 127 : i32
      %and3A_387 = arith.andi %add3A_381, %and3A_386 : i32
      %add3A_388 = vector.broadcast %and3A_387 : i32 to vector<16xi32>
      %add3A_389 = arith.addi %broadcast_in_dim3A_21, %add3A_388 : vector<16xi32>
      %get3A = arith.index_cast %add3A_381 : i32 to index
      %get3A_390 = arith.constant 0 : index
      %get3A_391 = tpu.vector_load %arg7[%get3A, %get3A_390] {strides = array<i32>} : memref<256x64xf32, #tpu.memory_space<vmem>>, vector<16xf32>,
      tpu.vector_store_idx %arg9[%add3A_11, %add3A_385, %and3A_8, %add3A_389], %get3A_391 : memref<8x2x8x130xf32, #tpu.memory_space<vmem>>[vector<16xi32>, vector<16xi32>, vector<16xi32>, vector<16xi32>], vector<16xf32>,
      %get3A_392 = arith.index_cast %add3A_381 : i32 to index
      %get3A_393 = arith.constant 16 : index
      %get3A_394 = tpu.vector_load %arg7[%get3A_392, %get3A_393] {strides = array<i32>} : memref<256x64xf32, #tpu.memory_space<vmem>>, vector<16xf32>,
      tpu.vector_store_idx %arg9[%add3A_14, %add3A_385, %and3A_8, %add3A_389], %get3A_394 : memref<8x2x8x130xf32, #tpu.memory_space<vmem>>[vector<16xi32>, vector<16xi32>, vector<16xi32>, vector<16xi32>], vector<16xf32>,
      %get3A_395 = arith.index_cast %add3A_381 : i32 to index
      %get3A_396 = arith.constant 32 : index
      %get3A_397 = tpu.vector_load %arg7[%get3A_395, %get3A_396] {strides = array<i32>} : memref<256x64xf32, #tpu.memory_space<vmem>>, vector<16xf32>,
      tpu.vector_store_idx %arg9[%add3A_17, %add3A_385, %and3A_8, %add3A_389], %get3A_397 : memref<8x2x8x130xf32, #tpu.memory_space<vmem>>[vector<16xi32>, vector<16xi32>, vector<16xi32>, vector<16xi32>], vector<16xf32>,
      %get3A_398 = arith.index_cast %add3A_381 : i32 to index
      %get3A_399 = arith.constant 48 : index
      %get3A_400 = tpu.vector_load %arg7[%get3A_398, %get3A_399] {strides = array<i32>} : memref<256x64xf32, #tpu.memory_space<vmem>>, vector<16xf32>,
      tpu.vector_store_idx %arg9[%add3A_20, %add3A_385, %and3A_8, %add3A_389], %get3A_400 : memref<8x2x8x130xf32, #tpu.memory_space<vmem>>[vector<16xi32>, vector<16xi32>, vector<16xi32>, vector<16xi32>], vector<16xf32>,
      %add3A_401 = arith.constant 1 : i32
      %add3A_402 = arith.addi %mul3A_379, %add3A_401 : i32
      %shift_right_logical3A_403 = arith.constant 7 : i32
      %shift_right_logical3A_404 = arith.shrui %add3A_402, %shift_right_logical3A_403 : i32
      %add3A_405 = vector.broadcast %shift_right_logical3A_404 : i32 to vector<16xi32>
      %add3A_406 = arith.addi %broadcast_in_dim3A_21, %add3A_405 : vector<16xi32>
      %and3A_407 = arith.constant 127 : i32
      %and3A_408 = arith.andi %add3A_402, %and3A_407 : i32
      %add3A_409 = vector.broadcast %and3A_408 : i32 to vector<16xi32>
      %add3A_410 = arith.addi %broadcast_in_dim3A_21, %add3A_409 : vector<16xi32>
      %get3A_411 = arith.index_cast %add3A_402 : i32 to index
      %get3A_412 = arith.constant 0 : index
      %get3A_413 = tpu.vector_load %arg7[%get3A_411, %get3A_412] {strides = array<i32>} : memref<256x64xf32, #tpu.memory_space<vmem>>, vector<16xf32>,
      tpu.vector_store_idx %arg9[%add3A_11, %add3A_406, %and3A_8, %add3A_410], %get3A_413 : memref<8x2x8x130xf32, #tpu.memory_space<vmem>>[vector<16xi32>, vector<16xi32>, vector<16xi32>, vector<16xi32>], vector<16xf32>,
      %get3A_414 = arith.index_cast %add3A_402 : i32 to index
      %get3A_415 = arith.constant 16 : index
      %get3A_416 = tpu.vector_load %arg7[%get3A_414, %get3A_415] {strides = array<i32>} : memref<256x64xf32, #tpu.memory_space<vmem>>, vector<16xf32>,
      tpu.vector_store_idx %arg9[%add3A_14, %add3A_406, %and3A_8, %add3A_410], %get3A_416 : memref<8x2x8x130xf32, #tpu.memory_space<vmem>>[vector<16xi32>, vector<16xi32>, vector<16xi32>, vector<16xi32>], vector<16xf32>,
      %get3A_417 = arith.index_cast %add3A_402 : i32 to index
      %get3A_418 = arith.constant 32 : index
      %get3A_419 = tpu.vector_load %arg7[%get3A_417, %get3A_418] {strides = array<i32>} : memref<256x64xf32, #tpu.memory_space<vmem>>, vector<16xf32>,
      tpu.vector_store_idx %arg9[%add3A_17, %add3A_406, %and3A_8, %add3A_410], %get3A_419 : memref<8x2x8x130xf32, #tpu.memory_space<vmem>>[vector<16xi32>, vector<16xi32>, vector<16xi32>, vector<16xi32>], vector<16xf32>,
      %get3A_420 = arith.index_cast %add3A_402 : i32 to index
      %get3A_421 = arith.constant 48 : index
      %get3A_422 = tpu.vector_load %arg7[%get3A_420, %get3A_421] {strides = array<i32>} : memref<256x64xf32, #tpu.memory_space<vmem>>, vector<16xf32>,
      tpu.vector_store_idx %arg9[%add3A_20, %add3A_406, %and3A_8, %add3A_410], %get3A_422 : memref<8x2x8x130xf32, #tpu.memory_space<vmem>>[vector<16xi32>, vector<16xi32>, vector<16xi32>, vector<16xi32>], vector<16xf32>,
      %add3A_423 = arith.constant 2 : i32
      %add3A_424 = arith.addi %mul3A_379, %add3A_423 : i32
      %shift_right_logical3A_425 = arith.constant 7 : i32
      %shift_right_logical3A_426 = arith.shrui %add3A_424, %shift_right_logical3A_425 : i32
      %add3A_427 = vector.broadcast %shift_right_logical3A_426 : i32 to vector<16xi32>
      %add3A_428 = arith.addi %broadcast_in_dim3A_21, %add3A_427 : vector<16xi32>
      %and3A_429 = arith.constant 127 : i32
      %and3A_430 = arith.andi %add3A_424, %and3A_429 : i32
      %add3A_431 = vector.broadcast %and3A_430 : i32 to vector<16xi32>
      %add3A_432 = arith.addi %broadcast_in_dim3A_21, %add3A_431 : vector<16xi32>
      %get3A_433 = arith.index_cast %add3A_424 : i32 to index
      %get3A_434 = arith.constant 0 : index
      %get3A_435 = tpu.vector_load %arg7[%get3A_433, %get3A_434] {strides = array<i32>} : memref<256x64xf32, #tpu.memory_space<vmem>>, vector<16xf32>,
      tpu.vector_store_idx %arg9[%add3A_11, %add3A_428, %and3A_8, %add3A_432], %get3A_435 : memref<8x2x8x130xf32, #tpu.memory_space<vmem>>[vector<16xi32>, vector<16xi32>, vector<16xi32>, vector<16xi32>], vector<16xf32>,
      %get3A_436 = arith.index_cast %add3A_424 : i32 to index
      %get3A_437 = arith.constant 16 : index
      %get3A_438 = tpu.vector_load %arg7[%get3A_436, %get3A_437] {strides = array<i32>} : memref<256x64xf32, #tpu.memory_space<vmem>>, vector<16xf32>,
      tpu.vector_store_idx %arg9[%add3A_14, %add3A_428, %and3A_8, %add3A_432], %get3A_438 : memref<8x2x8x130xf32, #tpu.memory_space<vmem>>[vector<16xi32>, vector<16xi32>, vector<16xi32>, vector<16xi32>], vector<16xf32>,
      %get3A_439 = arith.index_cast %add3A_424 : i32 to index
      %get3A_440 = arith.constant 32 : index
      %get3A_441 = tpu.vector_load %arg7[%get3A_439, %get3A_440] {strides = array<i32>} : memref<256x64xf32, #tpu.memory_space<vmem>>, vector<16xf32>,
      tpu.vector_store_idx %arg9[%add3A_17, %add3A_428, %and3A_8, %add3A_432], %get3A_441 : memref<8x2x8x130xf32, #tpu.memory_space<vmem>>[vector<16xi32>, vector<16xi32>, vector<16xi32>, vector<16xi32>], vector<16xf32>,
      %get3A_442 = arith.index_cast %add3A_424 : i32 to index
      %get3A_443 = arith.constant 48 : index
      %get3A_444 = tpu.vector_load %arg7[%get3A_442, %get3A_443] {strides = array<i32>} : memref<256x64xf32, #tpu.memory_space<vmem>>, vector<16xf32>,
      tpu.vector_store_idx %arg9[%add3A_20, %add3A_428, %and3A_8, %add3A_432], %get3A_444 : memref<8x2x8x130xf32, #tpu.memory_space<vmem>>[vector<16xi32>, vector<16xi32>, vector<16xi32>, vector<16xi32>], vector<16xf32>,
      %add3A_445 = arith.constant 3 : i32
      %add3A_446 = arith.addi %mul3A_379, %add3A_445 : i32
      %shift_right_logical3A_447 = arith.constant 7 : i32
      %shift_right_logical3A_448 = arith.shrui %add3A_446, %shift_right_logical3A_447 : i32
      %add3A_449 = vector.broadcast %shift_right_logical3A_448 : i32 to vector<16xi32>
      %add3A_450 = arith.addi %broadcast_in_dim3A_21, %add3A_449 : vector<16xi32>
      %and3A_451 = arith.constant 127 : i32
      %and3A_452 = arith.andi %add3A_446, %and3A_451 : i32
      %add3A_453 = vector.broadcast %and3A_452 : i32 to vector<16xi32>
      %add3A_454 = arith.addi %broadcast_in_dim3A_21, %add3A_453 : vector<16xi32>
      %get3A_455 = arith.index_cast %add3A_446 : i32 to index
      %get3A_456 = arith.constant 0 : index
      %get3A_457 = tpu.vector_load %arg7[%get3A_455, %get3A_456] {strides = array<i32>} : memref<256x64xf32, #tpu.memory_space<vmem>>, vector<16xf32>,
      tpu.vector_store_idx %arg9[%add3A_11, %add3A_450, %and3A_8, %add3A_454], %get3A_457 : memref<8x2x8x130xf32, #tpu.memory_space<vmem>>[vector<16xi32>, vector<16xi32>, vector<16xi32>, vector<16xi32>], vector<16xf32>,
      %get3A_458 = arith.index_cast %add3A_446 : i32 to index
      %get3A_459 = arith.constant 16 : index
      %get3A_460 = tpu.vector_load %arg7[%get3A_458, %get3A_459] {strides = array<i32>} : memref<256x64xf32, #tpu.memory_space<vmem>>, vector<16xf32>,
      tpu.vector_store_idx %arg9[%add3A_14, %add3A_450, %and3A_8, %add3A_454], %get3A_460 : memref<8x2x8x130xf32, #tpu.memory_space<vmem>>[vector<16xi32>, vector<16xi32>, vector<16xi32>, vector<16xi32>], vector<16xf32>,
      %get3A_461 = arith.index_cast %add3A_446 : i32 to index
      %get3A_462 = arith.constant 32 : index
      %get3A_463 = tpu.vector_load %arg7[%get3A_461, %get3A_462] {strides = array<i32>} : memref<256x64xf32, #tpu.memory_space<vmem>>, vector<16xf32>,
      tpu.vector_store_idx %arg9[%add3A_17, %add3A_450, %and3A_8, %add3A_454], %get3A_463 : memref<8x2x8x130xf32, #tpu.memory_space<vmem>>[vector<16xi32>, vector<16xi32>, vector<16xi32>, vector<16xi32>], vector<16xf32>,
      %get3A_464 = arith.index_cast %add3A_446 : i32 to index
      %get3A_465 = arith.constant 48 : index
      %get3A_466 = tpu.vector_load %arg7[%get3A_464, %get3A_465] {strides = array<i32>} : memref<256x64xf32, #tpu.memory_space<vmem>>, vector<16xf32>,
      tpu.vector_store_idx %arg9[%add3A_20, %add3A_450, %and3A_8, %add3A_454], %get3A_466 : memref<8x2x8x130xf32, #tpu.memory_space<vmem>>[vector<16xi32>, vector<16xi32>, vector<16xi32>, vector<16xi32>], vector<16xf32>,
    }
    %scan3A_272 = arith.constant 64 : i32
    %add3A_273 = arith.constant 0 : i32
    %add3A_274 = arith.addi %mul3A_4, %add3A_273 : i32
    %dma_start3A_275 = arith.constant 199 : i32
    %dma_start3A_276 = arith.constant 0 : i32
    %dma_start3A_277 = arith.constant 0 : i32
    %dma_start3A_278 = arith.constant 0 : i32
    %dma_start3A_279 = arith.constant 0 : i32
    %dma_start3A_280 = tpu.memref_slice %arg9[%dma_start3A_276, %dma_start3A_277, %dma_start3A_278, %dma_start3A_279] : memref<8x2x8x130xf32, #tpu.memory_space<vmem>> -> memref<8x2x8x128xf32, #tpu.memory_space<vmem>>
    %dma_start3A_281 = arith.constant 0 : i32
    %dma_start3A_282 = arith.constant 0 : i32
    %dma_start3A_283 = arith.constant 0 : i32
    %dma_start3A_284 = tpu.memref_slice %arg4[%dma_start3A_275, %dma_start3A_281, %add3A_274, %dma_start3A_282, %dma_start3A_283] : memref<200x8x128x8x128xf32, #tpu.memory_space<hbm>> -> memref<1x8x2x8x128xf32, #tpu.memory_space<hbm>>
    %dma_start3A_285 = tpu.memref_squeeze %dma_start3A_284 : memref<1x8x2x8x128xf32, #tpu.memory_space<hbm>> -> memref<8x2x8x128xf32, #tpu.memory_space<hbm>>
    %dma_start3A_286 = arith.constant 0 : i32
    %dma_start3A_287 = arith.constant 0 : i32
    %dma_start3A_288 = arith.constant 0 : i32
    %dma_start3A_289 = tpu.memref_slice %arg4[%dma_start3A_275, %dma_start3A_286, %add3A_274, %dma_start3A_287, %dma_start3A_288] : memref<200x8x128x8x128xf32, #tpu.memory_space<hbm>> -> memref<1x8x2x8x128xf32, #tpu.memory_space<hbm>>
    %dma_start3A_290 = tpu.memref_squeeze %dma_start3A_289 : memref<1x8x2x8x128xf32, #tpu.memory_space<hbm>> -> memref<8x2x8x128xf32, #tpu.memory_space<hbm>>
    %dma_start3A_291 = arith.constant 0 : i32
    %dma_start3A_292 = arith.constant 0 : i32
    %dma_start3A_293 = arith.constant 0 : i32
    %dma_start3A_294 = arith.constant 0 : i32
    %dma_start3A_295 = tpu.memref_slice %arg9[%dma_start3A_291, %dma_start3A_292, %dma_start3A_293, %dma_start3A_294] : memref<8x2x8x130xf32, #tpu.memory_space<vmem>> -> memref<8x2x8x128xf32, #tpu.memory_space<vmem>>
    tpu.enqueue_dma source(%dma_start3A_295 : memref<8x2x8x128xf32, #tpu.memory_space<vmem>>) target(%dma_start3A_290 : memref<8x2x8x128xf32, #tpu.memory_space<hbm>>) target_semaphore(%arg15 : memref<!tpu.dma_semaphore, #tpu.memory_space<semaphore_mem>>)
    %dma_wait3A_296 = arith.constant 0 : i32
    %dma_wait3A_297 = arith.constant 0 : i32
    %dma_wait3A_298 = tpu.memref_slice %arg3[%dma_wait3A_296, %dma_wait3A_297] : memref<65536x64xf32, #tpu.memory_space<hbm>> -> memref<256x64xf32, #tpu.memory_space<hbm>>
    %dma_wait3A_299 = arith.constant 0 : i32
    %dma_wait3A_300 = arith.constant 0 : i32
    %dma_wait3A_301 = tpu.memref_slice %arg3[%dma_wait3A_299, %dma_wait3A_300] : memref<65536x64xf32, #tpu.memory_space<hbm>> -> memref<256x64xf32, #tpu.memory_space<hbm>>
    tpu.wait_dma2 semaphore(%arg14 : memref<!tpu.dma_semaphore, #tpu.memory_space<semaphore_mem>>) src(%dma_wait3A_301 : memref<256x64xf32, #tpu.memory_space<hbm>>) dst(%arg8 : memref<256x64xf32, #tpu.memory_space<vmem>>)
    %scan3A_302 = arith.constant 0 : i32
    %scan3A_303 = arith.constant 0 : i32
    %scan3A_304 = arith.constant 64 : i32
    %scan3A_305 = arith.addi %scan3A_303, %scan3A_304 : i32
    %scan3A_306 = arith.constant 1 : i32
    scf.for %scan3A_377 = %scan3A_303 to %scan3A_305 step %scan3A_306  : i32 {
      %mul3A_378 = arith.constant 4 : i32
      %mul3A_379 = arith.muli %scan3A_377, %mul3A_378 : i32
      %add3A_380 = arith.constant 0 : i32
      %add3A_381 = arith.addi %mul3A_379, %add3A_380 : i32
      %shift_right_logical3A_382 = arith.constant 7 : i32
      %shift_right_logical3A_383 = arith.shrui %add3A_381, %shift_right_logical3A_382 : i32
      %add3A_384 = vector.broadcast %shift_right_logical3A_383 : i32 to vector<16xi32>
      %add3A_385 = arith.addi %broadcast_in_dim3A_21, %add3A_384 : vector<16xi32>
      %and3A_386 = arith.constant 127 : i32
      %and3A_387 = arith.andi %add3A_381, %and3A_386 : i32
      %add3A_388 = vector.broadcast %and3A_387 : i32 to vector<16xi32>
      %add3A_389 = arith.addi %broadcast_in_dim3A_21, %add3A_388 : vector<16xi32>
      %get3A = arith.index_cast %add3A_381 : i32 to index
      %get3A_390 = arith.constant 0 : index
      %get3A_391 = tpu.vector_load %arg8[%get3A, %get3A_390] {strides = array<i32>} : memref<256x64xf32, #tpu.memory_space<vmem>>, vector<16xf32>,
      tpu.vector_store_idx %arg10[%add3A_11, %add3A_385, %and3A_8, %add3A_389], %get3A_391 : memref<8x2x8x130xf32, #tpu.memory_space<vmem>>[vector<16xi32>, vector<16xi32>, vector<16xi32>, vector<16xi32>], vector<16xf32>,
      %get3A_392 = arith.index_cast %add3A_381 : i32 to index
      %get3A_393 = arith.constant 16 : index
      %get3A_394 = tpu.vector_load %arg8[%get3A_392, %get3A_393] {strides = array<i32>} : memref<256x64xf32, #tpu.memory_space<vmem>>, vector<16xf32>,
      tpu.vector_store_idx %arg10[%add3A_14, %add3A_385, %and3A_8, %add3A_389], %get3A_394 : memref<8x2x8x130xf32, #tpu.memory_space<vmem>>[vector<16xi32>, vector<16xi32>, vector<16xi32>, vector<16xi32>], vector<16xf32>,
      %get3A_395 = arith.index_cast %add3A_381 : i32 to index
      %get3A_396 = arith.constant 32 : index
      %get3A_397 = tpu.vector_load %arg8[%get3A_395, %get3A_396] {strides = array<i32>} : memref<256x64xf32, #tpu.memory_space<vmem>>, vector<16xf32>,
      tpu.vector_store_idx %arg10[%add3A_17, %add3A_385, %and3A_8, %add3A_389], %get3A_397 : memref<8x2x8x130xf32, #tpu.memory_space<vmem>>[vector<16xi32>, vector<16xi32>, vector<16xi32>, vector<16xi32>], vector<16xf32>,
      %get3A_398 = arith.index_cast %add3A_381 : i32 to index
      %get3A_399 = arith.constant 48 : index
      %get3A_400 = tpu.vector_load %arg8[%get3A_398, %get3A_399] {strides = array<i32>} : memref<256x64xf32, #tpu.memory_space<vmem>>, vector<16xf32>,
      tpu.vector_store_idx %arg10[%add3A_20, %add3A_385, %and3A_8, %add3A_389], %get3A_400 : memref<8x2x8x130xf32, #tpu.memory_space<vmem>>[vector<16xi32>, vector<16xi32>, vector<16xi32>, vector<16xi32>], vector<16xf32>,
      %add3A_401 = arith.constant 1 : i32
      %add3A_402 = arith.addi %mul3A_379, %add3A_401 : i32
      %shift_right_logical3A_403 = arith.constant 7 : i32
      %shift_right_logical3A_404 = arith.shrui %add3A_402, %shift_right_logical3A_403 : i32
      %add3A_405 = vector.broadcast %shift_right_logical3A_404 : i32 to vector<16xi32>
      %add3A_406 = arith.addi %broadcast_in_dim3A_21, %add3A_405 : vector<16xi32>
      %and3A_407 = arith.constant 127 : i32
      %and3A_408 = arith.andi %add3A_402, %and3A_407 : i32
      %add3A_409 = vector.broadcast %and3A_408 : i32 to vector<16xi32>
      %add3A_410 = arith.addi %broadcast_in_dim3A_21, %add3A_409 : vector<16xi32>
      %get3A_411 = arith.index_cast %add3A_402 : i32 to index
      %get3A_412 = arith.constant 0 : index
      %get3A_413 = tpu.vector_load %arg8[%get3A_411, %get3A_412] {strides = array<i32>} : memref<256x64xf32, #tpu.memory_space<vmem>>, vector<16xf32>,
      tpu.vector_store_idx %arg10[%add3A_11, %add3A_406, %and3A_8, %add3A_410], %get3A_413 : memref<8x2x8x130xf32, #tpu.memory_space<vmem>>[vector<16xi32>, vector<16xi32>, vector<16xi32>, vector<16xi32>], vector<16xf32>,
      %get3A_414 = arith.index_cast %add3A_402 : i32 to index
      %get3A_415 = arith.constant 16 : index
      %get3A_416 = tpu.vector_load %arg8[%get3A_414, %get3A_415] {strides = array<i32>} : memref<256x64xf32, #tpu.memory_space<vmem>>, vector<16xf32>,
      tpu.vector_store_idx %arg10[%add3A_14, %add3A_406, %and3A_8, %add3A_410], %get3A_416 : memref<8x2x8x130xf32, #tpu.memory_space<vmem>>[vector<16xi32>, vector<16xi32>, vector<16xi32>, vector<16xi32>], vector<16xf32>,
      %get3A_417 = arith.index_cast %add3A_402 : i32 to index
      %get3A_418 = arith.constant 32 : index
      %get3A_419 = tpu.vector_load %arg8[%get3A_417, %get3A_418] {strides = array<i32>} : memref<256x64xf32, #tpu.memory_space<vmem>>, vector<16xf32>,
      tpu.vector_store_idx %arg10[%add3A_17, %add3A_406, %and3A_8, %add3A_410], %get3A_419 : memref<8x2x8x130xf32, #tpu.memory_space<vmem>>[vector<16xi32>, vector<16xi32>, vector<16xi32>, vector<16xi32>], vector<16xf32>,
      %get3A_420 = arith.index_cast %add3A_402 : i32 to index
      %get3A_421 = arith.constant 48 : index
      %get3A_422 = tpu.vector_load %arg8[%get3A_420, %get3A_421] {strides = array<i32>} : memref<256x64xf32, #tpu.memory_space<vmem>>, vector<16xf32>,
      tpu.vector_store_idx %arg10[%add3A_20, %add3A_406, %and3A_8, %add3A_410], %get3A_422 : memref<8x2x8x130xf32, #tpu.memory_space<vmem>>[vector<16xi32>, vector<16xi32>, vector<16xi32>, vector<16xi32>], vector<16xf32>,
      %add3A_423 = arith.constant 2 : i32
      %add3A_424 = arith.addi %mul3A_379, %add3A_423 : i32
      %shift_right_logical3A_425 = arith.constant 7 : i32
      %shift_right_logical3A_426 = arith.shrui %add3A_424, %shift_right_logical3A_425 : i32
      %add3A_427 = vector.broadcast %shift_right_logical3A_426 : i32 to vector<16xi32>
      %add3A_428 = arith.addi %broadcast_in_dim3A_21, %add3A_427 : vector<16xi32>
      %and3A_429 = arith.constant 127 : i32
      %and3A_430 = arith.andi %add3A_424, %and3A_429 : i32
      %add3A_431 = vector.broadcast %and3A_430 : i32 to vector<16xi32>
      %add3A_432 = arith.addi %broadcast_in_dim3A_21, %add3A_431 : vector<16xi32>
      %get3A_433 = arith.index_cast %add3A_424 : i32 to index
      %get3A_434 = arith.constant 0 : index
      %get3A_435 = tpu.vector_load %arg8[%get3A_433, %get3A_434] {strides = array<i32>} : memref<256x64xf32, #tpu.memory_space<vmem>>, vector<16xf32>,
      tpu.vector_store_idx %arg10[%add3A_11, %add3A_428, %and3A_8, %add3A_432], %get3A_435 : memref<8x2x8x130xf32, #tpu.memory_space<vmem>>[vector<16xi32>, vector<16xi32>, vector<16xi32>, vector<16xi32>], vector<16xf32>,
      %get3A_436 = arith.index_cast %add3A_424 : i32 to index
      %get3A_437 = arith.constant 16 : index
      %get3A_438 = tpu.vector_load %arg8[%get3A_436, %get3A_437] {strides = array<i32>} : memref<256x64xf32, #tpu.memory_space<vmem>>, vector<16xf32>,
      tpu.vector_store_idx %arg10[%add3A_14, %add3A_428, %and3A_8, %add3A_432], %get3A_438 : memref<8x2x8x130xf32, #tpu.memory_space<vmem>>[vector<16xi32>, vector<16xi32>, vector<16xi32>, vector<16xi32>], vector<16xf32>,
      %get3A_439 = arith.index_cast %add3A_424 : i32 to index
      %get3A_440 = arith.constant 32 : index
      %get3A_441 = tpu.vector_load %arg8[%get3A_439, %get3A_440] {strides = array<i32>} : memref<256x64xf32, #tpu.memory_space<vmem>>, vector<16xf32>,
      tpu.vector_store_idx %arg10[%add3A_17, %add3A_428, %and3A_8, %add3A_432], %get3A_441 : memref<8x2x8x130xf32, #tpu.memory_space<vmem>>[vector<16xi32>, vector<16xi32>, vector<16xi32>, vector<16xi32>], vector<16xf32>,
      %get3A_442 = arith.index_cast %add3A_424 : i32 to index
      %get3A_443 = arith.constant 48 : index
      %get3A_444 = tpu.vector_load %arg8[%get3A_442, %get3A_443] {strides = array<i32>} : memref<256x64xf32, #tpu.memory_space<vmem>>, vector<16xf32>,
      tpu.vector_store_idx %arg10[%add3A_20, %add3A_428, %and3A_8, %add3A_432], %get3A_444 : memref<8x2x8x130xf32, #tpu.memory_space<vmem>>[vector<16xi32>, vector<16xi32>, vector<16xi32>, vector<16xi32>], vector<16xf32>,
      %add3A_445 = arith.constant 3 : i32
      %add3A_446 = arith.addi %mul3A_379, %add3A_445 : i32
      %shift_right_logical3A_447 = arith.constant 7 : i32
      %shift_right_logical3A_448 = arith.shrui %add3A_446, %shift_right_logical3A_447 : i32
      %add3A_449 = vector.broadcast %shift_right_logical3A_448 : i32 to vector<16xi32>
      %add3A_450 = arith.addi %broadcast_in_dim3A_21, %add3A_449 : vector<16xi32>
      %and3A_451 = arith.constant 127 : i32
      %and3A_452 = arith.andi %add3A_446, %and3A_451 : i32
      %add3A_453 = vector.broadcast %and3A_452 : i32 to vector<16xi32>
      %add3A_454 = arith.addi %broadcast_in_dim3A_21, %add3A_453 : vector<16xi32>
      %get3A_455 = arith.index_cast %add3A_446 : i32 to index
      %get3A_456 = arith.constant 0 : index
      %get3A_457 = tpu.vector_load %arg8[%get3A_455, %get3A_456] {strides = array<i32>} : memref<256x64xf32, #tpu.memory_space<vmem>>, vector<16xf32>,
      tpu.vector_store_idx %arg10[%add3A_11, %add3A_450, %and3A_8, %add3A_454], %get3A_457 : memref<8x2x8x130xf32, #tpu.memory_space<vmem>>[vector<16xi32>, vector<16xi32>, vector<16xi32>, vector<16xi32>], vector<16xf32>,
      %get3A_458 = arith.index_cast %add3A_446 : i32 to index
      %get3A_459 = arith.constant 16 : index
      %get3A_460 = tpu.vector_load %arg8[%get3A_458, %get3A_459] {strides = array<i32>} : memref<256x64xf32, #tpu.memory_space<vmem>>, vector<16xf32>,
      tpu.vector_store_idx %arg10[%add3A_14, %add3A_450, %and3A_8, %add3A_454], %get3A_460 : memref<8x2x8x130xf32, #tpu.memory_space<vmem>>[vector<16xi32>, vector<16xi32>, vector<16xi32>, vector<16xi32>], vector<16xf32>,
      %get3A_461 = arith.index_cast %add3A_446 : i32 to index
      %get3A_462 = arith.constant 32 : index
      %get3A_463 = tpu.vector_load %arg8[%get3A_461, %get3A_462] {strides = array<i32>} : memref<256x64xf32, #tpu.memory_space<vmem>>, vector<16xf32>,
      tpu.vector_store_idx %arg10[%add3A_17, %add3A_450, %and3A_8, %add3A_454], %get3A_463 : memref<8x2x8x130xf32, #tpu.memory_space<vmem>>[vector<16xi32>, vector<16xi32>, vector<16xi32>, vector<16xi32>], vector<16xf32>,
      %get3A_464 = arith.index_cast %add3A_446 : i32 to index
      %get3A_465 = arith.constant 48 : index
      %get3A_466 = tpu.vector_load %arg8[%get3A_464, %get3A_465] {strides = array<i32>} : memref<256x64xf32, #tpu.memory_space<vmem>>, vector<16xf32>,
      tpu.vector_store_idx %arg10[%add3A_20, %add3A_450, %and3A_8, %add3A_454], %get3A_466 : memref<8x2x8x130xf32, #tpu.memory_space<vmem>>[vector<16xi32>, vector<16xi32>, vector<16xi32>, vector<16xi32>], vector<16xf32>,
    }
    %scan3A_307 = arith.constant 64 : i32
    %add3A_308 = arith.constant 2 : i32
    %add3A_309 = arith.addi %mul3A_4, %add3A_308 : i32
    %dma_start3A_310 = arith.constant 199 : i32
    %dma_start3A_311 = arith.constant 0 : i32
    %dma_start3A_312 = arith.constant 0 : i32
    %dma_start3A_313 = arith.constant 0 : i32
    %dma_start3A_314 = arith.constant 0 : i32
    %dma_start3A_315 = tpu.memref_slice %arg10[%dma_start3A_311, %dma_start3A_312, %dma_start3A_313, %dma_start3A_314] : memref<8x2x8x130xf32, #tpu.memory_space<vmem>> -> memref<8x2x8x128xf32, #tpu.memory_space<vmem>>
    %dma_start3A_316 = arith.constant 0 : i32
    %dma_start3A_317 = arith.constant 0 : i32
    %dma_start3A_318 = arith.constant 0 : i32
    %dma_start3A_319 = tpu.memref_slice %arg4[%dma_start3A_310, %dma_start3A_316, %add3A_309, %dma_start3A_317, %dma_start3A_318] : memref<200x8x128x8x128xf32, #tpu.memory_space<hbm>> -> memref<1x8x2x8x128xf32, #tpu.memory_space<hbm>>
    %dma_start3A_320 = tpu.memref_squeeze %dma_start3A_319 : memref<1x8x2x8x128xf32, #tpu.memory_space<hbm>> -> memref<8x2x8x128xf32, #tpu.memory_space<hbm>>
    %dma_start3A_321 = arith.constant 0 : i32
    %dma_start3A_322 = arith.constant 0 : i32
    %dma_start3A_323 = arith.constant 0 : i32
    %dma_start3A_324 = tpu.memref_slice %arg4[%dma_start3A_310, %dma_start3A_321, %add3A_309, %dma_start3A_322, %dma_start3A_323] : memref<200x8x128x8x128xf32, #tpu.memory_space<hbm>> -> memref<1x8x2x8x128xf32, #tpu.memory_space<hbm>>
    %dma_start3A_325 = tpu.memref_squeeze %dma_start3A_324 : memref<1x8x2x8x128xf32, #tpu.memory_space<hbm>> -> memref<8x2x8x128xf32, #tpu.memory_space<hbm>>
    %dma_start3A_326 = arith.constant 0 : i32
    %dma_start3A_327 = arith.constant 0 : i32
    %dma_start3A_328 = arith.constant 0 : i32
    %dma_start3A_329 = arith.constant 0 : i32
    %dma_start3A_330 = tpu.memref_slice %arg10[%dma_start3A_326, %dma_start3A_327, %dma_start3A_328, %dma_start3A_329] : memref<8x2x8x130xf32, #tpu.memory_space<vmem>> -> memref<8x2x8x128xf32, #tpu.memory_space<vmem>>
    tpu.enqueue_dma source(%dma_start3A_330 : memref<8x2x8x128xf32, #tpu.memory_space<vmem>>) target(%dma_start3A_325 : memref<8x2x8x128xf32, #tpu.memory_space<hbm>>) target_semaphore(%arg16 : memref<!tpu.dma_semaphore, #tpu.memory_space<semaphore_mem>>)
    %dma_wait3A_331 = arith.constant 0 : i32
    %dma_wait3A_332 = arith.constant 0 : i32
    %dma_wait3A_333 = arith.constant 0 : i32
    %dma_wait3A_334 = arith.constant 0 : i32
    %dma_wait3A_335 = arith.constant 0 : i32
    %dma_wait3A_336 = tpu.memref_slice %arg9[%dma_wait3A_332, %dma_wait3A_333, %dma_wait3A_334, %dma_wait3A_335] : memref<8x2x8x130xf32, #tpu.memory_space<vmem>> -> memref<8x2x8x128xf32, #tpu.memory_space<vmem>>
    %dma_wait3A_337 = arith.constant 0 : i32
    %dma_wait3A_338 = arith.constant 0 : i32
    %dma_wait3A_339 = arith.constant 0 : i32
    %dma_wait3A_340 = arith.constant 0 : i32
    %dma_wait3A_341 = tpu.memref_slice %arg4[%dma_wait3A_331, %dma_wait3A_337, %dma_wait3A_338, %dma_wait3A_339, %dma_wait3A_340] : memref<200x8x128x8x128xf32, #tpu.memory_space<hbm>> -> memref<1x8x2x8x128xf32, #tpu.memory_space<hbm>>
    %dma_wait3A_342 = tpu.memref_squeeze %dma_wait3A_341 : memref<1x8x2x8x128xf32, #tpu.memory_space<hbm>> -> memref<8x2x8x128xf32, #tpu.memory_space<hbm>>
    %dma_wait3A_343 = arith.constant 0 : i32
    %dma_wait3A_344 = arith.constant 0 : i32
    %dma_wait3A_345 = arith.constant 0 : i32
    %dma_wait3A_346 = arith.constant 0 : i32
    %dma_wait3A_347 = tpu.memref_slice %arg4[%dma_wait3A_331, %dma_wait3A_343, %dma_wait3A_344, %dma_wait3A_345, %dma_wait3A_346] : memref<200x8x128x8x128xf32, #tpu.memory_space<hbm>> -> memref<1x8x2x8x128xf32, #tpu.memory_space<hbm>>
    %dma_wait3A_348 = tpu.memref_squeeze %dma_wait3A_347 : memref<1x8x2x8x128xf32, #tpu.memory_space<hbm>> -> memref<8x2x8x128xf32, #tpu.memory_space<hbm>>
    %dma_wait3A_349 = arith.constant 0 : i32
    %dma_wait3A_350 = arith.constant 0 : i32
    %dma_wait3A_351 = arith.constant 0 : i32
    %dma_wait3A_352 = arith.constant 0 : i32
    %dma_wait3A_353 = tpu.memref_slice %arg9[%dma_wait3A_349, %dma_wait3A_350, %dma_wait3A_351, %dma_wait3A_352] : memref<8x2x8x130xf32, #tpu.memory_space<vmem>> -> memref<8x2x8x128xf32, #tpu.memory_space<vmem>>
    tpu.wait_dma2 semaphore(%arg15 : memref<!tpu.dma_semaphore, #tpu.memory_space<semaphore_mem>>) src(%dma_wait3A_353 : memref<8x2x8x128xf32, #tpu.memory_space<vmem>>) dst(%dma_wait3A_348 : memref<8x2x8x128xf32, #tpu.memory_space<hbm>>)
    %dma_wait3A_354 = arith.constant 0 : i32
    %dma_wait3A_355 = arith.constant 0 : i32
    %dma_wait3A_356 = arith.constant 0 : i32
    %dma_wait3A_357 = arith.constant 0 : i32
    %dma_wait3A_358 = arith.constant 0 : i32
    %dma_wait3A_359 = tpu.memref_slice %arg10[%dma_wait3A_355, %dma_wait3A_356, %dma_wait3A_357, %dma_wait3A_358] : memref<8x2x8x130xf32, #tpu.memory_space<vmem>> -> memref<8x2x8x128xf32, #tpu.memory_space<vmem>>
    %dma_wait3A_360 = arith.constant 0 : i32
    %dma_wait3A_361 = arith.constant 0 : i32
    %dma_wait3A_362 = arith.constant 0 : i32
    %dma_wait3A_363 = arith.constant 0 : i32
    %dma_wait3A_364 = tpu.memref_slice %arg4[%dma_wait3A_354, %dma_wait3A_360, %dma_wait3A_361, %dma_wait3A_362, %dma_wait3A_363] : memref<200x8x128x8x128xf32, #tpu.memory_space<hbm>> -> memref<1x8x2x8x128xf32, #tpu.memory_space<hbm>>
    %dma_wait3A_365 = tpu.memref_squeeze %dma_wait3A_364 : memref<1x8x2x8x128xf32, #tpu.memory_space<hbm>> -> memref<8x2x8x128xf32, #tpu.memory_space<hbm>>
    %dma_wait3A_366 = arith.constant 0 : i32
    %dma_wait3A_367 = arith.constant 0 : i32
    %dma_wait3A_368 = arith.constant 0 : i32
    %dma_wait3A_369 = arith.constant 0 : i32
    %dma_wait3A_370 = tpu.memref_slice %arg4[%dma_wait3A_354, %dma_wait3A_366, %dma_wait3A_367, %dma_wait3A_368, %dma_wait3A_369] : memref<200x8x128x8x128xf32, #tpu.memory_space<hbm>> -> memref<1x8x2x8x128xf32, #tpu.memory_space<hbm>>
    %dma_wait3A_371 = tpu.memref_squeeze %dma_wait3A_370 : memref<1x8x2x8x128xf32, #tpu.memory_space<hbm>> -> memref<8x2x8x128xf32, #tpu.memory_space<hbm>>
    %dma_wait3A_372 = arith.constant 0 : i32
    %dma_wait3A_373 = arith.constant 0 : i32
    %dma_wait3A_374 = arith.constant 0 : i32
    %dma_wait3A_375 = arith.constant 0 : i32
    %dma_wait3A_376 = tpu.memref_slice %arg10[%dma_wait3A_372, %dma_wait3A_373, %dma_wait3A_374, %dma_wait3A_375] : memref<8x2x8x130xf32, #tpu.memory_space<vmem>> -> memref<8x2x8x128xf32, #tpu.memory_space<vmem>>
    tpu.wait_dma2 semaphore(%arg16 : memref<!tpu.dma_semaphore, #tpu.memory_space<semaphore_mem>>) src(%dma_wait3A_376 : memref<8x2x8x128xf32, #tpu.memory_space<vmem>>) dst(%dma_wait3A_371 : memref<8x2x8x128xf32, #tpu.memory_space<hbm>>)
    return
  }
}

</mosaic_0001>

<sc_bundles>
// kernel: kernel.3.cloned.1.call-start
scs
__scs_entry_jumppad:
0x0: {  	(pc) =	sbr.rel $0x88, $3  }
0x1: {  	(tag) =	ssettag $0x0;
	lr =	simm.s32 $0x1  }
0x2: {  	[smem:$0x3F9F] =	sst lr;
	_ =	strace $0xD0000000  }
0x3: {  	_ = 	snop  }
0x4: {  	_ = 	snop  }
0x5: {  	_ = 	snop  }
0x6: {  	_ = 	snop  }
0x7: {  	_ = 	snop  }
__scs_overlays_trampoline_lowered:
0x8: {  	[smem:$0x3FAE] =	sst s0  }
0x9: {  	[smem:$0x3FAF] =	sst s1  }
0xa: {  	[smem:$0x3FB0] =	sst s2  }
0xb: {  	[smem:$0x3FB1] =	sst s3  }
0xc: {  	[smem:$0x3FB2] =	sst s4  }
0xd: {  	[smem:$0x3FB3] =	sst s5  }
0xe: {  	[smem:$0x3FB4] =	sst s6  }
0xf: {  	[smem:$0x3FB5] =	sst s7  }
0x10: {  	[smem:$0x3FB6] =	sst s8  }
0x11: {  	[smem:$0x3FB7] =	sst s9;
	s0 =	simm.s32 @!p0 $0x0  }
0x12: {  	s1 =	sld [smem:$0x3F9D];
	s0 =	simm.s32 @p0 $0x1  }
0x13: {  	[smem:$0x3FB8] =	sst s0;
	s0 =	simm.s32 @!p1 $0x0  }
0x14: {  	s2 =	sld [smem:$0x3F9C];
	s0 =	simm.s32 @p1 $0x1  }
0x15: {  	[smem:$0x3FB9] =	sst s0;
	s0 =	simm.s32 @!p2 $0x0  }
0x16: {  	s3 =	sld [smem:$0x3FDB];
	s0 =	simm.s32 @p2 $0x1  }
0x17: {  	s4 =	simm.s32 $0x1BF5;
	[smem:$0x3FBB] =	sst s0  }
0x18: {  	s0 =	sld [smem:$0x3F9E];
	_ =	swait.ge [sflag:s4], $0x0  }
0x19: {  	s7 =	sld [smem:$0x3F9F]  }
0x1a: {  	s8 =	sadd.s32 $0xFFFFE003, lr  }
0x1b: {  	s9 =	sadd.s32 $0xFFFFFEF7, lr;
	s5 =	simm.s32 $0xFFFFFFFF;
	p2 =	slt.u32 s8, $0xFFFFF086  }
0x1c: {  	p1 =	slt.u32 s9, $0xF7A;
	s5 =	simm.s32 @!p2 $0x0  }
0x1d: {  	s5 =	simm.s32 @p1 $0x1;
	p0 =	seq.s32 s7, s2  }
0x1e: {  	s7 =	smul.u32 @!p0 $0xF7A, s2;
	p2 =	seq.s32 @!p0 s5, $0x0  }
0x1f: {  	s9 =	smul.u32 $0xF7A, s1;
	s8 =	simm.s32 @!p0 $0x1BF5;
	p2 =	por !p2, p0  }
0x20: {  	[sflag:s8] =	ssyncset.s32 @!p0 $0xFFFFF086;
	s6 =	sadd.s32 @!p0 s3, s7;
	s7 =	simm.s32 @!p0 $0x108  }
0x21: {  	s3 =	sadd.s32 s3, s9;
	s6 =	sadd.s32 @!p0 $0x88, s6;
	s7 =	simm.s32 @p2 $0x1082  }
0x22: {  	[simem:s7], [sflag:s8] =	dma.local @!p0 [hbm:s6], $0xF7A  }
0x23: {  	s9 =	sor.u32 $0xD0000000, s2;
	s6 =	simm.s32 $0x108;
	_ =	swait.ge @!p0 [sflag:s8], $0x0  }
0x24: {  	s3 =	sadd.s32 $0x88, s3;
	s6 =	simm.s32 @!p1 $0x1082;
	[sflag:s4] =	ssyncset.s32 $0xFFFFF086  }
0x25: {  	[simem:s6], [sflag:s4] =	dma.local [hbm:s3], $0xF7A  }
0x26: {  	[smem:$0x3F9F] =	sst s1;
	(tag) =	ssettag s2;
	_ =	strace s9  }
0x27: {  	s1 =	sld [smem:$0x3FAF]  }
0x28: {  	s2 =	sld [smem:$0x3FB0]  }
0x29: {  	s4 =	sld [smem:$0x3FB2]  }
0x2a: {  	p0 =	seq.s32 s5, $0x0;
	s5 =	sld [smem:$0x3FB3]  }
0x2b: {  	s6 =	sld [smem:$0x3FB4]  }
0x2c: {  	s7 =	sld [smem:$0x3FB5]  }
0x2d: {  	s3 =	simm.s32 $0x108;
	s8 =	sld [smem:$0x3FB6]  }
0x2e: {  	s3 =	simm.s32 @!p0 $0x1082;
	s9 =	sld [smem:$0x3FB7]  }
0x2f: {  	lr =	sadd.s32 s0, s3;
	s0 =	sld [smem:$0x3FAE]  }
0x30: {  	s3 =	sld [smem:$0x3FB1]  }
0x31: {  	[smem:$0x3FBA] =	sst s10  }
0x32: {  	s10 =	sld [smem:$0x3FB8];
	_ =	sdelay $0x3  }
0x33: {  	p0 =	seq.s32 s10, $0x1;
	s10 =	sld [smem:$0x3FBA];
	_ =	sdelay $0x3  }
0x34: {  	[smem:$0x3FBA] =	sst s10  }
0x35: {  	s10 =	sld [smem:$0x3FB9];
	_ =	sdelay $0x3  }
0x36: {  	p1 =	seq.s32 s10, $0x1;
	s10 =	sld [smem:$0x3FBA];
	_ =	sdelay $0x3  }
0x37: {  	[smem:$0x3FBA] =	sst s10  }
0x38: {  	s10 =	sld [smem:$0x3FBB]  }
0x39: {  	_ = 	snop;
	(pc) =	sbr.ind lr, $3  }
0x3a: {  	_ = 	snop  }
0x3b: {  	_ = 	snop  }
0x3c: {  	p2 =	seq.s32 s10, $0x1;
	s10 =	sld [smem:$0x3FBA]  }
0x3d: {  	_ =	shalt  }
0x3e: {  	_ =	shalt  }
0x3f: {  	_ =	shalt  }
0x40: {  	_ =	shalt  }
0x41: {  	_ =	shalt  }
0x42: {  	_ =	shalt  }
0x43: {  	_ =	shalt  }
0x44: {  	_ =	shalt  }
0x45: {  	_ =	shalt  }
0x46: {  	_ =	shalt  }
0x47: {  	_ =	shalt  }
0x48: {  	_ =	shalt  }
0x49: {  	_ =	shalt  }
0x4a: {  	_ =	shalt  }
0x4b: {  	_ =	shalt  }
0x4c: {  	_ =	shalt  }
0x4d: {  	_ =	shalt  }
0x4e: {  	_ =	shalt  }
0x4f: {  	_ =	shalt  }
0x50: {  	_ =	shalt  }
0x51: {  	_ =	shalt  }
0x52: {  	_ =	shalt  }
0x53: {  	_ =	shalt  }
0x54: {  	_ =	shalt  }
0x55: {  	_ =	shalt  }
0x56: {  	_ =	shalt  }
0x57: {  	_ =	shalt  }
0x58: {  	_ =	shalt  }
0x59: {  	_ =	shalt  }
0x5a: {  	_ =	shalt  }
0x5b: {  	_ =	shalt  }
0x5c: {  	_ =	shalt  }
0x5d: {  	_ =	shalt  }
0x5e: {  	_ =	shalt  }
0x5f: {  	_ =	shalt  }
0x60: {  	_ =	shalt  }
0x61: {  	_ =	shalt  }
0x62: {  	_ =	shalt  }
0x63: {  	_ =	shalt  }
0x64: {  	_ =	shalt  }
0x65: {  	_ =	shalt  }
0x66: {  	_ =	shalt  }
0x67: {  	_ =	shalt  }
0x68: {  	_ =	shalt  }
0x69: {  	_ =	shalt  }
0x6a: {  	_ =	shalt  }
0x6b: {  	_ =	shalt  }
0x6c: {  	_ =	shalt  }
0x6d: {  	_ =	shalt  }
0x6e: {  	_ =	shalt  }
0x6f: {  	_ =	shalt  }
0x70: {  	_ =	shalt  }
0x71: {  	_ =	shalt  }
0x72: {  	_ =	shalt  }
0x73: {  	_ =	shalt  }
0x74: {  	_ =	shalt  }
0x75: {  	_ =	shalt  }
0x76: {  	_ =	shalt  }
0x77: {  	_ =	shalt  }
0x78: {  	_ =	shalt  }
0x79: {  	_ =	shalt  }
0x7a: {  	_ =	shalt  }
0x7b: {  	_ =	shalt  }
0x7c: {  	_ =	shalt  }
0x7d: {  	_ =	shalt  }
0x7e: {  	_ =	shalt  }
0x7f: {  	_ =	shalt  }
0x80: {  	_ =	shalt  }
0x81: {  	_ =	shalt  }
0x82: {  	_ =	shalt  }
0x83: {  	_ =	shalt  }
0x84: {  	_ =	shalt  }
0x85: {  	_ =	shalt  }
0x86: {  	_ =	shalt  }
0x87: {  	_ =	shalt  }
.Lfunc_end0:
.L_simem_size_0:
called_computation_lowered:
.L_overlay_start_0:
0x88: {  	s2 =	sld [smem:$0x3FD9]  }
0x89: {  	s3 =	sld [smem:$0x3FFE];
	_ =	sdelay $0x1  }
0x8a: {  	s1 =	srdreg.scid  }
0x8b: {  	s0 =	sand.u32 $0x1, s1  }
0x8c: {  	s17 =	sshll.u32 s0, $0xA;
	s2 =	sadd.s32 s3, s2  }
0x8d: {  	s2 =	sadd.s32 s2, s17  }
0x8e: {  	[smem:$0x3FC6] =	sst s2  }
0x8f: {  	_ = 	snop  }
0x90: {  	s2 =	sld [smem:$0x3FD0];
	(tm) =	ssettm $0x1  }
0x91: {  	s18 =	sld [smem:$0x3FFB];
	_ =	sdelay $0x3  }
0x92: {  	_ =	strace s18  }
0x93: {  	s3 =	sld [smem:$0x3FFC];
	_ =	sdelay $0x3  }
0x94: {  	_ =	strace s3  }
0x95: {  	s3 =	sld [smem:$0x3FFD];
	_ =	sdelay $0x3  }
0x96: {  	_ =	strace s3  }
0x97: {  	_ =	strace $0x8FFFFFFF  }
0x98: {  	s19 =	sld [smem:$0x3FDB];
	_ =	sdelay $0x1  }
0x99: {  	s4 =	simm.s32 $_scs_section_size  }
0x9a: {  	s5 =	simm.s32 $_size__tile_overlayer_lowered;
	s6 =	simm.s32 $_tile_overlayer_lowered  }
0x9b: {  	s22 =	simm.s32 $0x1BFF;
	s21 =	sshll.u32 s6, $0x1;
	s3 =	sadd.s32 s4, s19  }
0x9c: {  	s7 =	simm.s32 $0x0;
	s20 =	sshll.u32 s5, $0x1;
	s5 =	sadd.s32 s21, s3  }
0x9d: {  	[timem:s7], [sflag:s22] =	dma.local [hbm:s5], s20  }
0x9e: {  	_ =	swait.ge [sflag:s22], s20  }
0x9f: {  	s4 =	ssub.s32 $0x0, s20;
	[sflag:s22] =	ssyncset.done $0x0  }
0xa0: {  	[sflag:s22] =	ssyncadd.s32 s4;
	_ =	sdelay $0x1  }
0xa1: {  	s23 =	simm.s32 $0x1B8B  }
0xa2: {  	_ =	swait.ge [sflag:s23], $0x1  }
0xa3: {  	[sflag:s23] =	ssyncset.done $0x0  }
0xa4: {  	s25 =	simm.s32 $0x1B8E;
	s24 =	sld [smem:$0x3FFE];
	[sflag:s23] =	ssyncadd.s32 $0xFFFFFFFF  }
0xa5: {  	s26 =	simm.s32 $execute0_lowered;
	[smem:$0x3FD2] =	sst s25  }
0xa6: {  	s5 =	sshll.u32 s26, $0x1;
	_ =	strace $0x80000046;
	[dreg:$0x1] =	wrdreg $0xFFFFFFFF  }
0xa7: {  	s28 =	simm.s32 $_size_execute0_lowered;
	s3 =	sadd.s32 s3, s5;
	[dreg:$0x0] =	wrdreg $0x0  }
0xa8: {  	s5 =	sshll.u32 s28, $0x1;
	[dreg:$0x2] =	wrdreg s3  }
0xa9: {  	[dreg:$0x3] =	wrdreg s5  }
0xaa: {  	[dreg:$0x4] =	wrdreg $0xC0  }
0xab: {  	_ =	task [dreg:s7], $0x5FFFF  }
0xac: {  	[dreg:$0x1] =	wrdreg $0xFFFFFFFF  }
0xad: {  	[dreg:$0x0] =	wrdreg $0x60  }
0xae: {  	[dreg:$0x2] =	wrdreg s24  }
0xaf: {  	[dreg:$0x3] =	wrdreg s2  }
0xb0: {  	[dreg:$0x4] =	wrdreg $0x9  }
0xb1: {  	_ =	task.clear_ibuf [dreg:s7], $0x5FFFF;
	_ =	strace $0x90000046  }
0xb2: {  	s29 =	simm.s32 $0x9;
	_ =	strace $0x80000048  }
0xb3: {  	_ =	swait.ge [sflag:s29], $0x1  }
0xb4: {  	[sflag:s29] =	ssyncadd.s32 $0xFFFFFFFF  }
0xb5: {  	_ =	strace $0x90000048  }
0xb6: {  	_ =	sfence  }
0xb7: {  	s30 =	sld [smem:$0x0];
	_ =	sdelay $0x2  }
0xb8: {  	s31 =	sshll.u32 s1, $0xD;
	s1 =	sshrl.u32 s1, $0x2  }
0xb9: {  	s3 =	sand.u32 $0x4000, s31;
	s1 =	sadd.s32 s1, s30  }
0xba: {  	s0 =	sor.u32 s3, s0;
	s1 =	sshll.u32 s1, $0x11  }
0xbb: {  	s0 =	sor.u32 s1, s0  }
0xbc: {  	s0 =	sadd.s32 $0x8F2B, s0  }
0xbd: {  	[sflag:s0] =	ssyncadd.remote.s32 $0x1  }
0xbe: {  	_ =	sfence.sel $0xFFFF  }
0xbf: {  	[dreg:$0x0] =	wrdreg $0xFFFFFFFF;
	(pc) =	sbr.abs _section_cstart, $3  }
0xc0: {  	[dreg:$0x1] =	wrdreg $0xFFFFFFFF  }
0xc1: {  	_ =	task.clear_ibuf [dreg:s7], $0x2FFFF;
	_ =	strace $0x9FFFFFFF  }
0xc2: {  	(tm) =	ssettm $0x7FFFFFFF  }
0xc3: {  	_ =	shalt  }
tec
execute0_lowered:
.L_overlay_start_1:
0x0: {  	(tag) =	ssettag $0x1  }
0x1: {  	v0 =	vimm.s32 $0xC38  }
0x2: {  	vm14 =	vcmask $0x300;
	vm13 =	vcmask $0x704;
	vm12 =	vcmask $0xB08  }
0x3: {  	vm11 =	vcmask $0xF0C;
	vm10 =	vcmask $0x1310;
	vm9 =	vcmask $0x1714  }
0x4: {  	vm8 =	vcmask $0x1B18;
	vm7 =	vcmask $0x1F1C;
	vm6 =	vcmask $0x2320  }
0x5: {  	vm5 =	vcmask $0x2724;
	vm4 =	vcmask $0x2B28;
	vm3 =	vcmask $0x2F2C  }
0x6: {  	vm2 =	vcmask $0x3330;
	vm1 =	vcmask $0x3734;
	vm0 =	vcmask $0x3B38  }
0x7: {  	v1 =	vimm.s32 $0x1D38;
	v2 =	vimm.s32 $0x2E38;
	v3 =	vimm.s32 $0x3F38  }
0x8: {  	v0 =	vsel vm14, $0x0, v0;
	v1 =	vsel vm14, $0x1100, v1;
	v2 =	vsel vm14, $0x2200, v2  }
0x9: {  	v3 =	vsel vm14, $0x3300, v3;
	v0 =	vsel vm13, $0x88, v0;
	v1 =	vsel vm13, $0x1188, v1  }
0xa: {  	s0 =	rddreg [dreg:$0x0];
	v2 =	vsel vm13, $0x2288, v2;
	v3 =	vsel vm13, $0x3388, v3;
	v0 =	vsel vm12, $0x110, v0  }
0xb: {  	s7 =	rddreg [dreg:$0x1];
	s2 =	simm.s32 $0x0;
	s1 =	srdreg.scid;
	v1 =	vsel vm12, $0x1210, v1;
	v2 =	vsel vm12, $0x2310, v2;
	v3 =	vsel vm12, $0x3410, v3  }
0xc: {  	s3 =	stileid.u32;
	s18 =	simm.s32 $0x1;
	s19 =	simm.s32 $0x80;
	v0 =	vsel vm11, $0x198, v0;
	v1 =	vsel vm11, $0x1298, v1;
	v2 =	vsel vm11, $0x2398, v2  }
0xd: {  	s20 =	simm.s32 $0x200;
	s28 =	simm.s32 $0x3;
	s29 =	simm.s32 $0x8200;
	v3 =	vsel vm11, $0x3498, v3;
	v0 =	vsel vm10, $0x220, v0;
	v1 =	vsel vm10, $0x1320, v1  }
0xe: {  	s30 =	simm.s32 $0x5;
	s31 =	simm.s32 $0x4;
	[smem:$0x7FF] =	sst s2;
	v2 =	vsel vm10, $0x2420, v2;
	v3 =	vsel vm10, $0x3520, v3;
	v0 =	vsel vm9, $0x2A8, v0  }
0xf: {  	s1 =	sand.u32 $0x1, s1;
	s3 =	sshll.u32 s3, $0x1;
	s4 =	sadd.s32 $0x600, s0;
	v1 =	vsel vm9, $0x13A8, v1;
	v2 =	vsel vm9, $0x24A8, v2;
	v3 =	vsel vm9, $0x35A8, v3  }
0x10: {  	s5 =	sadd.s32 $0x64600, s0;
	s6 =	ssub.s32 $0x2, s1;
	s1 =	sor.u32 s1, s3;
	v0 =	vsel vm8, $0x330, v0;
	v1 =	vsel vm8, $0x1430, v1;
	v2 =	vsel vm8, $0x2530, v2  }
0x11: {  	_ =	strace $0x80000047;
	s21 =	sshrl.u32 s6, $0x1;
	s3 =	sshll.u32 s1, $0x6;
	v3 =	vsel vm8, $0x3630, v3;
	v0 =	vsel vm7, $0x3B8, v0;
	v1 =	vsel vm7, $0x14B8, v1  }
0x12: {  	s0 =	ssub.s32 s6, s21;
	s6 =	sshll.u32 s1, $0x9;
	s3 =	sadd.s32 s4, s3;
	v2 =	vsel vm7, $0x25B8, v2;
	v3 =	vsel vm7, $0x36B8, v3;
	v0 =	vsel vm6, $0x880, v0  }
0x13: {  	s1 =	sshll.u32 s1, $0xC;
	s21 =	simm.s32 $0x2200;
	s8 =	sadd.s32 s7, s6;
	v1 =	vsel vm6, $0x1980, v1;
	v2 =	vsel vm6, $0x2A80, v2;
	v3 =	vsel vm6, $0x3B80, v3  }
0x14: {  	s22 =	sadd.s32 $0x800, s3;
	s23 =	sadd.s32 $0x20, s3;
	s11 =	sor.u32 $0x4000, s6;
	v0 =	vsel vm5, $0x908, v0;
	v1 =	vsel vm5, $0x1A08, v1;
	v2 =	vsel vm5, $0x2B08, v2  }
0x15: {  	s13 =	sor.u32 $0x800, s1;
	[dreg:$0x3] =	wrdreg s3;
	s25 =	sadd.s32 $0x63820, s3;
	v3 =	vsel vm5, $0x3C08, v3;
	v0 =	vsel vm4, $0x990, v0;
	v1 =	vsel vm4, $0x1A90, v1  }
0x16: {  	s0 =	smax.u32 s0, $0x1;
	s3 =	simm.s32 $0x6;
	[dreg:$0x4] =	wrdreg s22;
	v2 =	vsel vm4, $0x2B90, v2;
	v3 =	vsel vm4, $0x3C90, v3;
	v0 =	vsel vm3, $0xA18, v0  }
0x17: {  	s7 =	simm.s32 $0x0;
	[dreg:$0x5] =	wrdreg s23;
	s24 =	sadd.s32 $0x18C0100, s8;
	v1 =	vsel vm3, $0x1B18, v1;
	v2 =	vsel vm3, $0x2C18, v2;
	v3 =	vsel vm3, $0x3D18, v3  }
0x18: {  	[dreg:$0x7] =	wrdreg s25;
	s26 =	sadd.s32 $0x18E0000, s8;
	s16 =	sadd.s32 $0x18E0100, s8;
	v0 =	vsel vm2, $0xAA0, v0;
	v1 =	vsel vm2, $0x1BA0, v1;
	v2 =	vsel vm2, $0x2CA0, v2  }
0x19: {  	[dreg:$0x9] =	wrdreg s0;
	s22 =	simm.s32 $0x100;
	s23 =	simm.s32 $0x2;
	v3 =	vsel vm2, $0x3DA0, v3;
	v0 =	vsel vm1, $0xB28, v0;
	v1 =	vsel vm1, $0x1C28, v1  }
0x1a: {  	s25 =	simm.s32 $0x180;
	s0 =	simm.s32 $0xC600;
	[dreg:$0x6] =	wrdreg s24;
	v2 =	vsel vm1, $0x2D28, v2;
	v3 =	vsel vm1, $0x3E28, v3;
	v0 =	vsel vm0, $0xBB0, v0  }
0x1b: {  	[dreg:$0x8] =	wrdreg s26;
	s24 =	simm.s32 $0x4200;
	s26 =	simm.s32 $0x6200;
	v1 =	vsel vm0, $0x1CB0, v1;
	v2 =	vsel vm0, $0x2DB0, v2;
	v3 =	vsel vm0, $0x3EB0, v3  }
.LBB2_1:
0x1c: {  	[dreg:$0xa] =	wrdreg s7  }
0x1d: {  	s1 =	rddreg [dreg:$0x3]  }
0x1e: {  	[tilespmem:s2], [sflag:$0x1] =	stream.linear.gather [hbm4b:s1+s2], $0x100, $0x38;
	[tilespmem:$0x10A00] =	vst v63  }
0x1f: {  	_ =	swait.ge [sflag:s18], $0x100  }
0x20: {  	[sflag:s18] =	ssyncset.done $0x0  }
0x21: {  	[sflag:s18] =	ssyncadd.s32 $0xFFFFFF00  }
0x22: {  	[tilespmem:s20], [sflag:$0x3] =	stream.indirect.gather [hbm4b:s5+s19], $0x40, s2, s19, $0xb8;
	[tilespmem:$0x10A00] =	vst v63  }
0x23: {  	_ = 	snop  }
0x24: {  	[tilespmem:s21], [sflag:$0x3] =	stream.indirect.gather [hbm4b:s5+s19], $0x40, s19, s19, $0xb8;
	[tilespmem:$0x10A00] =	vst v63  }
0x25: {  	s10 =	rddreg [dreg:$0x5]  }
0x26: {  	[tilespmem:s22], [sflag:$0x2] =	stream.linear.gather [hbm4b:s10+s2], $0x100, $0x38;
	[tilespmem:$0x10A00] =	vst v63  }
0x27: {  	_ =	swait.ge [sflag:s23], $0x100  }
0x28: {  	s12 =	simm.s32 $0x0;
	[sflag:s23] =	ssyncset.done $0x0  }
0x29: {  	v4 =	vmov s12;
	[sflag:s23] =	ssyncadd.s32 $0xFFFFFF00  }
0x2a: {  	v4 =	vmul.u32 $0x440, v4;
	[tilespmem:s24], [sflag:$0x4] =	stream.indirect.gather [hbm4b:s5+s19], $0x40, s22, s19, $0xb8;
	[tilespmem:$0x10A00] =	vst v63  }
0x2b: {  	_ = 	snop  }
0x2c: {  	v4 =	vbroadcast v4, $0x0;
	[tilespmem:s26], [sflag:$0x4] =	stream.indirect.gather [hbm4b:s5+s19], $0x40, s25, s19, $0xb8;
	[tilespmem:$0x10A00] =	vst v63  }
0x2d: {  	v5 =	vmov s2;
	_ =	swait.ge [sflag:s28], $0x4000  }
0x2e: {  	v6 =	vand.u32 $0x78, v5;
	v7 =	vadd.s32 v0, v4;
	[sflag:s28] =	ssyncset.done $0x0  }
0x2f: {  	v5 =	vand.u32 $0x4, v5;
	v8 =	vadd.s32 v6, v7;
	s10 =	simm.s32 $0x280;
	[sflag:s28] =	ssyncadd.s32 $0xFFFFC000  }
0x30: {  	v8 =	vor.u32 v5, v8;
	v9 =	vld [tilespmem:s10+$0xFFFFFF80];
	_ =	sdelay $0x3  }
0x31: {  	v10 =	vadd.s32 v1, v4  }
0x32: {  	[tilespmem:v8+s29+$0x0] =	vst.idx.msk $0xffff, v9;
	v8 =	vadd.s32 v6, v10  }
0x33: {  	v9 =	vld [tilespmem:s10+$0xFFFFFF90];
	v8 =	vor.u32 v5, v8;
	_ =	sdelay $0x3  }
0x34: {  	v11 =	vadd.s32 v2, v4  }
0x35: {  	[tilespmem:v8+s29+$0x0] =	vst.idx.msk $0xffff, v9;
	v8 =	vadd.s32 v6, v11  }
0x36: {  	v9 =	vld [tilespmem:s10+$0xFFFFFFA0];
	v8 =	vor.u32 v5, v8;
	_ =	sdelay $0x3  }
0x37: {  	v4 =	vadd.s32 v3, v4  }
0x38: {  	v6 =	vadd.s32 v6, v4;
	[tilespmem:v8+s29+$0x0] =	vst.idx.msk $0xffff, v9  }
0x39: {  	v5 =	vor.u32 v5, v6;
	v8 =	vld [tilespmem:s10+$0xFFFFFFB0];
	_ =	sdelay $0x1  }
0x3a: {  	s14 =	simm.s32 $0x1  }
0x3b: {  	v6 =	vmov s14  }
0x3c: {  	v9 =	vand.u32 $0x78, v6  }
0x3d: {  	[tilespmem:v5+s29+$0x0] =	vst.idx.msk $0xffff, v8;
	v5 =	vand.u32 $0x5, v6;
	v6 =	vadd.s32 v7, v9  }
0x3e: {  	v8 =	vld [tilespmem:s10+$0xFFFFFFC0];
	v6 =	vor.u32 v5, v6;
	_ =	sdelay $0x4  }
0x3f: {  	[tilespmem:v6+s29+$0x0] =	vst.idx.msk $0xffff, v8;
	v6 =	vadd.s32 v10, v9  }
0x40: {  	v8 =	vld [tilespmem:s10+$0xFFFFFFD0];
	v6 =	vor.u32 v5, v6;
	_ =	sdelay $0x4  }
0x41: {  	[tilespmem:v6+s29+$0x0] =	vst.idx.msk $0xffff, v8;
	v6 =	vadd.s32 v11, v9  }
0x42: {  	v8 =	vld [tilespmem:s10+$0xFFFFFFE0];
	v6 =	vor.u32 v5, v6;
	_ =	sdelay $0x4  }
0x43: {  	[tilespmem:v6+s29+$0x0] =	vst.idx.msk $0xffff, v8;
	v6 =	vadd.s32 v4, v9  }
0x44: {  	v8 =	vld [tilespmem:s10+$0xFFFFFFF0];
	v5 =	vor.u32 v5, v6;
	_ =	sdelay $0x1  }
0x45: {  	s15 =	simm.s32 $0x2  }
0x46: {  	v6 =	vmov s15  }
0x47: {  	v9 =	vand.u32 $0x78, v6  }
0x48: {  	[tilespmem:v5+s29+$0x0] =	vst.idx.msk $0xffff, v8;
	v5 =	vand.u32 $0x6, v6;
	v6 =	vadd.s32 v7, v9  }
0x49: {  	v8 =	vld [tilespmem:s10+$0x0];
	v6 =	vor.u32 v5, v6;
	_ =	sdelay $0x4  }
0x4a: {  	[tilespmem:v6+s29+$0x0] =	vst.idx.msk $0xffff, v8;
	v6 =	vadd.s32 v10, v9  }
0x4b: {  	v8 =	vld [tilespmem:s10+$0x10];
	v6 =	vor.u32 v5, v6;
	_ =	sdelay $0x4  }
0x4c: {  	[tilespmem:v6+s29+$0x0] =	vst.idx.msk $0xffff, v8;
	v6 =	vadd.s32 v11, v9  }
0x4d: {  	v8 =	vld [tilespmem:s10+$0x20];
	v6 =	vor.u32 v5, v6;
	_ =	sdelay $0x4  }
0x4e: {  	[tilespmem:v6+s29+$0x0] =	vst.idx.msk $0xffff, v8;
	v6 =	vadd.s32 v4, v9  }
0x4f: {  	v8 =	vld [tilespmem:s10+$0x30];
	v5 =	vor.u32 v5, v6;
	_ =	sdelay $0x1  }
0x50: {  	s17 =	simm.s32 $0x3  }
0x51: {  	v6 =	vmov s17  }
0x52: {  	v9 =	vand.u32 $0x78, v6  }
0x53: {  	[tilespmem:v5+s29+$0x0] =	vst.idx.msk $0xffff, v8;
	v8 =	vand.u32 $0x7, v6;
	v5 =	vadd.s32 v7, v9  }
0x54: {  	v6 =	vld [tilespmem:s10+$0x40];
	v5 =	vor.u32 v8, v5;
	_ =	sdelay $0x4  }
0x55: {  	[tilespmem:v5+s29+$0x0] =	vst.idx.msk $0xffff, v6;
	v5 =	vadd.s32 v10, v9  }
0x56: {  	v6 =	vld [tilespmem:s10+$0x50];
	v5 =	vor.u32 v8, v5;
	_ =	sdelay $0x4  }
0x57: {  	[tilespmem:v5+s29+$0x0] =	vst.idx.msk $0xffff, v6;
	v6 =	vadd.s32 v11, v9  }
0x58: {  	v5 =	vld [tilespmem:s10+$0x60];
	v6 =	vor.u32 v8, v6;
	_ =	sdelay $0x3  }
0x59: {  	s7 =	simm.s32 $0x0;
	s1 =	simm.s32 $0x0;
	s14 =	simm.s32 $0x2  }
.LBB2_2:
0x5a: {  	p0 =	sne.s32 s14, $0x3F;
	v7 =	vmov s1;
	[tilespmem:v6+s29+$0x0] =	vst.idx.msk $0xffff, v5;
	v4 =	vadd.s32 v4, v9  }
0x5b: {  	v5 =	vmul.u32 $0x440, v7;
	v6 =	vld [tilespmem:s10+$0x70];
	v4 =	vor.u32 v8, v4;
	_ =	sdelay $0x1  }
0x5c: {  	s7 =	sadd.s32 $0x4, s7;
	v8 =	vbroadcast v5, $0x0  }
0x5d: {  	v7 =	vmov s7  }
0x5e: {  	v9 =	vand.u32 $0x78, v7;
	v5 =	vadd.s32 v0, v8  }
0x5f: {  	s10 =	sadd.s32 $0x100, s10;
	v10 =	vand.u32 $0x4, v7;
	v7 =	vadd.s32 v9, v5;
	[tilespmem:v4+s29+$0x0] =	vst.idx.msk $0xffff, v6  }
0x60: {  	v4 =	vld [tilespmem:s10+$0xFFFFFF80];
	v7 =	vor.u32 v10, v7;
	_ =	sdelay $0x3  }
0x61: {  	v6 =	vadd.s32 v1, v8  }
0x62: {  	[tilespmem:v7+s29+$0x0] =	vst.idx.msk $0xffff, v4;
	v4 =	vadd.s32 v9, v6  }
0x63: {  	v11 =	vld [tilespmem:s10+$0xFFFFFF90];
	v4 =	vor.u32 v10, v4;
	_ =	sdelay $0x3  }
0x64: {  	v7 =	vadd.s32 v2, v8  }
0x65: {  	[tilespmem:v4+s29+$0x0] =	vst.idx.msk $0xffff, v11;
	v4 =	vadd.s32 v9, v7  }
0x66: {  	v11 =	vld [tilespmem:s10+$0xFFFFFFA0];
	v12 =	vor.u32 v10, v4;
	_ =	sdelay $0x3  }
0x67: {  	v4 =	vadd.s32 v3, v8  }
0x68: {  	v8 =	vadd.s32 v9, v4;
	[tilespmem:v12+s29+$0x0] =	vst.idx.msk $0xffff, v11  }
0x69: {  	v8 =	vor.u32 v10, v8;
	v9 =	vld [tilespmem:s10+$0xFFFFFFB0];
	_ =	sdelay $0x1  }
0x6a: {  	s1 =	sadd.s32 $0x1, s7  }
0x6b: {  	v10 =	vmov s1  }
0x6c: {  	v11 =	vand.u32 $0x78, v10  }
0x6d: {  	[tilespmem:v8+s29+$0x0] =	vst.idx.msk $0xffff, v9;
	v8 =	vand.u32 $0x5, v10;
	v9 =	vadd.s32 v5, v11  }
0x6e: {  	v10 =	vld [tilespmem:s10+$0xFFFFFFC0];
	v9 =	vor.u32 v8, v9;
	_ =	sdelay $0x4  }
0x6f: {  	[tilespmem:v9+s29+$0x0] =	vst.idx.msk $0xffff, v10;
	v9 =	vadd.s32 v6, v11  }
0x70: {  	v10 =	vld [tilespmem:s10+$0xFFFFFFD0];
	v9 =	vor.u32 v8, v9;
	_ =	sdelay $0x4  }
0x71: {  	[tilespmem:v9+s29+$0x0] =	vst.idx.msk $0xffff, v10;
	v9 =	vadd.s32 v7, v11  }
0x72: {  	v10 =	vld [tilespmem:s10+$0xFFFFFFE0];
	v9 =	vor.u32 v8, v9;
	_ =	sdelay $0x4  }
0x73: {  	[tilespmem:v9+s29+$0x0] =	vst.idx.msk $0xffff, v10;
	v9 =	vadd.s32 v4, v11  }
0x74: {  	v10 =	vld [tilespmem:s10+$0xFFFFFFF0];
	v8 =	vor.u32 v8, v9;
	_ =	sdelay $0x1  }
0x75: {  	s1 =	sadd.s32 $0x2, s7  }
0x76: {  	v9 =	vmov s1  }
0x77: {  	v11 =	vand.u32 $0x78, v9  }
0x78: {  	[tilespmem:v8+s29+$0x0] =	vst.idx.msk $0xffff, v10;
	v8 =	vand.u32 $0x6, v9;
	v9 =	vadd.s32 v5, v11  }
0x79: {  	v10 =	vld [tilespmem:s10+$0x0];
	v9 =	vor.u32 v8, v9;
	_ =	sdelay $0x4  }
0x7a: {  	[tilespmem:v9+s29+$0x0] =	vst.idx.msk $0xffff, v10;
	v9 =	vadd.s32 v6, v11  }
0x7b: {  	v10 =	vld [tilespmem:s10+$0x10];
	v9 =	vor.u32 v8, v9;
	_ =	sdelay $0x4  }
0x7c: {  	[tilespmem:v9+s29+$0x0] =	vst.idx.msk $0xffff, v10;
	v9 =	vadd.s32 v7, v11  }
0x7d: {  	v10 =	vld [tilespmem:s10+$0x20];
	v9 =	vor.u32 v8, v9;
	_ =	sdelay $0x4  }
0x7e: {  	[tilespmem:v9+s29+$0x0] =	vst.idx.msk $0xffff, v10;
	v9 =	vadd.s32 v4, v11  }
0x7f: {  	v10 =	vld [tilespmem:s10+$0x30];
	v8 =	vor.u32 v8, v9;
	_ =	sdelay $0x1  }
0x80: {  	s1 =	sadd.s32 $0x3, s7  }
0x81: {  	v11 =	vmov s1  }
0x82: {  	v9 =	vand.u32 $0x78, v11  }
0x83: {  	v5 =	vadd.s32 v5, v9;
	[tilespmem:v8+s29+$0x0] =	vst.idx.msk $0xffff, v10;
	v8 =	vand.u32 $0x7, v11  }
0x84: {  	v10 =	vld [tilespmem:s10+$0x40];
	v5 =	vor.u32 v8, v5;
	_ =	sdelay $0x4  }
0x85: {  	[tilespmem:v5+s29+$0x0] =	vst.idx.msk $0xffff, v10;
	v5 =	vadd.s32 v6, v9  }
0x86: {  	v6 =	vld [tilespmem:s10+$0x50];
	v5 =	vor.u32 v8, v5;
	_ =	sdelay $0x4  }
0x87: {  	[tilespmem:v5+s29+$0x0] =	vst.idx.msk $0xffff, v6;
	v6 =	vadd.s32 v7, v9  }
.Ltmp0:
0x88: {  	v5 =	vld [tilespmem:s10+$0x60];
	v6 =	vor.u32 v8, v6;
	(pc) =	sbr.rel @p0 .LBB2_2-.Ltmp0, $2  }
0x89: {  	_ =	sdelay $0x2  }
0x8a: {  	s1 =	sshrl.u32 s14, $0x5;
	s14 =	sadd.s32 $0x1, s14  }
0x8b: {  	_ =	sdelay $0x3  }
0x8c: {  	v7 =	vmov s1;
	[tilespmem:v6+s29+$0x0] =	vst.idx.msk $0xffff, v5;
	v4 =	vadd.s32 v4, v9  }
0x8d: {  	v5 =	vmul.u32 $0x440, v7;
	v6 =	vld [tilespmem:s10+$0x70];
	v4 =	vor.u32 v8, v4;
	_ =	sdelay $0x1  }
0x8e: {  	s7 =	sadd.s32 $0x4, s7;
	v5 =	vbroadcast v5, $0x0  }
0x8f: {  	v41 =	vmov s7  }
0x90: {  	v42 =	vand.u32 $0x78, v41;
	v43 =	vadd.s32 v0, v5  }
0x91: {  	s15 =	sadd.s32 $0x100, s10;
	v7 =	vand.u32 $0x4, v41;
	v10 =	vadd.s32 v42, v43;
	[tilespmem:v4+s29+$0x0] =	vst.idx.msk $0xffff, v6  }
0x92: {  	v4 =	vld [tilespmem:s15+$0xFFFFFF80];
	v44 =	vor.u32 v7, v10;
	_ =	sdelay $0x3  }
0x93: {  	v45 =	vadd.s32 v1, v5  }
0x94: {  	[tilespmem:v44+s29+$0x0] =	vst.idx.msk $0xffff, v4;
	v4 =	vadd.s32 v42, v45  }
0x95: {  	v6 =	vld [tilespmem:s15+$0xFFFFFF90];
	v4 =	vor.u32 v7, v4;
	_ =	sdelay $0x3  }
0x96: {  	v11 =	vadd.s32 v2, v5  }
0x97: {  	[tilespmem:v4+s29+$0x0] =	vst.idx.msk $0xffff, v6;
	v4 =	vadd.s32 v42, v11  }
0x98: {  	v6 =	vld [tilespmem:s15+$0xFFFFFFA0];
	v4 =	vor.u32 v7, v4;
	_ =	sdelay $0x3  }
0x99: {  	v5 =	vadd.s32 v3, v5  }
0x9a: {  	[tilespmem:v4+s29+$0x0] =	vst.idx.msk $0xffff, v6;
	v4 =	vadd.s32 v42, v5  }
0x9b: {  	v6 =	vld [tilespmem:s15+$0xFFFFFFB0];
	v4 =	vor.u32 v7, v4;
	_ =	sdelay $0x1  }
0x9c: {  	s9 =	sadd.s32 $0x1, s7  }
0x9d: {  	v46 =	vmov s9  }
0x9e: {  	v47 =	vand.u32 $0x78, v46  }
0x9f: {  	v48 =	vadd.s32 v43, v47;
	[tilespmem:v4+s29+$0x0] =	vst.idx.msk $0xffff, v6;
	v4 =	vand.u32 $0x5, v46  }
0xa0: {  	v49 =	vld [tilespmem:s15+$0xFFFFFFC0];
	v6 =	vor.u32 v4, v48;
	_ =	sdelay $0x4  }
0xa1: {  	v50 =	vadd.s32 v45, v47;
	[tilespmem:v6+s29+$0x0] =	vst.idx.msk $0xffff, v49  }
0xa2: {  	v6 =	vor.u32 v4, v50;
	v7 =	vld [tilespmem:s15+$0xFFFFFFD0];
	_ =	sdelay $0x4  }
0xa3: {  	v51 =	vadd.s32 v11, v47;
	[tilespmem:v6+s29+$0x0] =	vst.idx.msk $0xffff, v7  }
0xa4: {  	v6 =	vor.u32 v4, v51;
	v7 =	vld [tilespmem:s15+$0xFFFFFFE0];
	_ =	sdelay $0x4  }
0xa5: {  	v52 =	vadd.s32 v5, v47;
	[tilespmem:v6+s29+$0x0] =	vst.idx.msk $0xffff, v7  }
0xa6: {  	v4 =	vor.u32 v4, v52;
	v7 =	vld [tilespmem:s15+$0xFFFFFFF0];
	_ =	sdelay $0x1  }
0xa7: {  	s17 =	sadd.s32 $0x2, s7  }
0xa8: {  	v53 =	vmov s17  }
0xa9: {  	v54 =	vand.u32 $0x78, v53  }
0xaa: {  	v55 =	vadd.s32 v43, v54;
	[tilespmem:v4+s29+$0x0] =	vst.idx.msk $0xffff, v7;
	v4 =	vand.u32 $0x6, v53  }
0xab: {  	v7 =	vld [tilespmem:s15+$0x0];
	v6 =	vor.u32 v4, v55;
	_ =	sdelay $0x4  }
0xac: {  	v56 =	vadd.s32 v45, v54;
	[tilespmem:v6+s29+$0x0] =	vst.idx.msk $0xffff, v7  }
0xad: {  	v6 =	vor.u32 v4, v56;
	v7 =	vld [tilespmem:s15+$0x10];
	_ =	sdelay $0x4  }
0xae: {  	v57 =	vadd.s32 v11, v54;
	[tilespmem:v6+s29+$0x0] =	vst.idx.msk $0xffff, v7  }
0xaf: {  	v6 =	vor.u32 v4, v57;
	v7 =	vld [tilespmem:s15+$0x20];
	_ =	sdelay $0x4  }
0xb0: {  	v58 =	vadd.s32 v5, v54;
	[tilespmem:v6+s29+$0x0] =	vst.idx.msk $0xffff, v7  }
0xb1: {  	v4 =	vor.u32 v4, v58;
	v7 =	vld [tilespmem:s15+$0x30];
	_ =	sdelay $0x1  }
0xb2: {  	s7 =	sadd.s32 $0x3, s7  }
0xb3: {  	v59 =	vmov s7  }
0xb4: {  	v60 =	vand.u32 $0x78, v59  }
0xb5: {  	v61 =	vadd.s32 v43, v60;
	[tilespmem:v4+s29+$0x0] =	vst.idx.msk $0xffff, v7;
	v4 =	vand.u32 $0x7, v59  }
0xb6: {  	v7 =	vld [tilespmem:s15+$0x40];
	v6 =	vor.u32 v4, v61;
	_ =	sdelay $0x4  }
0xb7: {  	v62 =	vadd.s32 v45, v60;
	[tilespmem:v6+s29+$0x0] =	vst.idx.msk $0xffff, v7  }
0xb8: {  	v6 =	vor.u32 v4, v62;
	v7 =	vld [tilespmem:s15+$0x50];
	_ =	sdelay $0x4  }
0xb9: {  	v63 =	vadd.s32 v11, v60;
	[tilespmem:v6+s29+$0x0] =	vst.idx.msk $0xffff, v7  }
0xba: {  	v6 =	vor.u32 v4, v63;
	v7 =	vld [tilespmem:s15+$0x60];
	_ =	sdelay $0x4  }
0xbb: {  	v5 =	vadd.s32 v5, v60;
	[tilespmem:v6+s29+$0x0] =	vst.idx.msk $0xffff, v7  }
0xbc: {  	v4 =	vor.u32 v4, v5;
	v6 =	vld [tilespmem:s15+$0x70];
	_ =	sdelay $0x4  }
0xbd: {  	s10 =	simm.s32 $0x8200;
	[tilespmem:v4+s29+$0x0] =	vst.idx.msk $0xffff, v6  }
0xbe: {  	[hbm4b:s8+s2] =	stream.linear.scatter [tilespmem:s10], [sflag:$0x5], $0x80, $0x38;
	[tilespmem:$0x10A00] =	vst v63  }
0xbf: {  	s12 =	simm.s32 $0x8288;
	s14 =	sadd.s32 $0x10, s8  }
0xc0: {  	[hbm4b:s14+s2] =	stream.linear.scatter [tilespmem:s12], [sflag:$0x5], $0x80, $0x38;
	[tilespmem:$0x10A00] =	vst v63  }
0xc1: {  	s17 =	sadd.s32 $0x20, s8;
	s15 =	simm.s32 $0x8310  }
0xc2: {  	[hbm4b:s17+s2] =	stream.linear.scatter [tilespmem:s15], [sflag:$0x5], $0x80, $0x38;
	[tilespmem:$0x10A00] =	vst v63  }
0xc3: {  	s9 =	simm.s32 $0x8398;
	s10 =	sadd.s32 $0x30, s8  }
0xc4: {  	[hbm4b:s10+s2] =	stream.linear.scatter [tilespmem:s9], [sflag:$0x5], $0x80, $0x38;
	[tilespmem:$0x10A00] =	vst v63  }
0xc5: {  	s12 =	simm.s32 $0x8420;
	s14 =	sadd.s32 $0x40, s8  }
0xc6: {  	[hbm4b:s14+s2] =	stream.linear.scatter [tilespmem:s12], [sflag:$0x5], $0x80, $0x38;
	[tilespmem:$0x10A00] =	vst v63  }
0xc7: {  	s15 =	simm.s32 $0x84A8;
	s17 =	sadd.s32 $0x50, s8  }
0xc8: {  	[hbm4b:s17+s2] =	stream.linear.scatter [tilespmem:s15], [sflag:$0x5], $0x80, $0x38;
	[tilespmem:$0x10A00] =	vst v63  }
0xc9: {  	s9 =	simm.s32 $0x8530;
	s10 =	sadd.s32 $0x60, s8  }
0xca: {  	[hbm4b:s10+s2] =	stream.linear.scatter [tilespmem:s9], [sflag:$0x5], $0x80, $0x38;
	[tilespmem:$0x10A00] =	vst v63  }
0xcb: {  	s12 =	simm.s32 $0x85B8;
	s14 =	sadd.s32 $0x70, s8  }
0xcc: {  	[hbm4b:s14+s2] =	stream.linear.scatter [tilespmem:s12], [sflag:$0x5], $0x80, $0x38;
	[tilespmem:$0x10A00] =	vst v63  }
0xcd: {  	s15 =	simm.s32 $0x8640;
	s17 =	sadd.s32 $0x80, s8  }
0xce: {  	[hbm4b:s17+s2] =	stream.linear.scatter [tilespmem:s15], [sflag:$0x5], $0x80, $0x38;
	[tilespmem:$0x10A00] =	vst v63  }
0xcf: {  	s9 =	simm.s32 $0x86C8;
	s10 =	sadd.s32 $0x90, s8  }
0xd0: {  	[hbm4b:s10+s2] =	stream.linear.scatter [tilespmem:s9], [sflag:$0x5], $0x80, $0x38;
	[tilespmem:$0x10A00] =	vst v63  }
0xd1: {  	s1 =	simm.s32 $0x4400;
	s12 =	simm.s32 $0x8750;
	s14 =	sadd.s32 $0xA0, s8  }
0xd2: {  	[hbm4b:s14+s2] =	stream.linear.scatter [tilespmem:s12], [sflag:$0x5], $0x80, $0x38;
	[tilespmem:$0x10A00] =	vst v63  }
0xd3: {  	s7 =	simm.s32 $0x880;
	s15 =	simm.s32 $0x87D8;
	s17 =	sadd.s32 $0xB0, s8  }
0xd4: {  	[hbm4b:s17+s2] =	stream.linear.scatter [tilespmem:s15], [sflag:$0x5], $0x80, $0x38;
	[tilespmem:$0x10A00] =	vst v63  }
0xd5: {  	s9 =	simm.s32 $0x8860;
	s10 =	sadd.s32 $0xC0, s8;
	s12 =	simm.s32 $0x88E8  }
0xd6: {  	[hbm4b:s10+s2] =	stream.linear.scatter [tilespmem:s9], [sflag:$0x5], $0x80, $0x38;
	[tilespmem:$0x10A00] =	vst v63  }
0xd7: {  	s14 =	sadd.s32 $0xD0, s8;
	s15 =	simm.s32 $0x8970;
	s17 =	sadd.s32 $0xE0, s8  }
0xd8: {  	[hbm4b:s14+s2] =	stream.linear.scatter [tilespmem:s12], [sflag:$0x5], $0x80, $0x38;
	[tilespmem:$0x10A00] =	vst v63  }
0xd9: {  	s10 =	simm.s32 $0x89F8;
	s9 =	sadd.s32 $0x4000, s8;
	s12 =	sadd.s32 $0xF0, s8  }
0xda: {  	[hbm4b:s17+s2] =	stream.linear.scatter [tilespmem:s15], [sflag:$0x5], $0x80, $0x38;
	[tilespmem:$0x10A00] =	vst v63  }
.LBB2_4:
0xdb: {  	[hbm4b:s12+s2] =	stream.linear.scatter [tilespmem:s10], [sflag:$0x5], $0x80, $0x38;
	[tilespmem:$0x10A00] =	vst v63  }
0xdc: {  	s10 =	smov.u32 s7;
	s7 =	smov.u32 s1  }
0xdd: {  	s14 =	sadd.s32 $0x2200, s1;
	s7 =	sshra.s32 s7, $0x2;
	s12 =	sadd.s32 $0x8200, s10  }
0xde: {  	[hbm4b:s9+s2] =	stream.linear.scatter [tilespmem:s12], [sflag:$0x5], $0x80, $0x38;
	[tilespmem:$0x10A00] =	vst v63  }
0xdf: {  	p0 =	sne.s32 s1, $0xEE00;
	s1 =	sadd.s32 $0x8288, s10;
	s12 =	sadd.s32 $0x10, s9  }
0xe0: {  	[hbm4b:s12+s2] =	stream.linear.scatter [tilespmem:s1], [sflag:$0x5], $0x80, $0x38;
	[tilespmem:$0x10A00] =	vst v63  }
0xe1: {  	s1 =	sadd.s32 $0x8310, s10;
	s12 =	sadd.s32 $0x20, s9  }
0xe2: {  	[hbm4b:s12+s2] =	stream.linear.scatter [tilespmem:s1], [sflag:$0x5], $0x80, $0x38;
	[tilespmem:$0x10A00] =	vst v63  }
0xe3: {  	s1 =	sadd.s32 $0x8398, s10;
	s12 =	sadd.s32 $0x30, s9  }
0xe4: {  	[hbm4b:s12+s2] =	stream.linear.scatter [tilespmem:s1], [sflag:$0x5], $0x80, $0x38;
	[tilespmem:$0x10A00] =	vst v63  }
0xe5: {  	s1 =	sadd.s32 $0x8420, s10;
	s12 =	sadd.s32 $0x40, s9  }
0xe6: {  	[hbm4b:s12+s2] =	stream.linear.scatter [tilespmem:s1], [sflag:$0x5], $0x80, $0x38;
	[tilespmem:$0x10A00] =	vst v63  }
0xe7: {  	s1 =	sadd.s32 $0x84A8, s10;
	s12 =	sadd.s32 $0x50, s9  }
0xe8: {  	[hbm4b:s12+s2] =	stream.linear.scatter [tilespmem:s1], [sflag:$0x5], $0x80, $0x38;
	[tilespmem:$0x10A00] =	vst v63  }
0xe9: {  	s1 =	sadd.s32 $0x8530, s10;
	s12 =	sadd.s32 $0x60, s9  }
0xea: {  	[hbm4b:s12+s2] =	stream.linear.scatter [tilespmem:s1], [sflag:$0x5], $0x80, $0x38;
	[tilespmem:$0x10A00] =	vst v63  }
0xeb: {  	s1 =	sadd.s32 $0x85B8, s10;
	s12 =	sadd.s32 $0x70, s9  }
0xec: {  	[hbm4b:s12+s2] =	stream.linear.scatter [tilespmem:s1], [sflag:$0x5], $0x80, $0x38;
	[tilespmem:$0x10A00] =	vst v63  }
0xed: {  	s1 =	sadd.s32 $0x8640, s10;
	s12 =	sadd.s32 $0x80, s9  }
0xee: {  	[hbm4b:s12+s2] =	stream.linear.scatter [tilespmem:s1], [sflag:$0x5], $0x80, $0x38;
	[tilespmem:$0x10A00] =	vst v63  }
0xef: {  	s1 =	sadd.s32 $0x86C8, s10;
	s12 =	sadd.s32 $0x90, s9  }
0xf0: {  	[hbm4b:s12+s2] =	stream.linear.scatter [tilespmem:s1], [sflag:$0x5], $0x80, $0x38;
	[tilespmem:$0x10A00] =	vst v63  }
0xf1: {  	s1 =	sadd.s32 $0x8750, s10;
	s12 =	sadd.s32 $0xA0, s9  }
0xf2: {  	[hbm4b:s12+s2] =	stream.linear.scatter [tilespmem:s1], [sflag:$0x5], $0x80, $0x38;
	[tilespmem:$0x10A00] =	vst v63  }
0xf3: {  	s1 =	sadd.s32 $0x87D8, s10;
	s12 =	sadd.s32 $0xB0, s9  }
0xf4: {  	[hbm4b:s12+s2] =	stream.linear.scatter [tilespmem:s1], [sflag:$0x5], $0x80, $0x38;
	[tilespmem:$0x10A00] =	vst v63  }
0xf5: {  	s1 =	sadd.s32 $0x8860, s10;
	s12 =	sadd.s32 $0xC0, s9  }
0xf6: {  	[hbm4b:s12+s2] =	stream.linear.scatter [tilespmem:s1], [sflag:$0x5], $0x80, $0x38;
	[tilespmem:$0x10A00] =	vst v63  }
.Ltmp1:
0xf7: {  	s1 =	sadd.s32 $0x88E8, s10;
	s12 =	sadd.s32 $0xD0, s9;
	(pc) =	sbr.rel @p0 .LBB2_4-.Ltmp1, $4  }
0xf8: {  	[hbm4b:s12+s2] =	stream.linear.scatter [tilespmem:s1], [sflag:$0x5], $0x80, $0x38;
	[tilespmem:$0x10A00] =	vst v63  }
0xf9: {  	s1 =	sadd.s32 $0x8970, s10;
	s12 =	sadd.s32 $0xE0, s9;
	s10 =	sadd.s32 $0x89F8, s10  }
0xfa: {  	[hbm4b:s12+s2] =	stream.linear.scatter [tilespmem:s1], [sflag:$0x5], $0x80, $0x38;
	[tilespmem:$0x10A00] =	vst v63  }
0xfb: {  	s12 =	sadd.s32 $0xF0, s9;
	s9 =	sadd.s32 $0x4000, s9;
	s1 =	smov.u32 s14  }
0xfc: {  	[hbm4b:s12+s2] =	stream.linear.scatter [tilespmem:s10], [sflag:$0x5], $0x80, $0x38;
	[tilespmem:$0x10A00] =	vst v63  }
0xfd: {  	s1 =	sadd.s32 $0x8200, s7  }
0xfe: {  	[hbm4b:s9+s2] =	stream.linear.scatter [tilespmem:s1], [sflag:$0x5], $0x80, $0x38;
	[tilespmem:$0x10A00] =	vst v63  }
0xff: {  	s15 =	sadd.s32 $0x8288, s7;
	s17 =	sadd.s32 $0x10, s9  }
0x100: {  	[hbm4b:s17+s2] =	stream.linear.scatter [tilespmem:s15], [sflag:$0x5], $0x80, $0x38;
	[tilespmem:$0x10A00] =	vst v63  }
0x101: {  	s12 =	sadd.s32 $0x8310, s7;
	s14 =	sadd.s32 $0x20, s9  }
0x102: {  	[hbm4b:s14+s2] =	stream.linear.scatter [tilespmem:s12], [sflag:$0x5], $0x80, $0x38;
	[tilespmem:$0x10A00] =	vst v63  }
0x103: {  	s15 =	sadd.s32 $0x8398, s7;
	s17 =	sadd.s32 $0x30, s9  }
0x104: {  	[hbm4b:s17+s2] =	stream.linear.scatter [tilespmem:s15], [sflag:$0x5], $0x80, $0x38;
	[tilespmem:$0x10A00] =	vst v63  }
0x105: {  	s12 =	sadd.s32 $0x8420, s7;
	s14 =	sadd.s32 $0x40, s9  }
0x106: {  	[hbm4b:s14+s2] =	stream.linear.scatter [tilespmem:s12], [sflag:$0x5], $0x80, $0x38;
	[tilespmem:$0x10A00] =	vst v63  }
0x107: {  	s15 =	sadd.s32 $0x84A8, s7;
	s17 =	sadd.s32 $0x50, s9  }
0x108: {  	[hbm4b:s17+s2] =	stream.linear.scatter [tilespmem:s15], [sflag:$0x5], $0x80, $0x38;
	[tilespmem:$0x10A00] =	vst v63  }
0x109: {  	s12 =	sadd.s32 $0x8530, s7;
	s14 =	sadd.s32 $0x60, s9  }
0x10a: {  	[hbm4b:s14+s2] =	stream.linear.scatter [tilespmem:s12], [sflag:$0x5], $0x80, $0x38;
	[tilespmem:$0x10A00] =	vst v63  }
0x10b: {  	s15 =	sadd.s32 $0x85B8, s7;
	s17 =	sadd.s32 $0x70, s9  }
0x10c: {  	[hbm4b:s17+s2] =	stream.linear.scatter [tilespmem:s15], [sflag:$0x5], $0x80, $0x38;
	[tilespmem:$0x10A00] =	vst v63  }
0x10d: {  	s12 =	sadd.s32 $0x8640, s7;
	s14 =	sadd.s32 $0x80, s9  }
0x10e: {  	[hbm4b:s14+s2] =	stream.linear.scatter [tilespmem:s12], [sflag:$0x5], $0x80, $0x38;
	[tilespmem:$0x10A00] =	vst v63  }
0x10f: {  	s15 =	sadd.s32 $0x86C8, s7;
	s17 =	sadd.s32 $0x90, s9  }
0x110: {  	[hbm4b:s17+s2] =	stream.linear.scatter [tilespmem:s15], [sflag:$0x5], $0x80, $0x38;
	[tilespmem:$0x10A00] =	vst v63  }
0x111: {  	s12 =	sadd.s32 $0x8750, s7;
	s14 =	sadd.s32 $0xA0, s9  }
0x112: {  	[hbm4b:s14+s2] =	stream.linear.scatter [tilespmem:s12], [sflag:$0x5], $0x80, $0x38;
	[tilespmem:$0x10A00] =	vst v63  }
0x113: {  	s15 =	sadd.s32 $0x87D8, s7;
	s17 =	sadd.s32 $0xB0, s9  }
0x114: {  	[hbm4b:s17+s2] =	stream.linear.scatter [tilespmem:s15], [sflag:$0x5], $0x80, $0x38;
	[tilespmem:$0x10A00] =	vst v63  }
0x115: {  	s12 =	sadd.s32 $0x8860, s7;
	s14 =	sadd.s32 $0xC0, s9  }
0x116: {  	[hbm4b:s14+s2] =	stream.linear.scatter [tilespmem:s12], [sflag:$0x5], $0x80, $0x38;
	[tilespmem:$0x10A00] =	vst v63  }
0x117: {  	s15 =	sadd.s32 $0x88E8, s7;
	s17 =	sadd.s32 $0xD0, s9  }
0x118: {  	[hbm4b:s17+s2] =	stream.linear.scatter [tilespmem:s15], [sflag:$0x5], $0x80, $0x38;
	[tilespmem:$0x10A00] =	vst v63  }
0x119: {  	s10 =	sadd.s32 $0x8970, s7;
	s12 =	sadd.s32 $0xE0, s9  }
0x11a: {  	[hbm4b:s12+s2] =	stream.linear.scatter [tilespmem:s10], [sflag:$0x5], $0x80, $0x38;
	[tilespmem:$0x10A00] =	vst v63  }
0x11b: {  	s14 =	sadd.s32 $0x89F8, s7;
	s15 =	sadd.s32 $0xF0, s9  }
0x11c: {  	[hbm4b:s15+s2] =	stream.linear.scatter [tilespmem:s14], [sflag:$0x5], $0x80, $0x38;
	[tilespmem:$0x10A00] =	vst v63  }
0x11d: {  	s17 =	rddreg [dreg:$0x4];
	s10 =	simm.s32 $0x1  }
0x11e: {  	[tilespmem:s2], [sflag:$0x1] =	stream.linear.gather [hbm4b:s17+s2], $0x100, $0x38;
	[tilespmem:$0x10A00] =	vst v63  }
.LBB2_6:
0x11f: {  	_ =	swait.ge [sflag:s30], $0x4000  }
0x120: {  	[sflag:s30] =	ssyncset.done $0x0  }
0x121: {  	[sflag:s30] =	ssyncadd.s32 $0xFFFFC000  }
0x122: {  	_ =	swait.ge [sflag:s18], $0x100  }
0x123: {  	s1 =	simm.s32 $0x0;
	[sflag:s18] =	ssyncset.done $0x0  }
0x124: {  	s14 =	simm.s32 $0x0;
	v4 =	vmov s1;
	[sflag:s18] =	ssyncadd.s32 $0xFFFFFF00  }
0x125: {  	v4 =	vmul.u32 $0x440, v4;
	[tilespmem:s20], [sflag:$0x3] =	stream.indirect.gather [hbm4b:s5+s19], $0x40, s14, s19, $0xb8;
	[tilespmem:$0x10A00] =	vst v63  }
0x126: {  	_ = 	snop  }
0x127: {  	v4 =	vbroadcast v4, $0x0;
	[tilespmem:s21], [sflag:$0x3] =	stream.indirect.gather [hbm4b:s5+s19], $0x40, s19, s19, $0xb8;
	[tilespmem:$0x10A00] =	vst v63  }
0x128: {  	v5 =	vmov s14;
	_ =	swait.ge [sflag:s31], $0x4000  }
0x129: {  	v6 =	vand.u32 $0x78, v5;
	v7 =	vadd.s32 v0, v4;
	[sflag:s31] =	ssyncset.done $0x0  }
0x12a: {  	s17 =	simm.s32 $0x4280;
	v5 =	vand.u32 $0x4, v5;
	v8 =	vadd.s32 v6, v7;
	[sflag:s31] =	ssyncadd.s32 $0xFFFFC000  }
0x12b: {  	v8 =	vor.u32 v5, v8;
	v9 =	vld [tilespmem:s17+$0xFFFFFF80];
	_ =	sdelay $0x3  }
0x12c: {  	v10 =	vadd.s32 v1, v4  }
0x12d: {  	[tilespmem:v8+s0+$0x0] =	vst.idx.msk $0xffff, v9;
	v8 =	vadd.s32 v6, v10  }
0x12e: {  	v9 =	vld [tilespmem:s17+$0xFFFFFF90];
	v8 =	vor.u32 v5, v8;
	_ =	sdelay $0x3  }
0x12f: {  	v11 =	vadd.s32 v2, v4  }
0x130: {  	[tilespmem:v8+s0+$0x0] =	vst.idx.msk $0xffff, v9;
	v8 =	vadd.s32 v6, v11  }
0x131: {  	v9 =	vld [tilespmem:s17+$0xFFFFFFA0];
	v8 =	vor.u32 v5, v8;
	_ =	sdelay $0x3  }
0x132: {  	v4 =	vadd.s32 v3, v4  }
0x133: {  	v6 =	vadd.s32 v6, v4;
	[tilespmem:v8+s0+$0x0] =	vst.idx.msk $0xffff, v9  }
0x134: {  	v5 =	vor.u32 v5, v6;
	v8 =	vld [tilespmem:s17+$0xFFFFFFB0];
	_ =	sdelay $0x1  }
0x135: {  	s9 =	simm.s32 $0x1  }
0x136: {  	v6 =	vmov s9  }
0x137: {  	v9 =	vand.u32 $0x78, v6  }
0x138: {  	[tilespmem:v5+s0+$0x0] =	vst.idx.msk $0xffff, v8;
	v5 =	vand.u32 $0x5, v6;
	v6 =	vadd.s32 v7, v9  }
0x139: {  	v8 =	vld [tilespmem:s17+$0xFFFFFFC0];
	v6 =	vor.u32 v5, v6;
	_ =	sdelay $0x4  }
0x13a: {  	[tilespmem:v6+s0+$0x0] =	vst.idx.msk $0xffff, v8;
	v6 =	vadd.s32 v10, v9  }
0x13b: {  	v8 =	vld [tilespmem:s17+$0xFFFFFFD0];
	v6 =	vor.u32 v5, v6;
	_ =	sdelay $0x4  }
0x13c: {  	[tilespmem:v6+s0+$0x0] =	vst.idx.msk $0xffff, v8;
	v6 =	vadd.s32 v11, v9  }
0x13d: {  	v8 =	vld [tilespmem:s17+$0xFFFFFFE0];
	v6 =	vor.u32 v5, v6;
	_ =	sdelay $0x4  }
0x13e: {  	[tilespmem:v6+s0+$0x0] =	vst.idx.msk $0xffff, v8;
	v6 =	vadd.s32 v4, v9  }
0x13f: {  	v8 =	vld [tilespmem:s17+$0xFFFFFFF0];
	v5 =	vor.u32 v5, v6;
	_ =	sdelay $0x1  }
0x140: {  	s12 =	simm.s32 $0x2  }
0x141: {  	v6 =	vmov s12  }
0x142: {  	v9 =	vand.u32 $0x78, v6  }
0x143: {  	[tilespmem:v5+s0+$0x0] =	vst.idx.msk $0xffff, v8;
	v5 =	vand.u32 $0x6, v6;
	v6 =	vadd.s32 v7, v9  }
0x144: {  	v8 =	vld [tilespmem:s17+$0x0];
	v6 =	vor.u32 v5, v6;
	_ =	sdelay $0x4  }
0x145: {  	[tilespmem:v6+s0+$0x0] =	vst.idx.msk $0xffff, v8;
	v6 =	vadd.s32 v10, v9  }
0x146: {  	v8 =	vld [tilespmem:s17+$0x10];
	v6 =	vor.u32 v5, v6;
	_ =	sdelay $0x4  }
0x147: {  	[tilespmem:v6+s0+$0x0] =	vst.idx.msk $0xffff, v8;
	v6 =	vadd.s32 v11, v9  }
0x148: {  	v8 =	vld [tilespmem:s17+$0x20];
	v6 =	vor.u32 v5, v6;
	_ =	sdelay $0x4  }
0x149: {  	[tilespmem:v6+s0+$0x0] =	vst.idx.msk $0xffff, v8;
	v6 =	vadd.s32 v4, v9  }
0x14a: {  	v8 =	vld [tilespmem:s17+$0x30];
	v5 =	vor.u32 v5, v6;
	_ =	sdelay $0x1  }
0x14b: {  	s15 =	simm.s32 $0x3  }
0x14c: {  	v6 =	vmov s15  }
0x14d: {  	v9 =	vand.u32 $0x78, v6  }
0x14e: {  	[tilespmem:v5+s0+$0x0] =	vst.idx.msk $0xffff, v8;
	v8 =	vand.u32 $0x7, v6;
	v5 =	vadd.s32 v7, v9  }
0x14f: {  	v6 =	vld [tilespmem:s17+$0x40];
	v5 =	vor.u32 v8, v5;
	_ =	sdelay $0x4  }
0x150: {  	[tilespmem:v5+s0+$0x0] =	vst.idx.msk $0xffff, v6;
	v5 =	vadd.s32 v10, v9  }
0x151: {  	v6 =	vld [tilespmem:s17+$0x50];
	v5 =	vor.u32 v8, v5;
	_ =	sdelay $0x4  }
0x152: {  	[tilespmem:v5+s0+$0x0] =	vst.idx.msk $0xffff, v6;
	v6 =	vadd.s32 v11, v9  }
0x153: {  	v5 =	vld [tilespmem:s17+$0x60];
	v6 =	vor.u32 v8, v6;
	_ =	sdelay $0x3  }
0x154: {  	s7 =	simm.s32 $0x2;
	s1 =	simm.s32 $0x0  }
.LBB2_7:
0x155: {  	p0 =	sne.s32 s7, $0x3F;
	v7 =	vmov s1;
	[tilespmem:v6+s0+$0x0] =	vst.idx.msk $0xffff, v5;
	v4 =	vadd.s32 v4, v9  }
0x156: {  	v5 =	vmul.u32 $0x440, v7;
	v6 =	vld [tilespmem:s17+$0x70];
	v4 =	vor.u32 v8, v4;
	_ =	sdelay $0x1  }
0x157: {  	s14 =	sadd.s32 $0x4, s14;
	v8 =	vbroadcast v5, $0x0  }
0x158: {  	v7 =	vmov s14  }
0x159: {  	v9 =	vand.u32 $0x78, v7;
	v5 =	vadd.s32 v0, v8  }
0x15a: {  	s17 =	sadd.s32 $0x100, s17;
	v10 =	vand.u32 $0x4, v7;
	v7 =	vadd.s32 v9, v5;
	[tilespmem:v4+s0+$0x0] =	vst.idx.msk $0xffff, v6  }
0x15b: {  	v4 =	vld [tilespmem:s17+$0xFFFFFF80];
	v7 =	vor.u32 v10, v7;
	_ =	sdelay $0x3  }
0x15c: {  	v6 =	vadd.s32 v1, v8  }
0x15d: {  	[tilespmem:v7+s0+$0x0] =	vst.idx.msk $0xffff, v4;
	v4 =	vadd.s32 v9, v6  }
0x15e: {  	v11 =	vld [tilespmem:s17+$0xFFFFFF90];
	v4 =	vor.u32 v10, v4;
	_ =	sdelay $0x3  }
0x15f: {  	v7 =	vadd.s32 v2, v8  }
0x160: {  	[tilespmem:v4+s0+$0x0] =	vst.idx.msk $0xffff, v11;
	v4 =	vadd.s32 v9, v7  }
0x161: {  	v11 =	vld [tilespmem:s17+$0xFFFFFFA0];
	v12 =	vor.u32 v10, v4;
	_ =	sdelay $0x3  }
0x162: {  	v4 =	vadd.s32 v3, v8  }
0x163: {  	v8 =	vadd.s32 v9, v4;
	[tilespmem:v12+s0+$0x0] =	vst.idx.msk $0xffff, v11  }
0x164: {  	v8 =	vor.u32 v10, v8;
	v9 =	vld [tilespmem:s17+$0xFFFFFFB0];
	_ =	sdelay $0x1  }
0x165: {  	s1 =	sadd.s32 $0x1, s14  }
0x166: {  	v10 =	vmov s1  }
0x167: {  	v11 =	vand.u32 $0x78, v10  }
0x168: {  	[tilespmem:v8+s0+$0x0] =	vst.idx.msk $0xffff, v9;
	v8 =	vand.u32 $0x5, v10;
	v9 =	vadd.s32 v5, v11  }
0x169: {  	v10 =	vld [tilespmem:s17+$0xFFFFFFC0];
	v9 =	vor.u32 v8, v9;
	_ =	sdelay $0x4  }
0x16a: {  	[tilespmem:v9+s0+$0x0] =	vst.idx.msk $0xffff, v10;
	v9 =	vadd.s32 v6, v11  }
0x16b: {  	v10 =	vld [tilespmem:s17+$0xFFFFFFD0];
	v9 =	vor.u32 v8, v9;
	_ =	sdelay $0x4  }
0x16c: {  	[tilespmem:v9+s0+$0x0] =	vst.idx.msk $0xffff, v10;
	v9 =	vadd.s32 v7, v11  }
0x16d: {  	v10 =	vld [tilespmem:s17+$0xFFFFFFE0];
	v9 =	vor.u32 v8, v9;
	_ =	sdelay $0x4  }
0x16e: {  	[tilespmem:v9+s0+$0x0] =	vst.idx.msk $0xffff, v10;
	v9 =	vadd.s32 v4, v11  }
0x16f: {  	v10 =	vld [tilespmem:s17+$0xFFFFFFF0];
	v8 =	vor.u32 v8, v9;
	_ =	sdelay $0x1  }
0x170: {  	s1 =	sadd.s32 $0x2, s14  }
0x171: {  	v9 =	vmov s1  }
0x172: {  	v11 =	vand.u32 $0x78, v9  }
0x173: {  	[tilespmem:v8+s0+$0x0] =	vst.idx.msk $0xffff, v10;
	v8 =	vand.u32 $0x6, v9;
	v9 =	vadd.s32 v5, v11  }
0x174: {  	v10 =	vld [tilespmem:s17+$0x0];
	v9 =	vor.u32 v8, v9;
	_ =	sdelay $0x4  }
0x175: {  	[tilespmem:v9+s0+$0x0] =	vst.idx.msk $0xffff, v10;
	v9 =	vadd.s32 v6, v11  }
0x176: {  	v10 =	vld [tilespmem:s17+$0x10];
	v9 =	vor.u32 v8, v9;
	_ =	sdelay $0x4  }
0x177: {  	[tilespmem:v9+s0+$0x0] =	vst.idx.msk $0xffff, v10;
	v9 =	vadd.s32 v7, v11  }
0x178: {  	v10 =	vld [tilespmem:s17+$0x20];
	v9 =	vor.u32 v8, v9;
	_ =	sdelay $0x4  }
0x179: {  	[tilespmem:v9+s0+$0x0] =	vst.idx.msk $0xffff, v10;
	v9 =	vadd.s32 v4, v11  }
0x17a: {  	v10 =	vld [tilespmem:s17+$0x30];
	v8 =	vor.u32 v8, v9;
	_ =	sdelay $0x1  }
0x17b: {  	s1 =	sadd.s32 $0x3, s14  }
0x17c: {  	v11 =	vmov s1  }
0x17d: {  	v9 =	vand.u32 $0x78, v11  }
0x17e: {  	v5 =	vadd.s32 v5, v9;
	[tilespmem:v8+s0+$0x0] =	vst.idx.msk $0xffff, v10;
	v8 =	vand.u32 $0x7, v11  }
0x17f: {  	v10 =	vld [tilespmem:s17+$0x40];
	v5 =	vor.u32 v8, v5;
	_ =	sdelay $0x4  }
0x180: {  	[tilespmem:v5+s0+$0x0] =	vst.idx.msk $0xffff, v10;
	v5 =	vadd.s32 v6, v9  }
0x181: {  	v6 =	vld [tilespmem:s17+$0x50];
	v5 =	vor.u32 v8, v5;
	_ =	sdelay $0x4  }
0x182: {  	[tilespmem:v5+s0+$0x0] =	vst.idx.msk $0xffff, v6;
	v6 =	vadd.s32 v7, v9  }
.Ltmp2:
0x183: {  	v5 =	vld [tilespmem:s17+$0x60];
	v6 =	vor.u32 v8, v6;
	(pc) =	sbr.rel @p0 .LBB2_7-.Ltmp2, $2  }
0x184: {  	_ =	sdelay $0x2  }
0x185: {  	s1 =	sshrl.u32 s7, $0x5;
	s7 =	sadd.s32 $0x1, s7  }
0x186: {  	_ =	sdelay $0x3  }
0x187: {  	v7 =	vmov s1;
	[tilespmem:v6+s0+$0x0] =	vst.idx.msk $0xffff, v5;
	v4 =	vadd.s32 v4, v9  }
0x188: {  	v5 =	vmul.u32 $0x440, v7;
	v6 =	vld [tilespmem:s17+$0x70];
	v4 =	vor.u32 v8, v4;
	_ =	sdelay $0x1  }
0x189: {  	s7 =	sadd.s32 $0x4, s14;
	v5 =	vbroadcast v5, $0x0  }
0x18a: {  	v41 =	vmov s7  }
0x18b: {  	v42 =	vand.u32 $0x78, v41;
	v43 =	vadd.s32 v0, v5  }
0x18c: {  	s12 =	sadd.s32 $0x100, s17;
	v7 =	vand.u32 $0x4, v41;
	v10 =	vadd.s32 v42, v43;
	[tilespmem:v4+s0+$0x0] =	vst.idx.msk $0xffff, v6  }
0x18d: {  	v4 =	vld [tilespmem:s12+$0xFFFFFF80];
	v44 =	vor.u32 v7, v10;
	_ =	sdelay $0x3  }
0x18e: {  	v45 =	vadd.s32 v1, v5  }
0x18f: {  	[tilespmem:v44+s0+$0x0] =	vst.idx.msk $0xffff, v4;
	v4 =	vadd.s32 v42, v45  }
0x190: {  	v6 =	vld [tilespmem:s12+$0xFFFFFF90];
	v4 =	vor.u32 v7, v4;
	_ =	sdelay $0x3  }
0x191: {  	v11 =	vadd.s32 v2, v5  }
0x192: {  	[tilespmem:v4+s0+$0x0] =	vst.idx.msk $0xffff, v6;
	v4 =	vadd.s32 v42, v11  }
0x193: {  	v6 =	vld [tilespmem:s12+$0xFFFFFFA0];
	v4 =	vor.u32 v7, v4;
	_ =	sdelay $0x3  }
0x194: {  	v5 =	vadd.s32 v3, v5  }
0x195: {  	[tilespmem:v4+s0+$0x0] =	vst.idx.msk $0xffff, v6;
	v4 =	vadd.s32 v42, v5  }
0x196: {  	v6 =	vld [tilespmem:s12+$0xFFFFFFB0];
	v4 =	vor.u32 v7, v4;
	_ =	sdelay $0x1  }
0x197: {  	s9 =	sadd.s32 $0x1, s7  }
0x198: {  	v46 =	vmov s9  }
0x199: {  	v47 =	vand.u32 $0x78, v46  }
0x19a: {  	v48 =	vadd.s32 v43, v47;
	[tilespmem:v4+s0+$0x0] =	vst.idx.msk $0xffff, v6;
	v4 =	vand.u32 $0x5, v46  }
0x19b: {  	v49 =	vld [tilespmem:s12+$0xFFFFFFC0];
	v6 =	vor.u32 v4, v48;
	_ =	sdelay $0x4  }
0x19c: {  	v50 =	vadd.s32 v45, v47;
	[tilespmem:v6+s0+$0x0] =	vst.idx.msk $0xffff, v49  }
0x19d: {  	v6 =	vor.u32 v4, v50;
	v7 =	vld [tilespmem:s12+$0xFFFFFFD0];
	_ =	sdelay $0x4  }
0x19e: {  	v51 =	vadd.s32 v11, v47;
	[tilespmem:v6+s0+$0x0] =	vst.idx.msk $0xffff, v7  }
0x19f: {  	v6 =	vor.u32 v4, v51;
	v7 =	vld [tilespmem:s12+$0xFFFFFFE0];
	_ =	sdelay $0x4  }
0x1a0: {  	v52 =	vadd.s32 v5, v47;
	[tilespmem:v6+s0+$0x0] =	vst.idx.msk $0xffff, v7  }
0x1a1: {  	v4 =	vor.u32 v4, v52;
	v7 =	vld [tilespmem:s12+$0xFFFFFFF0];
	_ =	sdelay $0x1  }
0x1a2: {  	s14 =	sadd.s32 $0x2, s7  }
0x1a3: {  	v53 =	vmov s14  }
0x1a4: {  	v54 =	vand.u32 $0x78, v53  }
0x1a5: {  	v55 =	vadd.s32 v43, v54;
	[tilespmem:v4+s0+$0x0] =	vst.idx.msk $0xffff, v7;
	v4 =	vand.u32 $0x6, v53  }
0x1a6: {  	v7 =	vld [tilespmem:s12+$0x0];
	v6 =	vor.u32 v4, v55;
	_ =	sdelay $0x4  }
0x1a7: {  	v56 =	vadd.s32 v45, v54;
	[tilespmem:v6+s0+$0x0] =	vst.idx.msk $0xffff, v7  }
0x1a8: {  	v6 =	vor.u32 v4, v56;
	v7 =	vld [tilespmem:s12+$0x10];
	_ =	sdelay $0x4  }
0x1a9: {  	v57 =	vadd.s32 v11, v54;
	[tilespmem:v6+s0+$0x0] =	vst.idx.msk $0xffff, v7  }
0x1aa: {  	v6 =	vor.u32 v4, v57;
	v7 =	vld [tilespmem:s12+$0x20];
	_ =	sdelay $0x4  }
0x1ab: {  	v58 =	vadd.s32 v5, v54;
	[tilespmem:v6+s0+$0x0] =	vst.idx.msk $0xffff, v7  }
0x1ac: {  	v4 =	vor.u32 v4, v58;
	v7 =	vld [tilespmem:s12+$0x30];
	_ =	sdelay $0x1  }
0x1ad: {  	s7 =	sadd.s32 $0x3, s7  }
0x1ae: {  	v59 =	vmov s7  }
0x1af: {  	v60 =	vand.u32 $0x78, v59  }
0x1b0: {  	v61 =	vadd.s32 v43, v60;
	[tilespmem:v4+s0+$0x0] =	vst.idx.msk $0xffff, v7;
	v4 =	vand.u32 $0x7, v59  }
0x1b1: {  	v7 =	vld [tilespmem:s12+$0x40];
	v6 =	vor.u32 v4, v61;
	_ =	sdelay $0x4  }
0x1b2: {  	v62 =	vadd.s32 v45, v60;
	[tilespmem:v6+s0+$0x0] =	vst.idx.msk $0xffff, v7  }
0x1b3: {  	v6 =	vor.u32 v4, v62;
	v7 =	vld [tilespmem:s12+$0x50];
	_ =	sdelay $0x4  }
0x1b4: {  	v63 =	vadd.s32 v11, v60;
	[tilespmem:v6+s0+$0x0] =	vst.idx.msk $0xffff, v7  }
0x1b5: {  	v6 =	vor.u32 v4, v63;
	v7 =	vld [tilespmem:s12+$0x60];
	_ =	sdelay $0x3  }
0x1b6: {  	s15 =	sshll.u32 s10, $0x1  }
0x1b7: {  	s7 =	sadd.s32 $0xFFFFFFFF, s15;
	v5 =	vadd.s32 v5, v60;
	[tilespmem:v6+s0+$0x0] =	vst.idx.msk $0xffff, v7  }
0x1b8: {  	s17 =	sshrl.u32 s7, $0x1;
	s7 =	sshra.s32 s7, $0x1F;
	v4 =	vor.u32 v4, v5;
	v6 =	vld [tilespmem:s12+$0x70]  }
0x1b9: {  	s1 =	sadd.s32 s7, s17  }
0x1ba: {  	s1 =	sshll.u32 s1, $0x14  }
0x1bb: {  	s1 =	sor.u32 s13, s1  }
0x1bc: {  	s9 =	rddreg [dreg:$0x1];
	s1 =	sshrl.u32 s1, $0x3  }
0x1bd: {  	s9 =	sadd.s32 s9, s1;
	s12 =	simm.s32 $0xC600;
	[tilespmem:v4+s0+$0x0] =	vst.idx.msk $0xffff, v6  }
0x1be: {  	[hbm4b:s9+s2] =	stream.linear.scatter [tilespmem:s12], [sflag:$0x6], $0x80, $0x38;
	[tilespmem:$0x10A00] =	vst v63  }
0x1bf: {  	s14 =	simm.s32 $0xC688;
	s7 =	sadd.s32 $0x10, s9  }
0x1c0: {  	[hbm4b:s7+s2] =	stream.linear.scatter [tilespmem:s14], [sflag:$0x6], $0x80, $0x38;
	[tilespmem:$0x10A00] =	vst v63  }
0x1c1: {  	s15 =	simm.s32 $0xC710;
	s17 =	sadd.s32 $0x20, s9  }
0x1c2: {  	[hbm4b:s17+s2] =	stream.linear.scatter [tilespmem:s15], [sflag:$0x6], $0x80, $0x38;
	[tilespmem:$0x10A00] =	vst v63  }
0x1c3: {  	s12 =	simm.s32 $0xC798;
	s14 =	sadd.s32 $0x30, s9  }
0x1c4: {  	[hbm4b:s14+s2] =	stream.linear.scatter [tilespmem:s12], [sflag:$0x6], $0x80, $0x38;
	[tilespmem:$0x10A00] =	vst v63  }
0x1c5: {  	s15 =	simm.s32 $0xC820;
	s17 =	sadd.s32 $0x40, s9  }
0x1c6: {  	[hbm4b:s17+s2] =	stream.linear.scatter [tilespmem:s15], [sflag:$0x6], $0x80, $0x38;
	[tilespmem:$0x10A00] =	vst v63  }
0x1c7: {  	s12 =	simm.s32 $0xC8A8;
	s14 =	sadd.s32 $0x50, s9  }
0x1c8: {  	[hbm4b:s14+s2] =	stream.linear.scatter [tilespmem:s12], [sflag:$0x6], $0x80, $0x38;
	[tilespmem:$0x10A00] =	vst v63  }
0x1c9: {  	s15 =	simm.s32 $0xC930;
	s17 =	sadd.s32 $0x60, s9  }
0x1ca: {  	[hbm4b:s17+s2] =	stream.linear.scatter [tilespmem:s15], [sflag:$0x6], $0x80, $0x38;
	[tilespmem:$0x10A00] =	vst v63  }
0x1cb: {  	s12 =	simm.s32 $0xC9B8;
	s14 =	sadd.s32 $0x70, s9  }
0x1cc: {  	[hbm4b:s14+s2] =	stream.linear.scatter [tilespmem:s12], [sflag:$0x6], $0x80, $0x38;
	[tilespmem:$0x10A00] =	vst v63  }
0x1cd: {  	s15 =	simm.s32 $0xCA40;
	s17 =	sadd.s32 $0x80, s9  }
0x1ce: {  	[hbm4b:s17+s2] =	stream.linear.scatter [tilespmem:s15], [sflag:$0x6], $0x80, $0x38;
	[tilespmem:$0x10A00] =	vst v63  }
0x1cf: {  	s12 =	simm.s32 $0xCAC8;
	s14 =	sadd.s32 $0x90, s9  }
0x1d0: {  	[hbm4b:s14+s2] =	stream.linear.scatter [tilespmem:s12], [sflag:$0x6], $0x80, $0x38;
	[tilespmem:$0x10A00] =	vst v63  }
0x1d1: {  	s1 =	simm.s32 $0x4400;
	s15 =	simm.s32 $0xCB50;
	s17 =	sadd.s32 $0xA0, s9  }
0x1d2: {  	[hbm4b:s17+s2] =	stream.linear.scatter [tilespmem:s15], [sflag:$0x6], $0x80, $0x38;
	[tilespmem:$0x10A00] =	vst v63  }
0x1d3: {  	s7 =	simm.s32 $0x880;
	s12 =	simm.s32 $0xCBD8;
	s14 =	sadd.s32 $0xB0, s9  }
0x1d4: {  	[hbm4b:s14+s2] =	stream.linear.scatter [tilespmem:s12], [sflag:$0x6], $0x80, $0x38;
	[tilespmem:$0x10A00] =	vst v63  }
0x1d5: {  	s15 =	simm.s32 $0xCC60;
	s17 =	sadd.s32 $0xC0, s9;
	s12 =	simm.s32 $0xCCE8  }
0x1d6: {  	[hbm4b:s17+s2] =	stream.linear.scatter [tilespmem:s15], [sflag:$0x6], $0x80, $0x38;
	[tilespmem:$0x10A00] =	vst v63  }
0x1d7: {  	s14 =	sadd.s32 $0xD0, s9;
	s15 =	simm.s32 $0xCD70;
	s17 =	sadd.s32 $0xE0, s9  }
0x1d8: {  	[hbm4b:s14+s2] =	stream.linear.scatter [tilespmem:s12], [sflag:$0x6], $0x80, $0x38;
	[tilespmem:$0x10A00] =	vst v63  }
0x1d9: {  	s12 =	simm.s32 $0xCDF8;
	s14 =	sadd.s32 $0xF0, s9;
	s9 =	sadd.s32 $0x4000, s9  }
0x1da: {  	[hbm4b:s17+s2] =	stream.linear.scatter [tilespmem:s15], [sflag:$0x6], $0x80, $0x38;
	[tilespmem:$0x10A00] =	vst v63  }
.LBB2_9:
0x1db: {  	[hbm4b:s14+s2] =	stream.linear.scatter [tilespmem:s12], [sflag:$0x6], $0x80, $0x38;
	[tilespmem:$0x10A00] =	vst v63  }
0x1dc: {  	s14 =	smov.u32 s7;
	s7 =	smov.u32 s1  }
0x1dd: {  	s17 =	sadd.s32 $0x2200, s1;
	s7 =	sshra.s32 s7, $0x2;
	s12 =	sadd.s32 $0xC600, s14  }
0x1de: {  	[hbm4b:s9+s2] =	stream.linear.scatter [tilespmem:s12], [sflag:$0x6], $0x80, $0x38;
	[tilespmem:$0x10A00] =	vst v63  }
0x1df: {  	p0 =	sne.s32 s1, $0xEE00;
	s1 =	sadd.s32 $0xC688, s14;
	s12 =	sadd.s32 $0x10, s9  }
0x1e0: {  	[hbm4b:s12+s2] =	stream.linear.scatter [tilespmem:s1], [sflag:$0x6], $0x80, $0x38;
	[tilespmem:$0x10A00] =	vst v63  }
0x1e1: {  	s1 =	sadd.s32 $0xC710, s14;
	s12 =	sadd.s32 $0x20, s9  }
0x1e2: {  	[hbm4b:s12+s2] =	stream.linear.scatter [tilespmem:s1], [sflag:$0x6], $0x80, $0x38;
	[tilespmem:$0x10A00] =	vst v63  }
0x1e3: {  	s1 =	sadd.s32 $0xC798, s14;
	s12 =	sadd.s32 $0x30, s9  }
0x1e4: {  	[hbm4b:s12+s2] =	stream.linear.scatter [tilespmem:s1], [sflag:$0x6], $0x80, $0x38;
	[tilespmem:$0x10A00] =	vst v63  }
0x1e5: {  	s1 =	sadd.s32 $0xC820, s14;
	s12 =	sadd.s32 $0x40, s9  }
0x1e6: {  	[hbm4b:s12+s2] =	stream.linear.scatter [tilespmem:s1], [sflag:$0x6], $0x80, $0x38;
	[tilespmem:$0x10A00] =	vst v63  }
0x1e7: {  	s1 =	sadd.s32 $0xC8A8, s14;
	s12 =	sadd.s32 $0x50, s9  }
0x1e8: {  	[hbm4b:s12+s2] =	stream.linear.scatter [tilespmem:s1], [sflag:$0x6], $0x80, $0x38;
	[tilespmem:$0x10A00] =	vst v63  }
0x1e9: {  	s1 =	sadd.s32 $0xC930, s14;
	s12 =	sadd.s32 $0x60, s9  }
0x1ea: {  	[hbm4b:s12+s2] =	stream.linear.scatter [tilespmem:s1], [sflag:$0x6], $0x80, $0x38;
	[tilespmem:$0x10A00] =	vst v63  }
0x1eb: {  	s1 =	sadd.s32 $0xC9B8, s14;
	s12 =	sadd.s32 $0x70, s9  }
0x1ec: {  	[hbm4b:s12+s2] =	stream.linear.scatter [tilespmem:s1], [sflag:$0x6], $0x80, $0x38;
	[tilespmem:$0x10A00] =	vst v63  }
0x1ed: {  	s1 =	sadd.s32 $0xCA40, s14;
	s12 =	sadd.s32 $0x80, s9  }
0x1ee: {  	[hbm4b:s12+s2] =	stream.linear.scatter [tilespmem:s1], [sflag:$0x6], $0x80, $0x38;
	[tilespmem:$0x10A00] =	vst v63  }
0x1ef: {  	s1 =	sadd.s32 $0xCAC8, s14;
	s12 =	sadd.s32 $0x90, s9  }
0x1f0: {  	[hbm4b:s12+s2] =	stream.linear.scatter [tilespmem:s1], [sflag:$0x6], $0x80, $0x38;
	[tilespmem:$0x10A00] =	vst v63  }
0x1f1: {  	s1 =	sadd.s32 $0xCB50, s14;
	s12 =	sadd.s32 $0xA0, s9  }
0x1f2: {  	[hbm4b:s12+s2] =	stream.linear.scatter [tilespmem:s1], [sflag:$0x6], $0x80, $0x38;
	[tilespmem:$0x10A00] =	vst v63  }
0x1f3: {  	s1 =	sadd.s32 $0xCBD8, s14;
	s12 =	sadd.s32 $0xB0, s9  }
0x1f4: {  	[hbm4b:s12+s2] =	stream.linear.scatter [tilespmem:s1], [sflag:$0x6], $0x80, $0x38;
	[tilespmem:$0x10A00] =	vst v63  }
0x1f5: {  	s1 =	sadd.s32 $0xCC60, s14;
	s12 =	sadd.s32 $0xC0, s9  }
0x1f6: {  	[hbm4b:s12+s2] =	stream.linear.scatter [tilespmem:s1], [sflag:$0x6], $0x80, $0x38;
	[tilespmem:$0x10A00] =	vst v63  }
0x1f7: {  	s1 =	sadd.s32 $0xCCE8, s14;
	s12 =	sadd.s32 $0xD0, s9  }
0x1f8: {  	[hbm4b:s12+s2] =	stream.linear.scatter [tilespmem:s1], [sflag:$0x6], $0x80, $0x38;
	[tilespmem:$0x10A00] =	vst v63  }
.Ltmp3:
0x1f9: {  	_ = 	snop;
	(pc) =	sbr.rel @p0 .LBB2_9-.Ltmp3, $4  }
0x1fa: {  	s1 =	sadd.s32 $0xCD70, s14;
	s12 =	sadd.s32 $0xE0, s9  }
0x1fb: {  	[hbm4b:s12+s2] =	stream.linear.scatter [tilespmem:s1], [sflag:$0x6], $0x80, $0x38;
	[tilespmem:$0x10A00] =	vst v63  }
0x1fc: {  	s12 =	sadd.s32 $0xCDF8, s14  }
0x1fd: {  	s14 =	sadd.s32 $0xF0, s9;
	s9 =	sadd.s32 $0x4000, s9;
	s1 =	smov.u32 s17  }
0x1fe: {  	[hbm4b:s14+s2] =	stream.linear.scatter [tilespmem:s12], [sflag:$0x6], $0x80, $0x38;
	[tilespmem:$0x10A00] =	vst v63  }
0x1ff: {  	s1 =	sadd.s32 $0xC600, s7  }
0x200: {  	[hbm4b:s9+s2] =	stream.linear.scatter [tilespmem:s1], [sflag:$0x6], $0x80, $0x38;
	[tilespmem:$0x10A00] =	vst v63  }
0x201: {  	s12 =	sadd.s32 $0xC688, s7;
	s14 =	sadd.s32 $0x10, s9  }
0x202: {  	[hbm4b:s14+s2] =	stream.linear.scatter [tilespmem:s12], [sflag:$0x6], $0x80, $0x38;
	[tilespmem:$0x10A00] =	vst v63  }
0x203: {  	s15 =	sadd.s32 $0xC710, s7;
	s17 =	sadd.s32 $0x20, s9  }
0x204: {  	[hbm4b:s17+s2] =	stream.linear.scatter [tilespmem:s15], [sflag:$0x6], $0x80, $0x38;
	[tilespmem:$0x10A00] =	vst v63  }
0x205: {  	s12 =	sadd.s32 $0xC798, s7;
	s14 =	sadd.s32 $0x30, s9  }
0x206: {  	[hbm4b:s14+s2] =	stream.linear.scatter [tilespmem:s12], [sflag:$0x6], $0x80, $0x38;
	[tilespmem:$0x10A00] =	vst v63  }
0x207: {  	s15 =	sadd.s32 $0xC820, s7;
	s17 =	sadd.s32 $0x40, s9  }
0x208: {  	[hbm4b:s17+s2] =	stream.linear.scatter [tilespmem:s15], [sflag:$0x6], $0x80, $0x38;
	[tilespmem:$0x10A00] =	vst v63  }
0x209: {  	s12 =	sadd.s32 $0xC8A8, s7;
	s14 =	sadd.s32 $0x50, s9  }
0x20a: {  	[hbm4b:s14+s2] =	stream.linear.scatter [tilespmem:s12], [sflag:$0x6], $0x80, $0x38;
	[tilespmem:$0x10A00] =	vst v63  }
0x20b: {  	s15 =	sadd.s32 $0xC930, s7;
	s17 =	sadd.s32 $0x60, s9  }
0x20c: {  	[hbm4b:s17+s2] =	stream.linear.scatter [tilespmem:s15], [sflag:$0x6], $0x80, $0x38;
	[tilespmem:$0x10A00] =	vst v63  }
0x20d: {  	s12 =	sadd.s32 $0xC9B8, s7;
	s14 =	sadd.s32 $0x70, s9  }
0x20e: {  	[hbm4b:s14+s2] =	stream.linear.scatter [tilespmem:s12], [sflag:$0x6], $0x80, $0x38;
	[tilespmem:$0x10A00] =	vst v63  }
0x20f: {  	s15 =	sadd.s32 $0xCA40, s7;
	s17 =	sadd.s32 $0x80, s9  }
0x210: {  	[hbm4b:s17+s2] =	stream.linear.scatter [tilespmem:s15], [sflag:$0x6], $0x80, $0x38;
	[tilespmem:$0x10A00] =	vst v63  }
0x211: {  	s12 =	sadd.s32 $0xCAC8, s7;
	s14 =	sadd.s32 $0x90, s9  }
0x212: {  	[hbm4b:s14+s2] =	stream.linear.scatter [tilespmem:s12], [sflag:$0x6], $0x80, $0x38;
	[tilespmem:$0x10A00] =	vst v63  }
0x213: {  	s15 =	sadd.s32 $0xCB50, s7;
	s17 =	sadd.s32 $0xA0, s9  }
0x214: {  	[hbm4b:s17+s2] =	stream.linear.scatter [tilespmem:s15], [sflag:$0x6], $0x80, $0x38;
	[tilespmem:$0x10A00] =	vst v63  }
0x215: {  	s12 =	sadd.s32 $0xCBD8, s7;
	s14 =	sadd.s32 $0xB0, s9  }
0x216: {  	[hbm4b:s14+s2] =	stream.linear.scatter [tilespmem:s12], [sflag:$0x6], $0x80, $0x38;
	[tilespmem:$0x10A00] =	vst v63  }
0x217: {  	s15 =	sadd.s32 $0xCC60, s7;
	s17 =	sadd.s32 $0xC0, s9  }
0x218: {  	[hbm4b:s17+s2] =	stream.linear.scatter [tilespmem:s15], [sflag:$0x6], $0x80, $0x38;
	[tilespmem:$0x10A00] =	vst v63  }
0x219: {  	s12 =	sadd.s32 $0xCCE8, s7;
	s14 =	sadd.s32 $0xD0, s9  }
0x21a: {  	[hbm4b:s14+s2] =	stream.linear.scatter [tilespmem:s12], [sflag:$0x6], $0x80, $0x38;
	[tilespmem:$0x10A00] =	vst v63  }
0x21b: {  	s15 =	sadd.s32 $0xCD70, s7;
	s17 =	sadd.s32 $0xE0, s9  }
0x21c: {  	[hbm4b:s17+s2] =	stream.linear.scatter [tilespmem:s15], [sflag:$0x6], $0x80, $0x38;
	[tilespmem:$0x10A00] =	vst v63  }
0x21d: {  	s14 =	sadd.s32 $0xCDF8, s7;
	s15 =	sadd.s32 $0xF0, s9  }
0x21e: {  	[hbm4b:s15+s2] =	stream.linear.scatter [tilespmem:s14], [sflag:$0x6], $0x80, $0x38;
	[tilespmem:$0x10A00] =	vst v63  }
0x21f: {  	s14 =	sshll.u32 s10, $0xE  }
0x220: {  	s17 =	sor.u32 s14, s6  }
0x221: {  	s1 =	sshrl.u32 s17, $0x3  }
0x222: {  	s1 =	sadd.s32 s1, s4  }
0x223: {  	s17 =	simm.s32 $0x0;
	s1 =	sadd.s32 $0x20, s1  }
0x224: {  	[tilespmem:s22], [sflag:$0x2] =	stream.linear.gather [hbm4b:s1+s17], $0x100, $0x38;
	[tilespmem:$0x10A00] =	vst v63  }
0x225: {  	_ =	swait.ge [sflag:s3], $0x4000  }
0x226: {  	[sflag:s3] =	ssyncset.done $0x0  }
0x227: {  	[sflag:s3] =	ssyncadd.s32 $0xFFFFC000  }
0x228: {  	_ =	swait.ge [sflag:s23], $0x100  }
0x229: {  	s7 =	simm.s32 $0x0;
	[sflag:s23] =	ssyncset.done $0x0  }
0x22a: {  	v4 =	vmov s7;
	[sflag:s23] =	ssyncadd.s32 $0xFFFFFF00  }
0x22b: {  	v4 =	vmul.u32 $0x440, v4;
	[tilespmem:s24], [sflag:$0x4] =	stream.indirect.gather [hbm4b:s5+s19], $0x40, s22, s19, $0xb8;
	[tilespmem:$0x10A00] =	vst v63  }
0x22c: {  	_ = 	snop  }
0x22d: {  	v4 =	vbroadcast v4, $0x0;
	[tilespmem:s26], [sflag:$0x4] =	stream.indirect.gather [hbm4b:s5+s19], $0x40, s25, s19, $0xb8;
	[tilespmem:$0x10A00] =	vst v63  }
0x22e: {  	v5 =	vmov s17;
	_ =	swait.ge [sflag:s28], $0x4000  }
0x22f: {  	v7 =	vadd.s32 v0, v4;
	v6 =	vand.u32 $0x78, v5;
	[sflag:s28] =	ssyncset.done $0x0  }
0x230: {  	s7 =	simm.s32 $0x280;
	v5 =	vand.u32 $0x4, v5;
	v8 =	vadd.s32 v6, v7;
	[sflag:s28] =	ssyncadd.s32 $0xFFFFC000  }
0x231: {  	v8 =	vor.u32 v5, v8;
	v9 =	vld [tilespmem:s7+$0xFFFFFF80];
	_ =	sdelay $0x3  }
0x232: {  	v10 =	vadd.s32 v1, v4  }
0x233: {  	[tilespmem:v8+s29+$0x0] =	vst.idx.msk $0xffff, v9;
	v8 =	vadd.s32 v6, v10  }
0x234: {  	v9 =	vld [tilespmem:s7+$0xFFFFFF90];
	v8 =	vor.u32 v5, v8;
	_ =	sdelay $0x3  }
0x235: {  	v11 =	vadd.s32 v2, v4  }
0x236: {  	[tilespmem:v8+s29+$0x0] =	vst.idx.msk $0xffff, v9;
	v8 =	vadd.s32 v6, v11  }
0x237: {  	v9 =	vld [tilespmem:s7+$0xFFFFFFA0];
	v8 =	vor.u32 v5, v8;
	_ =	sdelay $0x3  }
0x238: {  	v4 =	vadd.s32 v3, v4  }
0x239: {  	v6 =	vadd.s32 v6, v4;
	[tilespmem:v8+s29+$0x0] =	vst.idx.msk $0xffff, v9  }
0x23a: {  	v5 =	vor.u32 v5, v6;
	v8 =	vld [tilespmem:s7+$0xFFFFFFB0];
	_ =	sdelay $0x1  }
0x23b: {  	s9 =	simm.s32 $0x1  }
0x23c: {  	v6 =	vmov s9  }
0x23d: {  	v9 =	vand.u32 $0x78, v6  }
0x23e: {  	[tilespmem:v5+s29+$0x0] =	vst.idx.msk $0xffff, v8;
	v5 =	vand.u32 $0x5, v6;
	v6 =	vadd.s32 v7, v9  }
0x23f: {  	v8 =	vld [tilespmem:s7+$0xFFFFFFC0];
	v6 =	vor.u32 v5, v6;
	_ =	sdelay $0x4  }
0x240: {  	[tilespmem:v6+s29+$0x0] =	vst.idx.msk $0xffff, v8;
	v6 =	vadd.s32 v10, v9  }
0x241: {  	v8 =	vld [tilespmem:s7+$0xFFFFFFD0];
	v6 =	vor.u32 v5, v6;
	_ =	sdelay $0x4  }
0x242: {  	[tilespmem:v6+s29+$0x0] =	vst.idx.msk $0xffff, v8;
	v6 =	vadd.s32 v11, v9  }
0x243: {  	v8 =	vld [tilespmem:s7+$0xFFFFFFE0];
	v6 =	vor.u32 v5, v6;
	_ =	sdelay $0x4  }
0x244: {  	[tilespmem:v6+s29+$0x0] =	vst.idx.msk $0xffff, v8;
	v6 =	vadd.s32 v4, v9  }
0x245: {  	v8 =	vld [tilespmem:s7+$0xFFFFFFF0];
	v5 =	vor.u32 v5, v6;
	_ =	sdelay $0x1  }
0x246: {  	s12 =	simm.s32 $0x2  }
0x247: {  	v6 =	vmov s12  }
0x248: {  	v9 =	vand.u32 $0x78, v6  }
0x249: {  	[tilespmem:v5+s29+$0x0] =	vst.idx.msk $0xffff, v8;
	v5 =	vand.u32 $0x6, v6;
	v6 =	vadd.s32 v7, v9  }
0x24a: {  	v8 =	vld [tilespmem:s7+$0x0];
	v6 =	vor.u32 v5, v6;
	_ =	sdelay $0x4  }
0x24b: {  	[tilespmem:v6+s29+$0x0] =	vst.idx.msk $0xffff, v8;
	v6 =	vadd.s32 v10, v9  }
0x24c: {  	v8 =	vld [tilespmem:s7+$0x10];
	v6 =	vor.u32 v5, v6;
	_ =	sdelay $0x4  }
0x24d: {  	[tilespmem:v6+s29+$0x0] =	vst.idx.msk $0xffff, v8;
	v6 =	vadd.s32 v11, v9  }
0x24e: {  	v8 =	vld [tilespmem:s7+$0x20];
	v6 =	vor.u32 v5, v6;
	_ =	sdelay $0x4  }
0x24f: {  	[tilespmem:v6+s29+$0x0] =	vst.idx.msk $0xffff, v8;
	v6 =	vadd.s32 v4, v9  }
0x250: {  	v8 =	vld [tilespmem:s7+$0x30];
	v5 =	vor.u32 v5, v6;
	_ =	sdelay $0x1  }
0x251: {  	s15 =	simm.s32 $0x3  }
0x252: {  	v6 =	vmov s15  }
0x253: {  	v9 =	vand.u32 $0x78, v6  }
0x254: {  	[tilespmem:v5+s29+$0x0] =	vst.idx.msk $0xffff, v8;
	v8 =	vand.u32 $0x7, v6;
	v5 =	vadd.s32 v7, v9  }
0x255: {  	v6 =	vld [tilespmem:s7+$0x40];
	v5 =	vor.u32 v8, v5;
	_ =	sdelay $0x4  }
0x256: {  	[tilespmem:v5+s29+$0x0] =	vst.idx.msk $0xffff, v6;
	v5 =	vadd.s32 v10, v9  }
0x257: {  	v6 =	vld [tilespmem:s7+$0x50];
	v5 =	vor.u32 v8, v5;
	_ =	sdelay $0x4  }
0x258: {  	[tilespmem:v5+s29+$0x0] =	vst.idx.msk $0xffff, v6;
	v6 =	vadd.s32 v11, v9  }
0x259: {  	v5 =	vld [tilespmem:s7+$0x60];
	v6 =	vor.u32 v8, v6;
	_ =	sdelay $0x3  }
0x25a: {  	s1 =	simm.s32 $0x0;
	s9 =	simm.s32 $0x2  }
.LBB2_11:
0x25b: {  	p0 =	sne.s32 s9, $0x3F;
	v7 =	vmov s1;
	[tilespmem:v6+s29+$0x0] =	vst.idx.msk $0xffff, v5;
	v4 =	vadd.s32 v4, v9  }
0x25c: {  	v5 =	vmul.u32 $0x440, v7;
	v6 =	vld [tilespmem:s7+$0x70];
	v4 =	vor.u32 v8, v4;
	_ =	sdelay $0x1  }
0x25d: {  	s17 =	sadd.s32 $0x4, s17;
	v8 =	vbroadcast v5, $0x0  }
0x25e: {  	v7 =	vmov s17  }
0x25f: {  	v9 =	vand.u32 $0x78, v7;
	v5 =	vadd.s32 v0, v8  }
0x260: {  	s7 =	sadd.s32 $0x100, s7;
	v10 =	vand.u32 $0x4, v7;
	v7 =	vadd.s32 v9, v5;
	[tilespmem:v4+s29+$0x0] =	vst.idx.msk $0xffff, v6  }
0x261: {  	v4 =	vld [tilespmem:s7+$0xFFFFFF80];
	v7 =	vor.u32 v10, v7;
	_ =	sdelay $0x3  }
0x262: {  	v6 =	vadd.s32 v1, v8  }
0x263: {  	[tilespmem:v7+s29+$0x0] =	vst.idx.msk $0xffff, v4;
	v4 =	vadd.s32 v9, v6  }
0x264: {  	v11 =	vld [tilespmem:s7+$0xFFFFFF90];
	v4 =	vor.u32 v10, v4;
	_ =	sdelay $0x3  }
0x265: {  	v7 =	vadd.s32 v2, v8  }
0x266: {  	[tilespmem:v4+s29+$0x0] =	vst.idx.msk $0xffff, v11;
	v4 =	vadd.s32 v9, v7  }
0x267: {  	v11 =	vld [tilespmem:s7+$0xFFFFFFA0];
	v12 =	vor.u32 v10, v4;
	_ =	sdelay $0x3  }
0x268: {  	v4 =	vadd.s32 v3, v8  }
0x269: {  	v8 =	vadd.s32 v9, v4;
	[tilespmem:v12+s29+$0x0] =	vst.idx.msk $0xffff, v11  }
0x26a: {  	v8 =	vor.u32 v10, v8;
	v9 =	vld [tilespmem:s7+$0xFFFFFFB0];
	_ =	sdelay $0x1  }
0x26b: {  	s1 =	sadd.s32 $0x1, s17  }
0x26c: {  	v10 =	vmov s1  }
0x26d: {  	v11 =	vand.u32 $0x78, v10  }
0x26e: {  	[tilespmem:v8+s29+$0x0] =	vst.idx.msk $0xffff, v9;
	v8 =	vand.u32 $0x5, v10;
	v9 =	vadd.s32 v5, v11  }
0x26f: {  	v10 =	vld [tilespmem:s7+$0xFFFFFFC0];
	v9 =	vor.u32 v8, v9;
	_ =	sdelay $0x4  }
0x270: {  	[tilespmem:v9+s29+$0x0] =	vst.idx.msk $0xffff, v10;
	v9 =	vadd.s32 v6, v11  }
0x271: {  	v10 =	vld [tilespmem:s7+$0xFFFFFFD0];
	v9 =	vor.u32 v8, v9;
	_ =	sdelay $0x4  }
0x272: {  	[tilespmem:v9+s29+$0x0] =	vst.idx.msk $0xffff, v10;
	v9 =	vadd.s32 v7, v11  }
0x273: {  	v10 =	vld [tilespmem:s7+$0xFFFFFFE0];
	v9 =	vor.u32 v8, v9;
	_ =	sdelay $0x4  }
0x274: {  	[tilespmem:v9+s29+$0x0] =	vst.idx.msk $0xffff, v10;
	v9 =	vadd.s32 v4, v11  }
0x275: {  	v10 =	vld [tilespmem:s7+$0xFFFFFFF0];
	v8 =	vor.u32 v8, v9;
	_ =	sdelay $0x1  }
0x276: {  	s1 =	sadd.s32 $0x2, s17  }
0x277: {  	v9 =	vmov s1  }
0x278: {  	v11 =	vand.u32 $0x78, v9  }
0x279: {  	[tilespmem:v8+s29+$0x0] =	vst.idx.msk $0xffff, v10;
	v8 =	vand.u32 $0x6, v9;
	v9 =	vadd.s32 v5, v11  }
0x27a: {  	v10 =	vld [tilespmem:s7+$0x0];
	v9 =	vor.u32 v8, v9;
	_ =	sdelay $0x4  }
0x27b: {  	[tilespmem:v9+s29+$0x0] =	vst.idx.msk $0xffff, v10;
	v9 =	vadd.s32 v6, v11  }
0x27c: {  	v10 =	vld [tilespmem:s7+$0x10];
	v9 =	vor.u32 v8, v9;
	_ =	sdelay $0x4  }
0x27d: {  	[tilespmem:v9+s29+$0x0] =	vst.idx.msk $0xffff, v10;
	v9 =	vadd.s32 v7, v11  }
0x27e: {  	v10 =	vld [tilespmem:s7+$0x20];
	v9 =	vor.u32 v8, v9;
	_ =	sdelay $0x4  }
0x27f: {  	[tilespmem:v9+s29+$0x0] =	vst.idx.msk $0xffff, v10;
	v9 =	vadd.s32 v4, v11  }
0x280: {  	v10 =	vld [tilespmem:s7+$0x30];
	v8 =	vor.u32 v8, v9;
	_ =	sdelay $0x1  }
0x281: {  	s1 =	sadd.s32 $0x3, s17  }
0x282: {  	v11 =	vmov s1  }
0x283: {  	v9 =	vand.u32 $0x78, v11  }
0x284: {  	v5 =	vadd.s32 v5, v9;
	[tilespmem:v8+s29+$0x0] =	vst.idx.msk $0xffff, v10;
	v8 =	vand.u32 $0x7, v11  }
0x285: {  	v10 =	vld [tilespmem:s7+$0x40];
	v5 =	vor.u32 v8, v5;
	_ =	sdelay $0x4  }
0x286: {  	[tilespmem:v5+s29+$0x0] =	vst.idx.msk $0xffff, v10;
	v5 =	vadd.s32 v6, v9  }
0x287: {  	v6 =	vld [tilespmem:s7+$0x50];
	v5 =	vor.u32 v8, v5;
	_ =	sdelay $0x4  }
0x288: {  	[tilespmem:v5+s29+$0x0] =	vst.idx.msk $0xffff, v6;
	v6 =	vadd.s32 v7, v9  }
.Ltmp4:
0x289: {  	v5 =	vld [tilespmem:s7+$0x60];
	v6 =	vor.u32 v8, v6;
	(pc) =	sbr.rel @p0 .LBB2_11-.Ltmp4, $2  }
0x28a: {  	_ =	sdelay $0x2  }
0x28b: {  	s1 =	sshrl.u32 s9, $0x5;
	s9 =	sadd.s32 $0x1, s9  }
0x28c: {  	_ =	sdelay $0x3  }
0x28d: {  	v7 =	vmov s1;
	[tilespmem:v6+s29+$0x0] =	vst.idx.msk $0xffff, v5;
	v4 =	vadd.s32 v4, v9  }
0x28e: {  	v5 =	vmul.u32 $0x440, v7;
	v6 =	vld [tilespmem:s7+$0x70];
	v4 =	vor.u32 v8, v4;
	_ =	sdelay $0x1  }
0x28f: {  	s9 =	sadd.s32 $0x4, s17;
	v5 =	vbroadcast v5, $0x0  }
0x290: {  	v41 =	vmov s9  }
0x291: {  	v42 =	vand.u32 $0x78, v41;
	v43 =	vadd.s32 v0, v5  }
0x292: {  	s1 =	sadd.s32 $0x100, s7;
	v7 =	vand.u32 $0x4, v41;
	v10 =	vadd.s32 v42, v43;
	[tilespmem:v4+s29+$0x0] =	vst.idx.msk $0xffff, v6  }
0x293: {  	v4 =	vld [tilespmem:s1+$0xFFFFFF80];
	v44 =	vor.u32 v7, v10;
	_ =	sdelay $0x3  }
0x294: {  	v45 =	vadd.s32 v1, v5  }
0x295: {  	[tilespmem:v44+s29+$0x0] =	vst.idx.msk $0xffff, v4;
	v4 =	vadd.s32 v42, v45  }
0x296: {  	v6 =	vld [tilespmem:s1+$0xFFFFFF90];
	v4 =	vor.u32 v7, v4;
	_ =	sdelay $0x3  }
0x297: {  	v11 =	vadd.s32 v2, v5  }
0x298: {  	[tilespmem:v4+s29+$0x0] =	vst.idx.msk $0xffff, v6;
	v4 =	vadd.s32 v42, v11  }
0x299: {  	v6 =	vld [tilespmem:s1+$0xFFFFFFA0];
	v4 =	vor.u32 v7, v4;
	_ =	sdelay $0x3  }
0x29a: {  	v5 =	vadd.s32 v3, v5  }
0x29b: {  	[tilespmem:v4+s29+$0x0] =	vst.idx.msk $0xffff, v6;
	v4 =	vadd.s32 v42, v5  }
0x29c: {  	v6 =	vld [tilespmem:s1+$0xFFFFFFB0];
	v4 =	vor.u32 v7, v4;
	_ =	sdelay $0x1  }
0x29d: {  	s15 =	sadd.s32 $0x1, s9  }
0x29e: {  	v46 =	vmov s15  }
0x29f: {  	v47 =	vand.u32 $0x78, v46  }
0x2a0: {  	v48 =	vadd.s32 v43, v47;
	[tilespmem:v4+s29+$0x0] =	vst.idx.msk $0xffff, v6;
	v4 =	vand.u32 $0x5, v46  }
0x2a1: {  	v49 =	vld [tilespmem:s1+$0xFFFFFFC0];
	v6 =	vor.u32 v4, v48;
	_ =	sdelay $0x4  }
0x2a2: {  	v50 =	vadd.s32 v45, v47;
	[tilespmem:v6+s29+$0x0] =	vst.idx.msk $0xffff, v49  }
0x2a3: {  	v6 =	vor.u32 v4, v50;
	v7 =	vld [tilespmem:s1+$0xFFFFFFD0];
	_ =	sdelay $0x4  }
0x2a4: {  	v51 =	vadd.s32 v11, v47;
	[tilespmem:v6+s29+$0x0] =	vst.idx.msk $0xffff, v7  }
0x2a5: {  	v6 =	vor.u32 v4, v51;
	v7 =	vld [tilespmem:s1+$0xFFFFFFE0];
	_ =	sdelay $0x4  }
0x2a6: {  	v52 =	vadd.s32 v5, v47;
	[tilespmem:v6+s29+$0x0] =	vst.idx.msk $0xffff, v7  }
0x2a7: {  	v4 =	vor.u32 v4, v52;
	v7 =	vld [tilespmem:s1+$0xFFFFFFF0];
	_ =	sdelay $0x1  }
0x2a8: {  	s17 =	sadd.s32 $0x2, s9  }
0x2a9: {  	v53 =	vmov s17  }
0x2aa: {  	v54 =	vand.u32 $0x78, v53  }
0x2ab: {  	v55 =	vadd.s32 v43, v54;
	[tilespmem:v4+s29+$0x0] =	vst.idx.msk $0xffff, v7;
	v4 =	vand.u32 $0x6, v53  }
0x2ac: {  	v7 =	vld [tilespmem:s1+$0x0];
	v6 =	vor.u32 v4, v55;
	_ =	sdelay $0x4  }
0x2ad: {  	v56 =	vadd.s32 v45, v54;
	[tilespmem:v6+s29+$0x0] =	vst.idx.msk $0xffff, v7  }
0x2ae: {  	v6 =	vor.u32 v4, v56;
	v7 =	vld [tilespmem:s1+$0x10];
	_ =	sdelay $0x4  }
0x2af: {  	v57 =	vadd.s32 v11, v54;
	[tilespmem:v6+s29+$0x0] =	vst.idx.msk $0xffff, v7  }
0x2b0: {  	v6 =	vor.u32 v4, v57;
	v7 =	vld [tilespmem:s1+$0x20];
	_ =	sdelay $0x4  }
0x2b1: {  	v58 =	vadd.s32 v5, v54;
	[tilespmem:v6+s29+$0x0] =	vst.idx.msk $0xffff, v7  }
0x2b2: {  	v4 =	vor.u32 v4, v58;
	v7 =	vld [tilespmem:s1+$0x30];
	_ =	sdelay $0x1  }
0x2b3: {  	s12 =	sadd.s32 $0x3, s9  }
0x2b4: {  	v59 =	vmov s12  }
0x2b5: {  	v60 =	vand.u32 $0x78, v59  }
0x2b6: {  	v61 =	vadd.s32 v43, v60;
	[tilespmem:v4+s29+$0x0] =	vst.idx.msk $0xffff, v7;
	v4 =	vand.u32 $0x7, v59  }
0x2b7: {  	v7 =	vld [tilespmem:s1+$0x40];
	v6 =	vor.u32 v4, v61;
	_ =	sdelay $0x4  }
0x2b8: {  	v62 =	vadd.s32 v45, v60;
	[tilespmem:v6+s29+$0x0] =	vst.idx.msk $0xffff, v7  }
0x2b9: {  	v6 =	vor.u32 v4, v62;
	v7 =	vld [tilespmem:s1+$0x50];
	_ =	sdelay $0x4  }
0x2ba: {  	v63 =	vadd.s32 v11, v60;
	[tilespmem:v6+s29+$0x0] =	vst.idx.msk $0xffff, v7  }
0x2bb: {  	v6 =	vor.u32 v4, v63;
	v7 =	vld [tilespmem:s1+$0x60];
	_ =	sdelay $0x4  }
0x2bc: {  	v5 =	vadd.s32 v5, v60;
	[tilespmem:v6+s29+$0x0] =	vst.idx.msk $0xffff, v7  }
0x2bd: {  	v4 =	vor.u32 v4, v5;
	v6 =	vld [tilespmem:s1+$0x70];
	_ =	sdelay $0x3  }
0x2be: {  	s15 =	sshll.u32 s10, $0x11  }
0x2bf: {  	s17 =	simm.s32 $0x8200;
	s9 =	sadd.s32 s15, s8;
	[tilespmem:v4+s29+$0x0] =	vst.idx.msk $0xffff, v6  }
0x2c0: {  	[hbm4b:s9+s2] =	stream.linear.scatter [tilespmem:s17], [sflag:$0x5], $0x80, $0x38;
	[tilespmem:$0x10A00] =	vst v63  }
0x2c1: {  	s7 =	simm.s32 $0x8288;
	s12 =	sadd.s32 $0x10, s9  }
0x2c2: {  	[hbm4b:s12+s2] =	stream.linear.scatter [tilespmem:s7], [sflag:$0x5], $0x80, $0x38;
	[tilespmem:$0x10A00] =	vst v63  }
0x2c3: {  	s15 =	simm.s32 $0x8310;
	s17 =	sadd.s32 $0x20, s9  }
0x2c4: {  	[hbm4b:s17+s2] =	stream.linear.scatter [tilespmem:s15], [sflag:$0x5], $0x80, $0x38;
	[tilespmem:$0x10A00] =	vst v63  }
0x2c5: {  	s7 =	simm.s32 $0x8398;
	s12 =	sadd.s32 $0x30, s9  }
0x2c6: {  	[hbm4b:s12+s2] =	stream.linear.scatter [tilespmem:s7], [sflag:$0x5], $0x80, $0x38;
	[tilespmem:$0x10A00] =	vst v63  }
0x2c7: {  	s15 =	simm.s32 $0x8420;
	s17 =	sadd.s32 $0x40, s9  }
0x2c8: {  	[hbm4b:s17+s2] =	stream.linear.scatter [tilespmem:s15], [sflag:$0x5], $0x80, $0x38;
	[tilespmem:$0x10A00] =	vst v63  }
0x2c9: {  	s7 =	simm.s32 $0x84A8;
	s12 =	sadd.s32 $0x50, s9  }
0x2ca: {  	[hbm4b:s12+s2] =	stream.linear.scatter [tilespmem:s7], [sflag:$0x5], $0x80, $0x38;
	[tilespmem:$0x10A00] =	vst v63  }
0x2cb: {  	s15 =	simm.s32 $0x8530;
	s17 =	sadd.s32 $0x60, s9  }
0x2cc: {  	[hbm4b:s17+s2] =	stream.linear.scatter [tilespmem:s15], [sflag:$0x5], $0x80, $0x38;
	[tilespmem:$0x10A00] =	vst v63  }
0x2cd: {  	s7 =	simm.s32 $0x85B8;
	s12 =	sadd.s32 $0x70, s9  }
0x2ce: {  	[hbm4b:s12+s2] =	stream.linear.scatter [tilespmem:s7], [sflag:$0x5], $0x80, $0x38;
	[tilespmem:$0x10A00] =	vst v63  }
0x2cf: {  	s15 =	simm.s32 $0x8640;
	s17 =	sadd.s32 $0x80, s9  }
0x2d0: {  	[hbm4b:s17+s2] =	stream.linear.scatter [tilespmem:s15], [sflag:$0x5], $0x80, $0x38;
	[tilespmem:$0x10A00] =	vst v63  }
0x2d1: {  	s7 =	simm.s32 $0x86C8;
	s12 =	sadd.s32 $0x90, s9  }
0x2d2: {  	[hbm4b:s12+s2] =	stream.linear.scatter [tilespmem:s7], [sflag:$0x5], $0x80, $0x38;
	[tilespmem:$0x10A00] =	vst v63  }
0x2d3: {  	s15 =	simm.s32 $0x8750;
	s17 =	sadd.s32 $0xA0, s9  }
0x2d4: {  	[hbm4b:s17+s2] =	stream.linear.scatter [tilespmem:s15], [sflag:$0x5], $0x80, $0x38;
	[tilespmem:$0x10A00] =	vst v63  }
0x2d5: {  	s7 =	simm.s32 $0x87D8;
	s12 =	sadd.s32 $0xB0, s9  }
0x2d6: {  	[hbm4b:s12+s2] =	stream.linear.scatter [tilespmem:s7], [sflag:$0x5], $0x80, $0x38;
	[tilespmem:$0x10A00] =	vst v63  }
0x2d7: {  	s15 =	simm.s32 $0x8860;
	s17 =	sadd.s32 $0xC0, s9  }
0x2d8: {  	[hbm4b:s17+s2] =	stream.linear.scatter [tilespmem:s15], [sflag:$0x5], $0x80, $0x38;
	[tilespmem:$0x10A00] =	vst v63  }
0x2d9: {  	s1 =	simm.s32 $0x4400;
	s7 =	simm.s32 $0x88E8;
	s12 =	sadd.s32 $0xD0, s9  }
0x2da: {  	[hbm4b:s12+s2] =	stream.linear.scatter [tilespmem:s7], [sflag:$0x5], $0x80, $0x38;
	[tilespmem:$0x10A00] =	vst v63  }
0x2db: {  	s15 =	simm.s32 $0x8970;
	s17 =	sadd.s32 $0xE0, s9;
	s7 =	simm.s32 $0x880  }
0x2dc: {  	[hbm4b:s17+s2] =	stream.linear.scatter [tilespmem:s15], [sflag:$0x5], $0x80, $0x38;
	[tilespmem:$0x10A00] =	vst v63  }
0x2dd: {  	s17 =	simm.s32 $0x89F8;
	s15 =	sadd.s32 $0xF0, s9;
	s9 =	sadd.s32 $0x4000, s9  }
.LBB2_13:
0x2de: {  	[hbm4b:s15+s2] =	stream.linear.scatter [tilespmem:s17], [sflag:$0x5], $0x80, $0x38;
	[tilespmem:$0x10A00] =	vst v63  }
0x2df: {  	s17 =	smov.u32 s7;
	s7 =	smov.u32 s1  }
0x2e0: {  	s12 =	sadd.s32 $0x2200, s1;
	s7 =	sshra.s32 s7, $0x2;
	s15 =	sadd.s32 $0x8200, s17  }
0x2e1: {  	[hbm4b:s9+s2] =	stream.linear.scatter [tilespmem:s15], [sflag:$0x5], $0x80, $0x38;
	[tilespmem:$0x10A00] =	vst v63  }
0x2e2: {  	p0 =	sne.s32 s1, $0xEE00;
	s1 =	sadd.s32 $0x8288, s17;
	s15 =	sadd.s32 $0x10, s9  }
0x2e3: {  	[hbm4b:s15+s2] =	stream.linear.scatter [tilespmem:s1], [sflag:$0x5], $0x80, $0x38;
	[tilespmem:$0x10A00] =	vst v63  }
0x2e4: {  	s1 =	sadd.s32 $0x8310, s17;
	s15 =	sadd.s32 $0x20, s9  }
0x2e5: {  	[hbm4b:s15+s2] =	stream.linear.scatter [tilespmem:s1], [sflag:$0x5], $0x80, $0x38;
	[tilespmem:$0x10A00] =	vst v63  }
0x2e6: {  	s1 =	sadd.s32 $0x8398, s17;
	s15 =	sadd.s32 $0x30, s9  }
0x2e7: {  	[hbm4b:s15+s2] =	stream.linear.scatter [tilespmem:s1], [sflag:$0x5], $0x80, $0x38;
	[tilespmem:$0x10A00] =	vst v63  }
0x2e8: {  	s1 =	sadd.s32 $0x8420, s17;
	s15 =	sadd.s32 $0x40, s9  }
0x2e9: {  	[hbm4b:s15+s2] =	stream.linear.scatter [tilespmem:s1], [sflag:$0x5], $0x80, $0x38;
	[tilespmem:$0x10A00] =	vst v63  }
0x2ea: {  	s1 =	sadd.s32 $0x84A8, s17;
	s15 =	sadd.s32 $0x50, s9  }
0x2eb: {  	[hbm4b:s15+s2] =	stream.linear.scatter [tilespmem:s1], [sflag:$0x5], $0x80, $0x38;
	[tilespmem:$0x10A00] =	vst v63  }
0x2ec: {  	s1 =	sadd.s32 $0x8530, s17;
	s15 =	sadd.s32 $0x60, s9  }
0x2ed: {  	[hbm4b:s15+s2] =	stream.linear.scatter [tilespmem:s1], [sflag:$0x5], $0x80, $0x38;
	[tilespmem:$0x10A00] =	vst v63  }
0x2ee: {  	s1 =	sadd.s32 $0x85B8, s17;
	s15 =	sadd.s32 $0x70, s9  }
0x2ef: {  	[hbm4b:s15+s2] =	stream.linear.scatter [tilespmem:s1], [sflag:$0x5], $0x80, $0x38;
	[tilespmem:$0x10A00] =	vst v63  }
0x2f0: {  	s1 =	sadd.s32 $0x8640, s17;
	s15 =	sadd.s32 $0x80, s9  }
0x2f1: {  	[hbm4b:s15+s2] =	stream.linear.scatter [tilespmem:s1], [sflag:$0x5], $0x80, $0x38;
	[tilespmem:$0x10A00] =	vst v63  }
0x2f2: {  	s1 =	sadd.s32 $0x86C8, s17;
	s15 =	sadd.s32 $0x90, s9  }
0x2f3: {  	[hbm4b:s15+s2] =	stream.linear.scatter [tilespmem:s1], [sflag:$0x5], $0x80, $0x38;
	[tilespmem:$0x10A00] =	vst v63  }
0x2f4: {  	s1 =	sadd.s32 $0x8750, s17;
	s15 =	sadd.s32 $0xA0, s9  }
0x2f5: {  	[hbm4b:s15+s2] =	stream.linear.scatter [tilespmem:s1], [sflag:$0x5], $0x80, $0x38;
	[tilespmem:$0x10A00] =	vst v63  }
0x2f6: {  	s1 =	sadd.s32 $0x87D8, s17;
	s15 =	sadd.s32 $0xB0, s9  }
0x2f7: {  	[hbm4b:s15+s2] =	stream.linear.scatter [tilespmem:s1], [sflag:$0x5], $0x80, $0x38;
	[tilespmem:$0x10A00] =	vst v63  }
0x2f8: {  	s1 =	sadd.s32 $0x8860, s17;
	s15 =	sadd.s32 $0xC0, s9  }
0x2f9: {  	[hbm4b:s15+s2] =	stream.linear.scatter [tilespmem:s1], [sflag:$0x5], $0x80, $0x38;
	[tilespmem:$0x10A00] =	vst v63  }
.Ltmp5:
0x2fa: {  	s1 =	sadd.s32 $0x88E8, s17;
	s15 =	sadd.s32 $0xD0, s9;
	(pc) =	sbr.rel @p0 .LBB2_13-.Ltmp5, $4  }
0x2fb: {  	[hbm4b:s15+s2] =	stream.linear.scatter [tilespmem:s1], [sflag:$0x5], $0x80, $0x38;
	[tilespmem:$0x10A00] =	vst v63  }
0x2fc: {  	s1 =	sadd.s32 $0x8970, s17;
	s15 =	sadd.s32 $0xE0, s9;
	s17 =	sadd.s32 $0x89F8, s17  }
0x2fd: {  	[hbm4b:s15+s2] =	stream.linear.scatter [tilespmem:s1], [sflag:$0x5], $0x80, $0x38;
	[tilespmem:$0x10A00] =	vst v63  }
0x2fe: {  	s15 =	sadd.s32 $0xF0, s9;
	s9 =	sadd.s32 $0x4000, s9;
	s1 =	smov.u32 s12  }
0x2ff: {  	[hbm4b:s15+s2] =	stream.linear.scatter [tilespmem:s17], [sflag:$0x5], $0x80, $0x38;
	[tilespmem:$0x10A00] =	vst v63  }
0x300: {  	s1 =	sadd.s32 $0x8200, s7  }
0x301: {  	[hbm4b:s9+s2] =	stream.linear.scatter [tilespmem:s1], [sflag:$0x5], $0x80, $0x38;
	[tilespmem:$0x10A00] =	vst v63  }
0x302: {  	s17 =	sadd.s32 $0x8288, s7;
	s12 =	sadd.s32 $0x10, s9  }
0x303: {  	[hbm4b:s12+s2] =	stream.linear.scatter [tilespmem:s17], [sflag:$0x5], $0x80, $0x38;
	[tilespmem:$0x10A00] =	vst v63  }
0x304: {  	s15 =	sadd.s32 $0x8310, s7;
	s17 =	sadd.s32 $0x20, s9  }
0x305: {  	[hbm4b:s17+s2] =	stream.linear.scatter [tilespmem:s15], [sflag:$0x5], $0x80, $0x38;
	[tilespmem:$0x10A00] =	vst v63  }
0x306: {  	s15 =	sadd.s32 $0x8398, s7;
	s17 =	sadd.s32 $0x30, s9  }
0x307: {  	[hbm4b:s17+s2] =	stream.linear.scatter [tilespmem:s15], [sflag:$0x5], $0x80, $0x38;
	[tilespmem:$0x10A00] =	vst v63  }
0x308: {  	s15 =	sadd.s32 $0x8420, s7;
	s17 =	sadd.s32 $0x40, s9  }
0x309: {  	[hbm4b:s17+s2] =	stream.linear.scatter [tilespmem:s15], [sflag:$0x5], $0x80, $0x38;
	[tilespmem:$0x10A00] =	vst v63  }
0x30a: {  	s15 =	sadd.s32 $0x84A8, s7;
	s17 =	sadd.s32 $0x50, s9  }
0x30b: {  	[hbm4b:s17+s2] =	stream.linear.scatter [tilespmem:s15], [sflag:$0x5], $0x80, $0x38;
	[tilespmem:$0x10A00] =	vst v63  }
0x30c: {  	s15 =	sadd.s32 $0x8530, s7;
	s17 =	sadd.s32 $0x60, s9  }
0x30d: {  	[hbm4b:s17+s2] =	stream.linear.scatter [tilespmem:s15], [sflag:$0x5], $0x80, $0x38;
	[tilespmem:$0x10A00] =	vst v63  }
0x30e: {  	s15 =	sadd.s32 $0x85B8, s7;
	s17 =	sadd.s32 $0x70, s9  }
0x30f: {  	[hbm4b:s17+s2] =	stream.linear.scatter [tilespmem:s15], [sflag:$0x5], $0x80, $0x38;
	[tilespmem:$0x10A00] =	vst v63  }
0x310: {  	s15 =	sadd.s32 $0x8640, s7;
	s17 =	sadd.s32 $0x80, s9  }
0x311: {  	[hbm4b:s17+s2] =	stream.linear.scatter [tilespmem:s15], [sflag:$0x5], $0x80, $0x38;
	[tilespmem:$0x10A00] =	vst v63  }
0x312: {  	s15 =	sadd.s32 $0x86C8, s7;
	s17 =	sadd.s32 $0x90, s9  }
0x313: {  	[hbm4b:s17+s2] =	stream.linear.scatter [tilespmem:s15], [sflag:$0x5], $0x80, $0x38;
	[tilespmem:$0x10A00] =	vst v63  }
0x314: {  	s15 =	sadd.s32 $0x8750, s7;
	s17 =	sadd.s32 $0xA0, s9  }
0x315: {  	[hbm4b:s17+s2] =	stream.linear.scatter [tilespmem:s15], [sflag:$0x5], $0x80, $0x38;
	[tilespmem:$0x10A00] =	vst v63  }
0x316: {  	s15 =	sadd.s32 $0x87D8, s7;
	s17 =	sadd.s32 $0xB0, s9  }
0x317: {  	[hbm4b:s17+s2] =	stream.linear.scatter [tilespmem:s15], [sflag:$0x5], $0x80, $0x38;
	[tilespmem:$0x10A00] =	vst v63  }
0x318: {  	s15 =	sadd.s32 $0x8860, s7;
	s17 =	sadd.s32 $0xC0, s9  }
0x319: {  	[hbm4b:s17+s2] =	stream.linear.scatter [tilespmem:s15], [sflag:$0x5], $0x80, $0x38;
	[tilespmem:$0x10A00] =	vst v63  }
0x31a: {  	s10 =	sadd.s32 $0x1, s10;
	s15 =	sadd.s32 $0x88E8, s7;
	s17 =	sadd.s32 $0xD0, s9  }
0x31b: {  	[hbm4b:s17+s2] =	stream.linear.scatter [tilespmem:s15], [sflag:$0x5], $0x80, $0x38;
	[tilespmem:$0x10A00] =	vst v63  }
0x31c: {  	p0 =	sne.s32 s10, $0xC7;
	s15 =	sadd.s32 $0x8970, s7;
	s17 =	sadd.s32 $0xE0, s9  }
0x31d: {  	[hbm4b:s17+s2] =	stream.linear.scatter [tilespmem:s15], [sflag:$0x5], $0x80, $0x38;
	[tilespmem:$0x10A00] =	vst v63  }
.Ltmp6:
0x31e: {  	s17 =	sadd.s32 s11, s14;
	(pc) =	sbr.rel @p0 .LBB2_6-.Ltmp6, $4  }
0x31f: {  	s12 =	sadd.s32 $0x89F8, s7;
	s15 =	sadd.s32 $0xF0, s9;
	s1 =	sshrl.u32 s17, $0x3  }
0x320: {  	[hbm4b:s15+s2] =	stream.linear.scatter [tilespmem:s12], [sflag:$0x5], $0x80, $0x38;
	[tilespmem:$0x10A00] =	vst v63  }
0x321: {  	s1 =	sadd.s32 s4, s1  }
0x322: {  	[tilespmem:s2], [sflag:$0x1] =	stream.linear.gather [hbm4b:s1+s2], $0x100, $0x38;
	[tilespmem:$0x10A00] =	vst v63  }
0x323: {  	_ =	swait.ge [sflag:s30], $0x4000  }
0x324: {  	[sflag:s30] =	ssyncset.done $0x0  }
0x325: {  	[sflag:s30] =	ssyncadd.s32 $0xFFFFC000  }
0x326: {  	_ =	swait.ge [sflag:s18], $0x100  }
0x327: {  	s1 =	simm.s32 $0x0;
	[sflag:s18] =	ssyncset.done $0x0  }
0x328: {  	s10 =	simm.s32 $0x0;
	v4 =	vmov s1;
	[sflag:s18] =	ssyncadd.s32 $0xFFFFFF00  }
0x329: {  	v4 =	vmul.u32 $0x440, v4;
	[tilespmem:s20], [sflag:$0x3] =	stream.indirect.gather [hbm4b:s5+s19], $0x40, s10, s19, $0xb8;
	[tilespmem:$0x10A00] =	vst v63  }
0x32a: {  	_ = 	snop  }
0x32b: {  	v4 =	vbroadcast v4, $0x0;
	[tilespmem:s21], [sflag:$0x3] =	stream.indirect.gather [hbm4b:s5+s19], $0x40, s19, s19, $0xb8;
	[tilespmem:$0x10A00] =	vst v63  }
0x32c: {  	v5 =	vmov s10;
	_ =	swait.ge [sflag:s31], $0x4000  }
0x32d: {  	v6 =	vand.u32 $0x78, v5;
	v7 =	vadd.s32 v0, v4;
	[sflag:s31] =	ssyncset.done $0x0  }
0x32e: {  	s7 =	simm.s32 $0x4280;
	v5 =	vand.u32 $0x4, v5;
	v8 =	vadd.s32 v6, v7;
	[sflag:s31] =	ssyncadd.s32 $0xFFFFC000  }
0x32f: {  	v8 =	vor.u32 v5, v8;
	v9 =	vld [tilespmem:s7+$0xFFFFFF80];
	_ =	sdelay $0x3  }
0x330: {  	v10 =	vadd.s32 v1, v4  }
0x331: {  	[tilespmem:v8+s0+$0x0] =	vst.idx.msk $0xffff, v9;
	v8 =	vadd.s32 v6, v10  }
0x332: {  	v9 =	vld [tilespmem:s7+$0xFFFFFF90];
	v8 =	vor.u32 v5, v8;
	_ =	sdelay $0x3  }
0x333: {  	v11 =	vadd.s32 v2, v4  }
0x334: {  	[tilespmem:v8+s0+$0x0] =	vst.idx.msk $0xffff, v9;
	v8 =	vadd.s32 v6, v11  }
0x335: {  	v9 =	vld [tilespmem:s7+$0xFFFFFFA0];
	v8 =	vor.u32 v5, v8;
	_ =	sdelay $0x3  }
0x336: {  	v4 =	vadd.s32 v3, v4  }
0x337: {  	v6 =	vadd.s32 v6, v4;
	[tilespmem:v8+s0+$0x0] =	vst.idx.msk $0xffff, v9  }
0x338: {  	v5 =	vor.u32 v5, v6;
	v8 =	vld [tilespmem:s7+$0xFFFFFFB0];
	_ =	sdelay $0x1  }
0x339: {  	s14 =	simm.s32 $0x1  }
0x33a: {  	v6 =	vmov s14  }
0x33b: {  	v9 =	vand.u32 $0x78, v6  }
0x33c: {  	[tilespmem:v5+s0+$0x0] =	vst.idx.msk $0xffff, v8;
	v5 =	vand.u32 $0x5, v6;
	v6 =	vadd.s32 v7, v9  }
0x33d: {  	v8 =	vld [tilespmem:s7+$0xFFFFFFC0];
	v6 =	vor.u32 v5, v6;
	_ =	sdelay $0x4  }
0x33e: {  	[tilespmem:v6+s0+$0x0] =	vst.idx.msk $0xffff, v8;
	v6 =	vadd.s32 v10, v9  }
0x33f: {  	v8 =	vld [tilespmem:s7+$0xFFFFFFD0];
	v6 =	vor.u32 v5, v6;
	_ =	sdelay $0x4  }
0x340: {  	[tilespmem:v6+s0+$0x0] =	vst.idx.msk $0xffff, v8;
	v6 =	vadd.s32 v11, v9  }
0x341: {  	v8 =	vld [tilespmem:s7+$0xFFFFFFE0];
	v6 =	vor.u32 v5, v6;
	_ =	sdelay $0x4  }
0x342: {  	[tilespmem:v6+s0+$0x0] =	vst.idx.msk $0xffff, v8;
	v6 =	vadd.s32 v4, v9  }
0x343: {  	v8 =	vld [tilespmem:s7+$0xFFFFFFF0];
	v5 =	vor.u32 v5, v6;
	_ =	sdelay $0x1  }
0x344: {  	s15 =	simm.s32 $0x2  }
0x345: {  	v6 =	vmov s15  }
0x346: {  	v9 =	vand.u32 $0x78, v6  }
0x347: {  	[tilespmem:v5+s0+$0x0] =	vst.idx.msk $0xffff, v8;
	v5 =	vand.u32 $0x6, v6;
	v6 =	vadd.s32 v7, v9  }
0x348: {  	v8 =	vld [tilespmem:s7+$0x0];
	v6 =	vor.u32 v5, v6;
	_ =	sdelay $0x4  }
0x349: {  	[tilespmem:v6+s0+$0x0] =	vst.idx.msk $0xffff, v8;
	v6 =	vadd.s32 v10, v9  }
0x34a: {  	v8 =	vld [tilespmem:s7+$0x10];
	v6 =	vor.u32 v5, v6;
	_ =	sdelay $0x4  }
0x34b: {  	[tilespmem:v6+s0+$0x0] =	vst.idx.msk $0xffff, v8;
	v6 =	vadd.s32 v11, v9  }
0x34c: {  	v8 =	vld [tilespmem:s7+$0x20];
	v6 =	vor.u32 v5, v6;
	_ =	sdelay $0x4  }
0x34d: {  	[tilespmem:v6+s0+$0x0] =	vst.idx.msk $0xffff, v8;
	v6 =	vadd.s32 v4, v9  }
0x34e: {  	v8 =	vld [tilespmem:s7+$0x30];
	v5 =	vor.u32 v5, v6;
	_ =	sdelay $0x1  }
0x34f: {  	s17 =	simm.s32 $0x3  }
0x350: {  	v6 =	vmov s17  }
0x351: {  	v9 =	vand.u32 $0x78, v6  }
0x352: {  	[tilespmem:v5+s0+$0x0] =	vst.idx.msk $0xffff, v8;
	v8 =	vand.u32 $0x7, v6;
	v5 =	vadd.s32 v7, v9  }
0x353: {  	v6 =	vld [tilespmem:s7+$0x40];
	v5 =	vor.u32 v8, v5;
	_ =	sdelay $0x4  }
0x354: {  	[tilespmem:v5+s0+$0x0] =	vst.idx.msk $0xffff, v6;
	v5 =	vadd.s32 v10, v9  }
0x355: {  	v6 =	vld [tilespmem:s7+$0x50];
	v5 =	vor.u32 v8, v5;
	_ =	sdelay $0x4  }
0x356: {  	[tilespmem:v5+s0+$0x0] =	vst.idx.msk $0xffff, v6;
	v6 =	vadd.s32 v11, v9  }
0x357: {  	v5 =	vld [tilespmem:s7+$0x60];
	v6 =	vor.u32 v8, v6;
	_ =	sdelay $0x3  }
0x358: {  	s9 =	simm.s32 $0x2;
	s1 =	simm.s32 $0x0  }
.LBB2_16:
0x359: {  	p0 =	sne.s32 s9, $0x3F;
	v7 =	vmov s1;
	[tilespmem:v6+s0+$0x0] =	vst.idx.msk $0xffff, v5;
	v4 =	vadd.s32 v4, v9  }
0x35a: {  	v5 =	vmul.u32 $0x440, v7;
	v6 =	vld [tilespmem:s7+$0x70];
	v4 =	vor.u32 v8, v4;
	_ =	sdelay $0x1  }
0x35b: {  	s10 =	sadd.s32 $0x4, s10;
	v8 =	vbroadcast v5, $0x0  }
0x35c: {  	v7 =	vmov s10  }
0x35d: {  	v9 =	vand.u32 $0x78, v7;
	v5 =	vadd.s32 v0, v8  }
0x35e: {  	s7 =	sadd.s32 $0x100, s7;
	v10 =	vand.u32 $0x4, v7;
	v7 =	vadd.s32 v9, v5;
	[tilespmem:v4+s0+$0x0] =	vst.idx.msk $0xffff, v6  }
0x35f: {  	v4 =	vld [tilespmem:s7+$0xFFFFFF80];
	v7 =	vor.u32 v10, v7;
	_ =	sdelay $0x3  }
0x360: {  	v6 =	vadd.s32 v1, v8  }
0x361: {  	[tilespmem:v7+s0+$0x0] =	vst.idx.msk $0xffff, v4;
	v4 =	vadd.s32 v9, v6  }
0x362: {  	v11 =	vld [tilespmem:s7+$0xFFFFFF90];
	v4 =	vor.u32 v10, v4;
	_ =	sdelay $0x3  }
0x363: {  	v7 =	vadd.s32 v2, v8  }
0x364: {  	[tilespmem:v4+s0+$0x0] =	vst.idx.msk $0xffff, v11;
	v4 =	vadd.s32 v9, v7  }
0x365: {  	v11 =	vld [tilespmem:s7+$0xFFFFFFA0];
	v12 =	vor.u32 v10, v4;
	_ =	sdelay $0x3  }
0x366: {  	v4 =	vadd.s32 v3, v8  }
0x367: {  	v8 =	vadd.s32 v9, v4;
	[tilespmem:v12+s0+$0x0] =	vst.idx.msk $0xffff, v11  }
0x368: {  	v8 =	vor.u32 v10, v8;
	v9 =	vld [tilespmem:s7+$0xFFFFFFB0];
	_ =	sdelay $0x1  }
0x369: {  	s1 =	sadd.s32 $0x1, s10  }
0x36a: {  	v10 =	vmov s1  }
0x36b: {  	v11 =	vand.u32 $0x78, v10  }
0x36c: {  	[tilespmem:v8+s0+$0x0] =	vst.idx.msk $0xffff, v9;
	v8 =	vand.u32 $0x5, v10;
	v9 =	vadd.s32 v5, v11  }
0x36d: {  	v10 =	vld [tilespmem:s7+$0xFFFFFFC0];
	v9 =	vor.u32 v8, v9;
	_ =	sdelay $0x4  }
0x36e: {  	[tilespmem:v9+s0+$0x0] =	vst.idx.msk $0xffff, v10;
	v9 =	vadd.s32 v6, v11  }
0x36f: {  	v10 =	vld [tilespmem:s7+$0xFFFFFFD0];
	v9 =	vor.u32 v8, v9;
	_ =	sdelay $0x4  }
0x370: {  	[tilespmem:v9+s0+$0x0] =	vst.idx.msk $0xffff, v10;
	v9 =	vadd.s32 v7, v11  }
0x371: {  	v10 =	vld [tilespmem:s7+$0xFFFFFFE0];
	v9 =	vor.u32 v8, v9;
	_ =	sdelay $0x4  }
0x372: {  	[tilespmem:v9+s0+$0x0] =	vst.idx.msk $0xffff, v10;
	v9 =	vadd.s32 v4, v11  }
0x373: {  	v10 =	vld [tilespmem:s7+$0xFFFFFFF0];
	v8 =	vor.u32 v8, v9;
	_ =	sdelay $0x1  }
0x374: {  	s1 =	sadd.s32 $0x2, s10  }
0x375: {  	v9 =	vmov s1  }
0x376: {  	v11 =	vand.u32 $0x78, v9  }
0x377: {  	[tilespmem:v8+s0+$0x0] =	vst.idx.msk $0xffff, v10;
	v8 =	vand.u32 $0x6, v9;
	v9 =	vadd.s32 v5, v11  }
0x378: {  	v10 =	vld [tilespmem:s7+$0x0];
	v9 =	vor.u32 v8, v9;
	_ =	sdelay $0x4  }
0x379: {  	[tilespmem:v9+s0+$0x0] =	vst.idx.msk $0xffff, v10;
	v9 =	vadd.s32 v6, v11  }
0x37a: {  	v10 =	vld [tilespmem:s7+$0x10];
	v9 =	vor.u32 v8, v9;
	_ =	sdelay $0x4  }
0x37b: {  	[tilespmem:v9+s0+$0x0] =	vst.idx.msk $0xffff, v10;
	v9 =	vadd.s32 v7, v11  }
0x37c: {  	v10 =	vld [tilespmem:s7+$0x20];
	v9 =	vor.u32 v8, v9;
	_ =	sdelay $0x4  }
0x37d: {  	[tilespmem:v9+s0+$0x0] =	vst.idx.msk $0xffff, v10;
	v9 =	vadd.s32 v4, v11  }
0x37e: {  	v10 =	vld [tilespmem:s7+$0x30];
	v8 =	vor.u32 v8, v9;
	_ =	sdelay $0x1  }
0x37f: {  	s1 =	sadd.s32 $0x3, s10  }
0x380: {  	v11 =	vmov s1  }
0x381: {  	v9 =	vand.u32 $0x78, v11  }
0x382: {  	v5 =	vadd.s32 v5, v9;
	[tilespmem:v8+s0+$0x0] =	vst.idx.msk $0xffff, v10;
	v8 =	vand.u32 $0x7, v11  }
0x383: {  	v10 =	vld [tilespmem:s7+$0x40];
	v5 =	vor.u32 v8, v5;
	_ =	sdelay $0x4  }
0x384: {  	[tilespmem:v5+s0+$0x0] =	vst.idx.msk $0xffff, v10;
	v5 =	vadd.s32 v6, v9  }
0x385: {  	v6 =	vld [tilespmem:s7+$0x50];
	v5 =	vor.u32 v8, v5;
	_ =	sdelay $0x4  }
0x386: {  	[tilespmem:v5+s0+$0x0] =	vst.idx.msk $0xffff, v6;
	v6 =	vadd.s32 v7, v9  }
.Ltmp7:
0x387: {  	v5 =	vld [tilespmem:s7+$0x60];
	v6 =	vor.u32 v8, v6;
	(pc) =	sbr.rel @p0 .LBB2_16-.Ltmp7, $2  }
0x388: {  	_ =	sdelay $0x2  }
0x389: {  	s1 =	sshrl.u32 s9, $0x5;
	s9 =	sadd.s32 $0x1, s9  }
0x38a: {  	_ =	sdelay $0x3  }
0x38b: {  	v7 =	vmov s1;
	[tilespmem:v6+s0+$0x0] =	vst.idx.msk $0xffff, v5;
	v4 =	vadd.s32 v4, v9  }
0x38c: {  	v5 =	vmul.u32 $0x440, v7;
	v6 =	vld [tilespmem:s7+$0x70];
	v4 =	vor.u32 v8, v4;
	_ =	sdelay $0x1  }
0x38d: {  	s9 =	sadd.s32 $0x4, s10;
	v5 =	vbroadcast v5, $0x0  }
0x38e: {  	v41 =	vmov s9  }
0x38f: {  	v42 =	vand.u32 $0x78, v41;
	v43 =	vadd.s32 v0, v5  }
0x390: {  	s14 =	sadd.s32 $0x100, s7;
	v7 =	vand.u32 $0x4, v41;
	v10 =	vadd.s32 v42, v43;
	[tilespmem:v4+s0+$0x0] =	vst.idx.msk $0xffff, v6  }
0x391: {  	v4 =	vld [tilespmem:s14+$0xFFFFFF80];
	v44 =	vor.u32 v7, v10;
	_ =	sdelay $0x3  }
0x392: {  	v45 =	vadd.s32 v1, v5  }
0x393: {  	[tilespmem:v44+s0+$0x0] =	vst.idx.msk $0xffff, v4;
	v4 =	vadd.s32 v42, v45  }
0x394: {  	v6 =	vld [tilespmem:s14+$0xFFFFFF90];
	v4 =	vor.u32 v7, v4;
	_ =	sdelay $0x3  }
0x395: {  	v11 =	vadd.s32 v2, v5  }
0x396: {  	[tilespmem:v4+s0+$0x0] =	vst.idx.msk $0xffff, v6;
	v4 =	vadd.s32 v42, v11  }
0x397: {  	v6 =	vld [tilespmem:s14+$0xFFFFFFA0];
	v4 =	vor.u32 v7, v4;
	_ =	sdelay $0x3  }
0x398: {  	v5 =	vadd.s32 v3, v5  }
0x399: {  	[tilespmem:v4+s0+$0x0] =	vst.idx.msk $0xffff, v6;
	v4 =	vadd.s32 v42, v5  }
0x39a: {  	v6 =	vld [tilespmem:s14+$0xFFFFFFB0];
	v4 =	vor.u32 v7, v4;
	_ =	sdelay $0x1  }
0x39b: {  	s15 =	sadd.s32 $0x1, s9  }
0x39c: {  	v46 =	vmov s15  }
0x39d: {  	v47 =	vand.u32 $0x78, v46  }
0x39e: {  	v48 =	vadd.s32 v43, v47;
	[tilespmem:v4+s0+$0x0] =	vst.idx.msk $0xffff, v6;
	v4 =	vand.u32 $0x5, v46  }
0x39f: {  	v49 =	vld [tilespmem:s14+$0xFFFFFFC0];
	v6 =	vor.u32 v4, v48;
	_ =	sdelay $0x4  }
0x3a0: {  	v50 =	vadd.s32 v45, v47;
	[tilespmem:v6+s0+$0x0] =	vst.idx.msk $0xffff, v49  }
0x3a1: {  	v6 =	vor.u32 v4, v50;
	v7 =	vld [tilespmem:s14+$0xFFFFFFD0];
	_ =	sdelay $0x4  }
0x3a2: {  	v51 =	vadd.s32 v11, v47;
	[tilespmem:v6+s0+$0x0] =	vst.idx.msk $0xffff, v7  }
0x3a3: {  	v6 =	vor.u32 v4, v51;
	v7 =	vld [tilespmem:s14+$0xFFFFFFE0];
	_ =	sdelay $0x4  }
0x3a4: {  	v52 =	vadd.s32 v5, v47;
	[tilespmem:v6+s0+$0x0] =	vst.idx.msk $0xffff, v7  }
0x3a5: {  	v4 =	vor.u32 v4, v52;
	v7 =	vld [tilespmem:s14+$0xFFFFFFF0];
	_ =	sdelay $0x1  }
0x3a6: {  	s17 =	sadd.s32 $0x2, s9  }
0x3a7: {  	v53 =	vmov s17  }
0x3a8: {  	v54 =	vand.u32 $0x78, v53  }
0x3a9: {  	v55 =	vadd.s32 v43, v54;
	[tilespmem:v4+s0+$0x0] =	vst.idx.msk $0xffff, v7;
	v4 =	vand.u32 $0x6, v53  }
0x3aa: {  	v7 =	vld [tilespmem:s14+$0x0];
	v6 =	vor.u32 v4, v55;
	_ =	sdelay $0x4  }
0x3ab: {  	v56 =	vadd.s32 v45, v54;
	[tilespmem:v6+s0+$0x0] =	vst.idx.msk $0xffff, v7  }
0x3ac: {  	v6 =	vor.u32 v4, v56;
	v7 =	vld [tilespmem:s14+$0x10];
	_ =	sdelay $0x4  }
0x3ad: {  	v57 =	vadd.s32 v11, v54;
	[tilespmem:v6+s0+$0x0] =	vst.idx.msk $0xffff, v7  }
0x3ae: {  	v6 =	vor.u32 v4, v57;
	v7 =	vld [tilespmem:s14+$0x20];
	_ =	sdelay $0x4  }
0x3af: {  	v58 =	vadd.s32 v5, v54;
	[tilespmem:v6+s0+$0x0] =	vst.idx.msk $0xffff, v7  }
0x3b0: {  	v4 =	vor.u32 v4, v58;
	v7 =	vld [tilespmem:s14+$0x30];
	_ =	sdelay $0x1  }
0x3b1: {  	s9 =	sadd.s32 $0x3, s9  }
0x3b2: {  	v59 =	vmov s9  }
0x3b3: {  	v60 =	vand.u32 $0x78, v59  }
0x3b4: {  	v61 =	vadd.s32 v43, v60;
	[tilespmem:v4+s0+$0x0] =	vst.idx.msk $0xffff, v7;
	v4 =	vand.u32 $0x7, v59  }
0x3b5: {  	v7 =	vld [tilespmem:s14+$0x40];
	v6 =	vor.u32 v4, v61;
	_ =	sdelay $0x4  }
0x3b6: {  	v62 =	vadd.s32 v45, v60;
	[tilespmem:v6+s0+$0x0] =	vst.idx.msk $0xffff, v7  }
0x3b7: {  	v6 =	vor.u32 v4, v62;
	v7 =	vld [tilespmem:s14+$0x50];
	_ =	sdelay $0x4  }
0x3b8: {  	v63 =	vadd.s32 v11, v60;
	[tilespmem:v6+s0+$0x0] =	vst.idx.msk $0xffff, v7  }
0x3b9: {  	v6 =	vor.u32 v4, v63;
	v7 =	vld [tilespmem:s14+$0x60];
	_ =	sdelay $0x4  }
0x3ba: {  	v5 =	vadd.s32 v5, v60;
	[tilespmem:v6+s0+$0x0] =	vst.idx.msk $0xffff, v7  }
0x3bb: {  	v4 =	vor.u32 v4, v5;
	v6 =	vld [tilespmem:s14+$0x70];
	_ =	sdelay $0x4  }
0x3bc: {  	s10 =	simm.s32 $0xC600;
	s9 =	rddreg [dreg:$0x6];
	[tilespmem:v4+s0+$0x0] =	vst.idx.msk $0xffff, v6  }
0x3bd: {  	[hbm4b:s9+s2] =	stream.linear.scatter [tilespmem:s10], [sflag:$0x6], $0x80, $0x38;
	[tilespmem:$0x10A00] =	vst v63  }
0x3be: {  	s12 =	simm.s32 $0xC688;
	s14 =	sadd.s32 $0x10, s9  }
0x3bf: {  	[hbm4b:s14+s2] =	stream.linear.scatter [tilespmem:s12], [sflag:$0x6], $0x80, $0x38;
	[tilespmem:$0x10A00] =	vst v63  }
0x3c0: {  	s15 =	simm.s32 $0xC710;
	s17 =	sadd.s32 $0x20, s9  }
0x3c1: {  	[hbm4b:s17+s2] =	stream.linear.scatter [tilespmem:s15], [sflag:$0x6], $0x80, $0x38;
	[tilespmem:$0x10A00] =	vst v63  }
0x3c2: {  	s7 =	simm.s32 $0xC798;
	s10 =	sadd.s32 $0x30, s9  }
0x3c3: {  	[hbm4b:s10+s2] =	stream.linear.scatter [tilespmem:s7], [sflag:$0x6], $0x80, $0x38;
	[tilespmem:$0x10A00] =	vst v63  }
0x3c4: {  	s12 =	simm.s32 $0xC820;
	s14 =	sadd.s32 $0x40, s9  }
0x3c5: {  	[hbm4b:s14+s2] =	stream.linear.scatter [tilespmem:s12], [sflag:$0x6], $0x80, $0x38;
	[tilespmem:$0x10A00] =	vst v63  }
0x3c6: {  	s15 =	simm.s32 $0xC8A8;
	s17 =	sadd.s32 $0x50, s9  }
0x3c7: {  	[hbm4b:s17+s2] =	stream.linear.scatter [tilespmem:s15], [sflag:$0x6], $0x80, $0x38;
	[tilespmem:$0x10A00] =	vst v63  }
0x3c8: {  	s7 =	simm.s32 $0xC930;
	s10 =	sadd.s32 $0x60, s9  }
0x3c9: {  	[hbm4b:s10+s2] =	stream.linear.scatter [tilespmem:s7], [sflag:$0x6], $0x80, $0x38;
	[tilespmem:$0x10A00] =	vst v63  }
0x3ca: {  	s12 =	simm.s32 $0xC9B8;
	s14 =	sadd.s32 $0x70, s9  }
0x3cb: {  	[hbm4b:s14+s2] =	stream.linear.scatter [tilespmem:s12], [sflag:$0x6], $0x80, $0x38;
	[tilespmem:$0x10A00] =	vst v63  }
0x3cc: {  	s15 =	simm.s32 $0xCA40;
	s17 =	sadd.s32 $0x80, s9  }
0x3cd: {  	[hbm4b:s17+s2] =	stream.linear.scatter [tilespmem:s15], [sflag:$0x6], $0x80, $0x38;
	[tilespmem:$0x10A00] =	vst v63  }
0x3ce: {  	s7 =	simm.s32 $0xCAC8;
	s10 =	sadd.s32 $0x90, s9  }
0x3cf: {  	[hbm4b:s10+s2] =	stream.linear.scatter [tilespmem:s7], [sflag:$0x6], $0x80, $0x38;
	[tilespmem:$0x10A00] =	vst v63  }
0x3d0: {  	s12 =	simm.s32 $0xCB50;
	s14 =	sadd.s32 $0xA0, s9;
	s15 =	simm.s32 $0xCBD8  }
0x3d1: {  	[hbm4b:s14+s2] =	stream.linear.scatter [tilespmem:s12], [sflag:$0x6], $0x80, $0x38;
	[tilespmem:$0x10A00] =	vst v63  }
0x3d2: {  	s17 =	sadd.s32 $0xB0, s9;
	s7 =	simm.s32 $0xCC60;
	s10 =	sadd.s32 $0xC0, s9  }
0x3d3: {  	[hbm4b:s17+s2] =	stream.linear.scatter [tilespmem:s15], [sflag:$0x6], $0x80, $0x38;
	[tilespmem:$0x10A00] =	vst v63  }
0x3d4: {  	s12 =	simm.s32 $0xCCE8;
	s14 =	sadd.s32 $0xD0, s9;
	s15 =	simm.s32 $0xCD70  }
0x3d5: {  	[hbm4b:s10+s2] =	stream.linear.scatter [tilespmem:s7], [sflag:$0x6], $0x80, $0x38;
	[tilespmem:$0x10A00] =	vst v63  }
0x3d6: {  	s17 =	sadd.s32 $0xE0, s9;
	s7 =	simm.s32 $0x880;
	s10 =	simm.s32 $0xCDF8  }
0x3d7: {  	[hbm4b:s14+s2] =	stream.linear.scatter [tilespmem:s12], [sflag:$0x6], $0x80, $0x38;
	[tilespmem:$0x10A00] =	vst v63  }
0x3d8: {  	s12 =	simm.s32 $0x4400;
	s14 =	sadd.s32 $0xF0, s9;
	s9 =	sadd.s32 $0x4000, s9  }
0x3d9: {  	[hbm4b:s17+s2] =	stream.linear.scatter [tilespmem:s15], [sflag:$0x6], $0x80, $0x38;
	[tilespmem:$0x10A00] =	vst v63  }
.LBB2_18:
0x3da: {  	[hbm4b:s14+s2] =	stream.linear.scatter [tilespmem:s10], [sflag:$0x6], $0x80, $0x38;
	[tilespmem:$0x10A00] =	vst v63  }
0x3db: {  	s10 =	smov.u32 s7;
	s1 =	smov.u32 s12  }
0x3dc: {  	s7 =	sshra.s32 s1, $0x2;
	s1 =	sadd.s32 $0x2200, s12;
	s14 =	sadd.s32 $0xC600, s10  }
0x3dd: {  	[hbm4b:s9+s2] =	stream.linear.scatter [tilespmem:s14], [sflag:$0x6], $0x80, $0x38;
	[tilespmem:$0x10A00] =	vst v63  }
0x3de: {  	p0 =	sne.s32 s12, $0xEE00;
	s12 =	sadd.s32 $0xC688, s10;
	s14 =	sadd.s32 $0x10, s9  }
0x3df: {  	[hbm4b:s14+s2] =	stream.linear.scatter [tilespmem:s12], [sflag:$0x6], $0x80, $0x38;
	[tilespmem:$0x10A00] =	vst v63  }
0x3e0: {  	s12 =	sadd.s32 $0xC710, s10;
	s14 =	sadd.s32 $0x20, s9  }
0x3e1: {  	[hbm4b:s14+s2] =	stream.linear.scatter [tilespmem:s12], [sflag:$0x6], $0x80, $0x38;
	[tilespmem:$0x10A00] =	vst v63  }
0x3e2: {  	s12 =	sadd.s32 $0xC798, s10;
	s14 =	sadd.s32 $0x30, s9  }
0x3e3: {  	[hbm4b:s14+s2] =	stream.linear.scatter [tilespmem:s12], [sflag:$0x6], $0x80, $0x38;
	[tilespmem:$0x10A00] =	vst v63  }
0x3e4: {  	s12 =	sadd.s32 $0xC820, s10;
	s14 =	sadd.s32 $0x40, s9  }
0x3e5: {  	[hbm4b:s14+s2] =	stream.linear.scatter [tilespmem:s12], [sflag:$0x6], $0x80, $0x38;
	[tilespmem:$0x10A00] =	vst v63  }
0x3e6: {  	s12 =	sadd.s32 $0xC8A8, s10;
	s14 =	sadd.s32 $0x50, s9  }
0x3e7: {  	[hbm4b:s14+s2] =	stream.linear.scatter [tilespmem:s12], [sflag:$0x6], $0x80, $0x38;
	[tilespmem:$0x10A00] =	vst v63  }
0x3e8: {  	s12 =	sadd.s32 $0xC930, s10;
	s14 =	sadd.s32 $0x60, s9  }
0x3e9: {  	[hbm4b:s14+s2] =	stream.linear.scatter [tilespmem:s12], [sflag:$0x6], $0x80, $0x38;
	[tilespmem:$0x10A00] =	vst v63  }
0x3ea: {  	s12 =	sadd.s32 $0xC9B8, s10;
	s14 =	sadd.s32 $0x70, s9  }
0x3eb: {  	[hbm4b:s14+s2] =	stream.linear.scatter [tilespmem:s12], [sflag:$0x6], $0x80, $0x38;
	[tilespmem:$0x10A00] =	vst v63  }
0x3ec: {  	s12 =	sadd.s32 $0xCA40, s10;
	s14 =	sadd.s32 $0x80, s9  }
0x3ed: {  	[hbm4b:s14+s2] =	stream.linear.scatter [tilespmem:s12], [sflag:$0x6], $0x80, $0x38;
	[tilespmem:$0x10A00] =	vst v63  }
0x3ee: {  	s12 =	sadd.s32 $0xCAC8, s10;
	s14 =	sadd.s32 $0x90, s9  }
0x3ef: {  	[hbm4b:s14+s2] =	stream.linear.scatter [tilespmem:s12], [sflag:$0x6], $0x80, $0x38;
	[tilespmem:$0x10A00] =	vst v63  }
0x3f0: {  	s12 =	sadd.s32 $0xCB50, s10;
	s14 =	sadd.s32 $0xA0, s9  }
0x3f1: {  	[hbm4b:s14+s2] =	stream.linear.scatter [tilespmem:s12], [sflag:$0x6], $0x80, $0x38;
	[tilespmem:$0x10A00] =	vst v63  }
0x3f2: {  	s12 =	sadd.s32 $0xCBD8, s10;
	s14 =	sadd.s32 $0xB0, s9  }
0x3f3: {  	[hbm4b:s14+s2] =	stream.linear.scatter [tilespmem:s12], [sflag:$0x6], $0x80, $0x38;
	[tilespmem:$0x10A00] =	vst v63  }
0x3f4: {  	s12 =	sadd.s32 $0xCC60, s10;
	s14 =	sadd.s32 $0xC0, s9  }
0x3f5: {  	[hbm4b:s14+s2] =	stream.linear.scatter [tilespmem:s12], [sflag:$0x6], $0x80, $0x38;
	[tilespmem:$0x10A00] =	vst v63  }
.Ltmp8:
0x3f6: {  	s12 =	sadd.s32 $0xCCE8, s10;
	s14 =	sadd.s32 $0xD0, s9;
	(pc) =	sbr.rel @p0 .LBB2_18-.Ltmp8, $4  }
0x3f7: {  	[hbm4b:s14+s2] =	stream.linear.scatter [tilespmem:s12], [sflag:$0x6], $0x80, $0x38;
	[tilespmem:$0x10A00] =	vst v63  }
0x3f8: {  	s12 =	sadd.s32 $0xCD70, s10;
	s14 =	sadd.s32 $0xE0, s9;
	s10 =	sadd.s32 $0xCDF8, s10  }
0x3f9: {  	[hbm4b:s14+s2] =	stream.linear.scatter [tilespmem:s12], [sflag:$0x6], $0x80, $0x38;
	[tilespmem:$0x10A00] =	vst v63  }
0x3fa: {  	s14 =	sadd.s32 $0xF0, s9;
	s9 =	sadd.s32 $0x4000, s9;
	s12 =	smov.u32 s1  }
0x3fb: {  	[hbm4b:s14+s2] =	stream.linear.scatter [tilespmem:s10], [sflag:$0x6], $0x80, $0x38;
	[tilespmem:$0x10A00] =	vst v63  }
0x3fc: {  	s1 =	sadd.s32 $0xC600, s7  }
0x3fd: {  	[hbm4b:s9+s2] =	stream.linear.scatter [tilespmem:s1], [sflag:$0x6], $0x80, $0x38;
	[tilespmem:$0x10A00] =	vst v63  }
0x3fe: {  	s15 =	sadd.s32 $0xC688, s7;
	s17 =	sadd.s32 $0x10, s9  }
0x3ff: {  	[hbm4b:s17+s2] =	stream.linear.scatter [tilespmem:s15], [sflag:$0x6], $0x80, $0x38;
	[tilespmem:$0x10A00] =	vst v63  }
0x400: {  	s12 =	sadd.s32 $0xC710, s7;
	s14 =	sadd.s32 $0x20, s9  }
0x401: {  	[hbm4b:s14+s2] =	stream.linear.scatter [tilespmem:s12], [sflag:$0x6], $0x80, $0x38;
	[tilespmem:$0x10A00] =	vst v63  }
0x402: {  	s15 =	sadd.s32 $0xC798, s7;
	s17 =	sadd.s32 $0x30, s9  }
0x403: {  	[hbm4b:s17+s2] =	stream.linear.scatter [tilespmem:s15], [sflag:$0x6], $0x80, $0x38;
	[tilespmem:$0x10A00] =	vst v63  }
0x404: {  	s12 =	sadd.s32 $0xC820, s7;
	s14 =	sadd.s32 $0x40, s9  }
0x405: {  	[hbm4b:s14+s2] =	stream.linear.scatter [tilespmem:s12], [sflag:$0x6], $0x80, $0x38;
	[tilespmem:$0x10A00] =	vst v63  }
0x406: {  	s15 =	sadd.s32 $0xC8A8, s7;
	s17 =	sadd.s32 $0x50, s9  }
0x407: {  	[hbm4b:s17+s2] =	stream.linear.scatter [tilespmem:s15], [sflag:$0x6], $0x80, $0x38;
	[tilespmem:$0x10A00] =	vst v63  }
0x408: {  	s12 =	sadd.s32 $0xC930, s7;
	s14 =	sadd.s32 $0x60, s9  }
0x409: {  	[hbm4b:s14+s2] =	stream.linear.scatter [tilespmem:s12], [sflag:$0x6], $0x80, $0x38;
	[tilespmem:$0x10A00] =	vst v63  }
0x40a: {  	s15 =	sadd.s32 $0xC9B8, s7;
	s17 =	sadd.s32 $0x70, s9  }
0x40b: {  	[hbm4b:s17+s2] =	stream.linear.scatter [tilespmem:s15], [sflag:$0x6], $0x80, $0x38;
	[tilespmem:$0x10A00] =	vst v63  }
0x40c: {  	s12 =	sadd.s32 $0xCA40, s7;
	s14 =	sadd.s32 $0x80, s9  }
0x40d: {  	[hbm4b:s14+s2] =	stream.linear.scatter [tilespmem:s12], [sflag:$0x6], $0x80, $0x38;
	[tilespmem:$0x10A00] =	vst v63  }
0x40e: {  	s15 =	sadd.s32 $0xCAC8, s7;
	s17 =	sadd.s32 $0x90, s9  }
0x40f: {  	[hbm4b:s17+s2] =	stream.linear.scatter [tilespmem:s15], [sflag:$0x6], $0x80, $0x38;
	[tilespmem:$0x10A00] =	vst v63  }
0x410: {  	s12 =	sadd.s32 $0xCB50, s7;
	s14 =	sadd.s32 $0xA0, s9  }
0x411: {  	[hbm4b:s14+s2] =	stream.linear.scatter [tilespmem:s12], [sflag:$0x6], $0x80, $0x38;
	[tilespmem:$0x10A00] =	vst v63  }
0x412: {  	s15 =	sadd.s32 $0xCBD8, s7;
	s17 =	sadd.s32 $0xB0, s9  }
0x413: {  	[hbm4b:s17+s2] =	stream.linear.scatter [tilespmem:s15], [sflag:$0x6], $0x80, $0x38;
	[tilespmem:$0x10A00] =	vst v63  }
0x414: {  	s12 =	sadd.s32 $0xCC60, s7;
	s14 =	sadd.s32 $0xC0, s9  }
0x415: {  	[hbm4b:s14+s2] =	stream.linear.scatter [tilespmem:s12], [sflag:$0x6], $0x80, $0x38;
	[tilespmem:$0x10A00] =	vst v63  }
0x416: {  	s15 =	sadd.s32 $0xCCE8, s7;
	s17 =	sadd.s32 $0xD0, s9  }
0x417: {  	[hbm4b:s17+s2] =	stream.linear.scatter [tilespmem:s15], [sflag:$0x6], $0x80, $0x38;
	[tilespmem:$0x10A00] =	vst v63  }
0x418: {  	s12 =	sadd.s32 $0xCD70, s7;
	s14 =	sadd.s32 $0xE0, s9  }
0x419: {  	[hbm4b:s14+s2] =	stream.linear.scatter [tilespmem:s12], [sflag:$0x6], $0x80, $0x38;
	[tilespmem:$0x10A00] =	vst v63  }
0x41a: {  	s15 =	sadd.s32 $0xCDF8, s7;
	s17 =	sadd.s32 $0xF0, s9  }
0x41b: {  	[hbm4b:s17+s2] =	stream.linear.scatter [tilespmem:s15], [sflag:$0x6], $0x80, $0x38;
	[tilespmem:$0x10A00] =	vst v63  }
0x41c: {  	s10 =	simm.s32 $0x0;
	s9 =	rddreg [dreg:$0x7]  }
0x41d: {  	[tilespmem:s22], [sflag:$0x2] =	stream.linear.gather [hbm4b:s9+s10], $0x100, $0x38;
	[tilespmem:$0x10A00] =	vst v63  }
0x41e: {  	_ =	swait.ge [sflag:s3], $0x4000  }
0x41f: {  	[sflag:s3] =	ssyncset.done $0x0  }
0x420: {  	[sflag:s3] =	ssyncadd.s32 $0xFFFFC000  }
0x421: {  	_ =	swait.ge [sflag:s23], $0x100  }
0x422: {  	s12 =	simm.s32 $0x0;
	[sflag:s23] =	ssyncset.done $0x0  }
0x423: {  	v4 =	vmov s12;
	[sflag:s23] =	ssyncadd.s32 $0xFFFFFF00  }
0x424: {  	v4 =	vmul.u32 $0x440, v4;
	[tilespmem:s24], [sflag:$0x4] =	stream.indirect.gather [hbm4b:s5+s19], $0x40, s22, s19, $0xb8;
	[tilespmem:$0x10A00] =	vst v63  }
0x425: {  	_ = 	snop  }
0x426: {  	v4 =	vbroadcast v4, $0x0;
	[tilespmem:s26], [sflag:$0x4] =	stream.indirect.gather [hbm4b:s5+s19], $0x40, s25, s19, $0xb8;
	[tilespmem:$0x10A00] =	vst v63  }
0x427: {  	v5 =	vmov s10;
	_ =	swait.ge [sflag:s28], $0x4000  }
0x428: {  	v6 =	vand.u32 $0x78, v5;
	v7 =	vadd.s32 v0, v4;
	[sflag:s28] =	ssyncset.done $0x0  }
0x429: {  	v5 =	vand.u32 $0x4, v5;
	s7 =	simm.s32 $0x280;
	v8 =	vadd.s32 v6, v7;
	[sflag:s28] =	ssyncadd.s32 $0xFFFFC000  }
0x42a: {  	v8 =	vor.u32 v5, v8;
	v9 =	vld [tilespmem:s7+$0xFFFFFF80];
	_ =	sdelay $0x3  }
0x42b: {  	v10 =	vadd.s32 v1, v4  }
0x42c: {  	[tilespmem:v8+s29+$0x0] =	vst.idx.msk $0xffff, v9;
	v8 =	vadd.s32 v6, v10  }
0x42d: {  	v9 =	vld [tilespmem:s7+$0xFFFFFF90];
	v8 =	vor.u32 v5, v8;
	_ =	sdelay $0x3  }
0x42e: {  	v11 =	vadd.s32 v2, v4  }
0x42f: {  	[tilespmem:v8+s29+$0x0] =	vst.idx.msk $0xffff, v9;
	v8 =	vadd.s32 v6, v11  }
0x430: {  	v9 =	vld [tilespmem:s7+$0xFFFFFFA0];
	v8 =	vor.u32 v5, v8;
	_ =	sdelay $0x3  }
0x431: {  	v4 =	vadd.s32 v3, v4  }
0x432: {  	v6 =	vadd.s32 v6, v4;
	[tilespmem:v8+s29+$0x0] =	vst.idx.msk $0xffff, v9  }
0x433: {  	v5 =	vor.u32 v5, v6;
	v8 =	vld [tilespmem:s7+$0xFFFFFFB0];
	_ =	sdelay $0x1  }
0x434: {  	s14 =	simm.s32 $0x1  }
0x435: {  	v6 =	vmov s14  }
0x436: {  	v9 =	vand.u32 $0x78, v6  }
0x437: {  	[tilespmem:v5+s29+$0x0] =	vst.idx.msk $0xffff, v8;
	v5 =	vand.u32 $0x5, v6;
	v6 =	vadd.s32 v7, v9  }
0x438: {  	v8 =	vld [tilespmem:s7+$0xFFFFFFC0];
	v6 =	vor.u32 v5, v6;
	_ =	sdelay $0x4  }
0x439: {  	[tilespmem:v6+s29+$0x0] =	vst.idx.msk $0xffff, v8;
	v6 =	vadd.s32 v10, v9  }
0x43a: {  	v8 =	vld [tilespmem:s7+$0xFFFFFFD0];
	v6 =	vor.u32 v5, v6;
	_ =	sdelay $0x4  }
0x43b: {  	[tilespmem:v6+s29+$0x0] =	vst.idx.msk $0xffff, v8;
	v6 =	vadd.s32 v11, v9  }
0x43c: {  	v8 =	vld [tilespmem:s7+$0xFFFFFFE0];
	v6 =	vor.u32 v5, v6;
	_ =	sdelay $0x4  }
0x43d: {  	[tilespmem:v6+s29+$0x0] =	vst.idx.msk $0xffff, v8;
	v6 =	vadd.s32 v4, v9  }
0x43e: {  	v8 =	vld [tilespmem:s7+$0xFFFFFFF0];
	v5 =	vor.u32 v5, v6;
	_ =	sdelay $0x1  }
0x43f: {  	s15 =	simm.s32 $0x2  }
0x440: {  	v6 =	vmov s15  }
0x441: {  	v9 =	vand.u32 $0x78, v6  }
0x442: {  	[tilespmem:v5+s29+$0x0] =	vst.idx.msk $0xffff, v8;
	v5 =	vand.u32 $0x6, v6;
	v6 =	vadd.s32 v7, v9  }
0x443: {  	v8 =	vld [tilespmem:s7+$0x0];
	v6 =	vor.u32 v5, v6;
	_ =	sdelay $0x4  }
0x444: {  	[tilespmem:v6+s29+$0x0] =	vst.idx.msk $0xffff, v8;
	v6 =	vadd.s32 v10, v9  }
0x445: {  	v8 =	vld [tilespmem:s7+$0x10];
	v6 =	vor.u32 v5, v6;
	_ =	sdelay $0x4  }
0x446: {  	[tilespmem:v6+s29+$0x0] =	vst.idx.msk $0xffff, v8;
	v6 =	vadd.s32 v11, v9  }
0x447: {  	v8 =	vld [tilespmem:s7+$0x20];
	v6 =	vor.u32 v5, v6;
	_ =	sdelay $0x4  }
0x448: {  	[tilespmem:v6+s29+$0x0] =	vst.idx.msk $0xffff, v8;
	v6 =	vadd.s32 v4, v9  }
0x449: {  	v8 =	vld [tilespmem:s7+$0x30];
	v5 =	vor.u32 v5, v6;
	_ =	sdelay $0x1  }
0x44a: {  	s17 =	simm.s32 $0x3  }
0x44b: {  	v6 =	vmov s17  }
0x44c: {  	v9 =	vand.u32 $0x78, v6  }
0x44d: {  	[tilespmem:v5+s29+$0x0] =	vst.idx.msk $0xffff, v8;
	v8 =	vand.u32 $0x7, v6;
	v5 =	vadd.s32 v7, v9  }
0x44e: {  	v6 =	vld [tilespmem:s7+$0x40];
	v5 =	vor.u32 v8, v5;
	_ =	sdelay $0x4  }
0x44f: {  	[tilespmem:v5+s29+$0x0] =	vst.idx.msk $0xffff, v6;
	v5 =	vadd.s32 v10, v9  }
0x450: {  	v6 =	vld [tilespmem:s7+$0x50];
	v5 =	vor.u32 v8, v5;
	_ =	sdelay $0x4  }
0x451: {  	[tilespmem:v5+s29+$0x0] =	vst.idx.msk $0xffff, v6;
	v6 =	vadd.s32 v11, v9  }
0x452: {  	v5 =	vld [tilespmem:s7+$0x60];
	v6 =	vor.u32 v8, v6;
	_ =	sdelay $0x3  }
0x453: {  	s1 =	simm.s32 $0x0;
	s9 =	simm.s32 $0x2  }
.LBB2_20:
0x454: {  	p0 =	sne.s32 s9, $0x3F;
	v7 =	vmov s1;
	[tilespmem:v6+s29+$0x0] =	vst.idx.msk $0xffff, v5;
	v4 =	vadd.s32 v4, v9  }
0x455: {  	v5 =	vmul.u32 $0x440, v7;
	v6 =	vld [tilespmem:s7+$0x70];
	v4 =	vor.u32 v8, v4;
	_ =	sdelay $0x1  }
0x456: {  	s10 =	sadd.s32 $0x4, s10;
	v8 =	vbroadcast v5, $0x0  }
0x457: {  	v7 =	vmov s10  }
0x458: {  	v9 =	vand.u32 $0x78, v7;
	v5 =	vadd.s32 v0, v8  }
0x459: {  	s7 =	sadd.s32 $0x100, s7;
	v10 =	vand.u32 $0x4, v7;
	v7 =	vadd.s32 v9, v5;
	[tilespmem:v4+s29+$0x0] =	vst.idx.msk $0xffff, v6  }
0x45a: {  	v4 =	vld [tilespmem:s7+$0xFFFFFF80];
	v7 =	vor.u32 v10, v7;
	_ =	sdelay $0x3  }
0x45b: {  	v6 =	vadd.s32 v1, v8  }
0x45c: {  	[tilespmem:v7+s29+$0x0] =	vst.idx.msk $0xffff, v4;
	v4 =	vadd.s32 v9, v6  }
0x45d: {  	v11 =	vld [tilespmem:s7+$0xFFFFFF90];
	v4 =	vor.u32 v10, v4;
	_ =	sdelay $0x3  }
0x45e: {  	v7 =	vadd.s32 v2, v8  }
0x45f: {  	[tilespmem:v4+s29+$0x0] =	vst.idx.msk $0xffff, v11;
	v4 =	vadd.s32 v9, v7  }
0x460: {  	v11 =	vld [tilespmem:s7+$0xFFFFFFA0];
	v12 =	vor.u32 v10, v4;
	_ =	sdelay $0x3  }
0x461: {  	v4 =	vadd.s32 v3, v8  }
0x462: {  	v8 =	vadd.s32 v9, v4;
	[tilespmem:v12+s29+$0x0] =	vst.idx.msk $0xffff, v11  }
0x463: {  	v8 =	vor.u32 v10, v8;
	v9 =	vld [tilespmem:s7+$0xFFFFFFB0];
	_ =	sdelay $0x1  }
0x464: {  	s1 =	sadd.s32 $0x1, s10  }
0x465: {  	v10 =	vmov s1  }
0x466: {  	v11 =	vand.u32 $0x78, v10  }
0x467: {  	[tilespmem:v8+s29+$0x0] =	vst.idx.msk $0xffff, v9;
	v8 =	vand.u32 $0x5, v10;
	v9 =	vadd.s32 v5, v11  }
0x468: {  	v10 =	vld [tilespmem:s7+$0xFFFFFFC0];
	v9 =	vor.u32 v8, v9;
	_ =	sdelay $0x4  }
0x469: {  	[tilespmem:v9+s29+$0x0] =	vst.idx.msk $0xffff, v10;
	v9 =	vadd.s32 v6, v11  }
0x46a: {  	v10 =	vld [tilespmem:s7+$0xFFFFFFD0];
	v9 =	vor.u32 v8, v9;
	_ =	sdelay $0x4  }
0x46b: {  	[tilespmem:v9+s29+$0x0] =	vst.idx.msk $0xffff, v10;
	v9 =	vadd.s32 v7, v11  }
0x46c: {  	v10 =	vld [tilespmem:s7+$0xFFFFFFE0];
	v9 =	vor.u32 v8, v9;
	_ =	sdelay $0x4  }
0x46d: {  	[tilespmem:v9+s29+$0x0] =	vst.idx.msk $0xffff, v10;
	v9 =	vadd.s32 v4, v11  }
0x46e: {  	v10 =	vld [tilespmem:s7+$0xFFFFFFF0];
	v8 =	vor.u32 v8, v9;
	_ =	sdelay $0x1  }
0x46f: {  	s1 =	sadd.s32 $0x2, s10  }
0x470: {  	v9 =	vmov s1  }
0x471: {  	v11 =	vand.u32 $0x78, v9  }
0x472: {  	[tilespmem:v8+s29+$0x0] =	vst.idx.msk $0xffff, v10;
	v8 =	vand.u32 $0x6, v9;
	v9 =	vadd.s32 v5, v11  }
0x473: {  	v10 =	vld [tilespmem:s7+$0x0];
	v9 =	vor.u32 v8, v9;
	_ =	sdelay $0x4  }
0x474: {  	[tilespmem:v9+s29+$0x0] =	vst.idx.msk $0xffff, v10;
	v9 =	vadd.s32 v6, v11  }
0x475: {  	v10 =	vld [tilespmem:s7+$0x10];
	v9 =	vor.u32 v8, v9;
	_ =	sdelay $0x4  }
0x476: {  	[tilespmem:v9+s29+$0x0] =	vst.idx.msk $0xffff, v10;
	v9 =	vadd.s32 v7, v11  }
0x477: {  	v10 =	vld [tilespmem:s7+$0x20];
	v9 =	vor.u32 v8, v9;
	_ =	sdelay $0x4  }
0x478: {  	[tilespmem:v9+s29+$0x0] =	vst.idx.msk $0xffff, v10;
	v9 =	vadd.s32 v4, v11  }
0x479: {  	v10 =	vld [tilespmem:s7+$0x30];
	v8 =	vor.u32 v8, v9;
	_ =	sdelay $0x1  }
0x47a: {  	s1 =	sadd.s32 $0x3, s10  }
0x47b: {  	v11 =	vmov s1  }
0x47c: {  	v9 =	vand.u32 $0x78, v11  }
0x47d: {  	v5 =	vadd.s32 v5, v9;
	[tilespmem:v8+s29+$0x0] =	vst.idx.msk $0xffff, v10;
	v8 =	vand.u32 $0x7, v11  }
0x47e: {  	v10 =	vld [tilespmem:s7+$0x40];
	v5 =	vor.u32 v8, v5;
	_ =	sdelay $0x4  }
0x47f: {  	[tilespmem:v5+s29+$0x0] =	vst.idx.msk $0xffff, v10;
	v5 =	vadd.s32 v6, v9  }
0x480: {  	v6 =	vld [tilespmem:s7+$0x50];
	v5 =	vor.u32 v8, v5;
	_ =	sdelay $0x4  }
0x481: {  	[tilespmem:v5+s29+$0x0] =	vst.idx.msk $0xffff, v6;
	v6 =	vadd.s32 v7, v9  }
.Ltmp9:
0x482: {  	v5 =	vld [tilespmem:s7+$0x60];
	v6 =	vor.u32 v8, v6;
	(pc) =	sbr.rel @p0 .LBB2_20-.Ltmp9, $2  }
0x483: {  	_ =	sdelay $0x2  }
0x484: {  	s1 =	sshrl.u32 s9, $0x5;
	s9 =	sadd.s32 $0x1, s9  }
0x485: {  	_ =	sdelay $0x3  }
0x486: {  	v7 =	vmov s1;
	[tilespmem:v6+s29+$0x0] =	vst.idx.msk $0xffff, v5;
	v4 =	vadd.s32 v4, v9  }
0x487: {  	v5 =	vmul.u32 $0x440, v7;
	v6 =	vld [tilespmem:s7+$0x70];
	v4 =	vor.u32 v8, v4;
	_ =	sdelay $0x1  }
0x488: {  	s9 =	sadd.s32 $0x4, s10;
	v5 =	vbroadcast v5, $0x0  }
0x489: {  	v41 =	vmov s9  }
0x48a: {  	v42 =	vand.u32 $0x78, v41;
	v43 =	vadd.s32 v0, v5  }
0x48b: {  	s14 =	sadd.s32 $0x100, s7;
	v7 =	vand.u32 $0x4, v41;
	v10 =	vadd.s32 v42, v43;
	[tilespmem:v4+s29+$0x0] =	vst.idx.msk $0xffff, v6  }
0x48c: {  	v4 =	vld [tilespmem:s14+$0xFFFFFF80];
	v44 =	vor.u32 v7, v10;
	_ =	sdelay $0x3  }
0x48d: {  	v45 =	vadd.s32 v1, v5  }
0x48e: {  	[tilespmem:v44+s29+$0x0] =	vst.idx.msk $0xffff, v4;
	v4 =	vadd.s32 v42, v45  }
0x48f: {  	v6 =	vld [tilespmem:s14+$0xFFFFFF90];
	v4 =	vor.u32 v7, v4;
	_ =	sdelay $0x3  }
0x490: {  	v11 =	vadd.s32 v2, v5  }
0x491: {  	[tilespmem:v4+s29+$0x0] =	vst.idx.msk $0xffff, v6;
	v4 =	vadd.s32 v42, v11  }
0x492: {  	v6 =	vld [tilespmem:s14+$0xFFFFFFA0];
	v4 =	vor.u32 v7, v4;
	_ =	sdelay $0x3  }
0x493: {  	v5 =	vadd.s32 v3, v5  }
0x494: {  	[tilespmem:v4+s29+$0x0] =	vst.idx.msk $0xffff, v6;
	v4 =	vadd.s32 v42, v5  }
0x495: {  	v6 =	vld [tilespmem:s14+$0xFFFFFFB0];
	v4 =	vor.u32 v7, v4;
	_ =	sdelay $0x1  }
0x496: {  	s15 =	sadd.s32 $0x1, s9  }
0x497: {  	v46 =	vmov s15  }
0x498: {  	v47 =	vand.u32 $0x78, v46  }
0x499: {  	v48 =	vadd.s32 v43, v47;
	[tilespmem:v4+s29+$0x0] =	vst.idx.msk $0xffff, v6;
	v4 =	vand.u32 $0x5, v46  }
0x49a: {  	v49 =	vld [tilespmem:s14+$0xFFFFFFC0];
	v6 =	vor.u32 v4, v48;
	_ =	sdelay $0x4  }
0x49b: {  	v50 =	vadd.s32 v45, v47;
	[tilespmem:v6+s29+$0x0] =	vst.idx.msk $0xffff, v49  }
0x49c: {  	v6 =	vor.u32 v4, v50;
	v7 =	vld [tilespmem:s14+$0xFFFFFFD0];
	_ =	sdelay $0x4  }
0x49d: {  	v51 =	vadd.s32 v11, v47;
	[tilespmem:v6+s29+$0x0] =	vst.idx.msk $0xffff, v7  }
0x49e: {  	v6 =	vor.u32 v4, v51;
	v7 =	vld [tilespmem:s14+$0xFFFFFFE0];
	_ =	sdelay $0x4  }
0x49f: {  	v52 =	vadd.s32 v5, v47;
	[tilespmem:v6+s29+$0x0] =	vst.idx.msk $0xffff, v7  }
0x4a0: {  	v4 =	vor.u32 v4, v52;
	v7 =	vld [tilespmem:s14+$0xFFFFFFF0];
	_ =	sdelay $0x1  }
0x4a1: {  	s17 =	sadd.s32 $0x2, s9  }
0x4a2: {  	v53 =	vmov s17  }
0x4a3: {  	v54 =	vand.u32 $0x78, v53  }
0x4a4: {  	v55 =	vadd.s32 v43, v54;
	[tilespmem:v4+s29+$0x0] =	vst.idx.msk $0xffff, v7;
	v4 =	vand.u32 $0x6, v53  }
0x4a5: {  	v7 =	vld [tilespmem:s14+$0x0];
	v6 =	vor.u32 v4, v55;
	_ =	sdelay $0x4  }
0x4a6: {  	v56 =	vadd.s32 v45, v54;
	[tilespmem:v6+s29+$0x0] =	vst.idx.msk $0xffff, v7  }
0x4a7: {  	v6 =	vor.u32 v4, v56;
	v7 =	vld [tilespmem:s14+$0x10];
	_ =	sdelay $0x4  }
0x4a8: {  	v57 =	vadd.s32 v11, v54;
	[tilespmem:v6+s29+$0x0] =	vst.idx.msk $0xffff, v7  }
0x4a9: {  	v6 =	vor.u32 v4, v57;
	v7 =	vld [tilespmem:s14+$0x20];
	_ =	sdelay $0x4  }
0x4aa: {  	v58 =	vadd.s32 v5, v54;
	[tilespmem:v6+s29+$0x0] =	vst.idx.msk $0xffff, v7  }
0x4ab: {  	v4 =	vor.u32 v4, v58;
	v7 =	vld [tilespmem:s14+$0x30];
	_ =	sdelay $0x1  }
0x4ac: {  	s9 =	sadd.s32 $0x3, s9  }
0x4ad: {  	v59 =	vmov s9  }
0x4ae: {  	v60 =	vand.u32 $0x78, v59  }
0x4af: {  	v61 =	vadd.s32 v43, v60;
	[tilespmem:v4+s29+$0x0] =	vst.idx.msk $0xffff, v7;
	v4 =	vand.u32 $0x7, v59  }
0x4b0: {  	v7 =	vld [tilespmem:s14+$0x40];
	v6 =	vor.u32 v4, v61;
	_ =	sdelay $0x4  }
0x4b1: {  	v62 =	vadd.s32 v45, v60;
	[tilespmem:v6+s29+$0x0] =	vst.idx.msk $0xffff, v7  }
0x4b2: {  	v6 =	vor.u32 v4, v62;
	v7 =	vld [tilespmem:s14+$0x50];
	_ =	sdelay $0x4  }
0x4b3: {  	v63 =	vadd.s32 v11, v60;
	[tilespmem:v6+s29+$0x0] =	vst.idx.msk $0xffff, v7  }
0x4b4: {  	v6 =	vor.u32 v4, v63;
	v7 =	vld [tilespmem:s14+$0x60];
	_ =	sdelay $0x4  }
0x4b5: {  	v5 =	vadd.s32 v5, v60;
	[tilespmem:v6+s29+$0x0] =	vst.idx.msk $0xffff, v7  }
0x4b6: {  	v4 =	vor.u32 v4, v5;
	v6 =	vld [tilespmem:s14+$0x70];
	_ =	sdelay $0x4  }
0x4b7: {  	s10 =	simm.s32 $0x8200;
	s9 =	rddreg [dreg:$0x8];
	[tilespmem:v4+s29+$0x0] =	vst.idx.msk $0xffff, v6  }
0x4b8: {  	[hbm4b:s9+s2] =	stream.linear.scatter [tilespmem:s10], [sflag:$0x5], $0x80, $0x38;
	[tilespmem:$0x10A00] =	vst v63  }
0x4b9: {  	s12 =	simm.s32 $0x8288;
	s14 =	sadd.s32 $0x10, s9  }
0x4ba: {  	[hbm4b:s14+s2] =	stream.linear.scatter [tilespmem:s12], [sflag:$0x5], $0x80, $0x38;
	[tilespmem:$0x10A00] =	vst v63  }
0x4bb: {  	s15 =	simm.s32 $0x8310;
	s17 =	sadd.s32 $0x20, s9  }
0x4bc: {  	[hbm4b:s17+s2] =	stream.linear.scatter [tilespmem:s15], [sflag:$0x5], $0x80, $0x38;
	[tilespmem:$0x10A00] =	vst v63  }
0x4bd: {  	s7 =	simm.s32 $0x8398;
	s10 =	sadd.s32 $0x30, s9  }
0x4be: {  	[hbm4b:s10+s2] =	stream.linear.scatter [tilespmem:s7], [sflag:$0x5], $0x80, $0x38;
	[tilespmem:$0x10A00] =	vst v63  }
0x4bf: {  	s12 =	simm.s32 $0x8420;
	s14 =	sadd.s32 $0x40, s9  }
0x4c0: {  	[hbm4b:s14+s2] =	stream.linear.scatter [tilespmem:s12], [sflag:$0x5], $0x80, $0x38;
	[tilespmem:$0x10A00] =	vst v63  }
0x4c1: {  	s15 =	simm.s32 $0x84A8;
	s17 =	sadd.s32 $0x50, s9  }
0x4c2: {  	[hbm4b:s17+s2] =	stream.linear.scatter [tilespmem:s15], [sflag:$0x5], $0x80, $0x38;
	[tilespmem:$0x10A00] =	vst v63  }
0x4c3: {  	s7 =	simm.s32 $0x8530;
	s10 =	sadd.s32 $0x60, s9  }
0x4c4: {  	[hbm4b:s10+s2] =	stream.linear.scatter [tilespmem:s7], [sflag:$0x5], $0x80, $0x38;
	[tilespmem:$0x10A00] =	vst v63  }
0x4c5: {  	s12 =	simm.s32 $0x85B8;
	s14 =	sadd.s32 $0x70, s9  }
0x4c6: {  	[hbm4b:s14+s2] =	stream.linear.scatter [tilespmem:s12], [sflag:$0x5], $0x80, $0x38;
	[tilespmem:$0x10A00] =	vst v63  }
0x4c7: {  	s15 =	simm.s32 $0x8640;
	s17 =	sadd.s32 $0x80, s9  }
0x4c8: {  	[hbm4b:s17+s2] =	stream.linear.scatter [tilespmem:s15], [sflag:$0x5], $0x80, $0x38;
	[tilespmem:$0x10A00] =	vst v63  }
0x4c9: {  	s7 =	simm.s32 $0x86C8;
	s10 =	sadd.s32 $0x90, s9  }
0x4ca: {  	[hbm4b:s10+s2] =	stream.linear.scatter [tilespmem:s7], [sflag:$0x5], $0x80, $0x38;
	[tilespmem:$0x10A00] =	vst v63  }
0x4cb: {  	s12 =	simm.s32 $0x8750;
	s14 =	sadd.s32 $0xA0, s9;
	s15 =	simm.s32 $0x87D8  }
0x4cc: {  	[hbm4b:s14+s2] =	stream.linear.scatter [tilespmem:s12], [sflag:$0x5], $0x80, $0x38;
	[tilespmem:$0x10A00] =	vst v63  }
0x4cd: {  	s17 =	sadd.s32 $0xB0, s9;
	s7 =	simm.s32 $0x8860;
	s10 =	sadd.s32 $0xC0, s9  }
0x4ce: {  	[hbm4b:s17+s2] =	stream.linear.scatter [tilespmem:s15], [sflag:$0x5], $0x80, $0x38;
	[tilespmem:$0x10A00] =	vst v63  }
0x4cf: {  	s12 =	simm.s32 $0x88E8;
	s14 =	sadd.s32 $0xD0, s9;
	s15 =	simm.s32 $0x8970  }
0x4d0: {  	[hbm4b:s10+s2] =	stream.linear.scatter [tilespmem:s7], [sflag:$0x5], $0x80, $0x38;
	[tilespmem:$0x10A00] =	vst v63  }
0x4d1: {  	s17 =	sadd.s32 $0xE0, s9;
	s7 =	simm.s32 $0x880;
	s10 =	simm.s32 $0x89F8  }
0x4d2: {  	[hbm4b:s14+s2] =	stream.linear.scatter [tilespmem:s12], [sflag:$0x5], $0x80, $0x38;
	[tilespmem:$0x10A00] =	vst v63  }
0x4d3: {  	s12 =	simm.s32 $0x4400;
	s14 =	sadd.s32 $0xF0, s9;
	s9 =	sadd.s32 $0x4000, s9  }
0x4d4: {  	[hbm4b:s17+s2] =	stream.linear.scatter [tilespmem:s15], [sflag:$0x5], $0x80, $0x38;
	[tilespmem:$0x10A00] =	vst v63  }
.LBB2_22:
0x4d5: {  	[hbm4b:s14+s2] =	stream.linear.scatter [tilespmem:s10], [sflag:$0x5], $0x80, $0x38;
	[tilespmem:$0x10A00] =	vst v63  }
0x4d6: {  	s10 =	smov.u32 s7;
	s1 =	smov.u32 s12  }
0x4d7: {  	s7 =	sshra.s32 s1, $0x2;
	s1 =	sadd.s32 $0x2200, s12;
	s14 =	sadd.s32 $0x8200, s10  }
0x4d8: {  	[hbm4b:s9+s2] =	stream.linear.scatter [tilespmem:s14], [sflag:$0x5], $0x80, $0x38;
	[tilespmem:$0x10A00] =	vst v63  }
0x4d9: {  	p0 =	sne.s32 s12, $0xEE00;
	s12 =	sadd.s32 $0x8288, s10;
	s14 =	sadd.s32 $0x10, s9  }
0x4da: {  	[hbm4b:s14+s2] =	stream.linear.scatter [tilespmem:s12], [sflag:$0x5], $0x80, $0x38;
	[tilespmem:$0x10A00] =	vst v63  }
0x4db: {  	s12 =	sadd.s32 $0x8310, s10;
	s14 =	sadd.s32 $0x20, s9  }
0x4dc: {  	[hbm4b:s14+s2] =	stream.linear.scatter [tilespmem:s12], [sflag:$0x5], $0x80, $0x38;
	[tilespmem:$0x10A00] =	vst v63  }
0x4dd: {  	s12 =	sadd.s32 $0x8398, s10;
	s14 =	sadd.s32 $0x30, s9  }
0x4de: {  	[hbm4b:s14+s2] =	stream.linear.scatter [tilespmem:s12], [sflag:$0x5], $0x80, $0x38;
	[tilespmem:$0x10A00] =	vst v63  }
0x4df: {  	s12 =	sadd.s32 $0x8420, s10;
	s14 =	sadd.s32 $0x40, s9  }
0x4e0: {  	[hbm4b:s14+s2] =	stream.linear.scatter [tilespmem:s12], [sflag:$0x5], $0x80, $0x38;
	[tilespmem:$0x10A00] =	vst v63  }
0x4e1: {  	s12 =	sadd.s32 $0x84A8, s10;
	s14 =	sadd.s32 $0x50, s9  }
0x4e2: {  	[hbm4b:s14+s2] =	stream.linear.scatter [tilespmem:s12], [sflag:$0x5], $0x80, $0x38;
	[tilespmem:$0x10A00] =	vst v63  }
0x4e3: {  	s12 =	sadd.s32 $0x8530, s10;
	s14 =	sadd.s32 $0x60, s9  }
0x4e4: {  	[hbm4b:s14+s2] =	stream.linear.scatter [tilespmem:s12], [sflag:$0x5], $0x80, $0x38;
	[tilespmem:$0x10A00] =	vst v63  }
0x4e5: {  	s12 =	sadd.s32 $0x85B8, s10;
	s14 =	sadd.s32 $0x70, s9  }
0x4e6: {  	[hbm4b:s14+s2] =	stream.linear.scatter [tilespmem:s12], [sflag:$0x5], $0x80, $0x38;
	[tilespmem:$0x10A00] =	vst v63  }
0x4e7: {  	s12 =	sadd.s32 $0x8640, s10;
	s14 =	sadd.s32 $0x80, s9  }
0x4e8: {  	[hbm4b:s14+s2] =	stream.linear.scatter [tilespmem:s12], [sflag:$0x5], $0x80, $0x38;
	[tilespmem:$0x10A00] =	vst v63  }
0x4e9: {  	s12 =	sadd.s32 $0x86C8, s10;
	s14 =	sadd.s32 $0x90, s9  }
0x4ea: {  	[hbm4b:s14+s2] =	stream.linear.scatter [tilespmem:s12], [sflag:$0x5], $0x80, $0x38;
	[tilespmem:$0x10A00] =	vst v63  }
0x4eb: {  	s12 =	sadd.s32 $0x8750, s10;
	s14 =	sadd.s32 $0xA0, s9  }
0x4ec: {  	[hbm4b:s14+s2] =	stream.linear.scatter [tilespmem:s12], [sflag:$0x5], $0x80, $0x38;
	[tilespmem:$0x10A00] =	vst v63  }
0x4ed: {  	s12 =	sadd.s32 $0x87D8, s10;
	s14 =	sadd.s32 $0xB0, s9  }
0x4ee: {  	[hbm4b:s14+s2] =	stream.linear.scatter [tilespmem:s12], [sflag:$0x5], $0x80, $0x38;
	[tilespmem:$0x10A00] =	vst v63  }
0x4ef: {  	s12 =	sadd.s32 $0x8860, s10;
	s14 =	sadd.s32 $0xC0, s9  }
0x4f0: {  	[hbm4b:s14+s2] =	stream.linear.scatter [tilespmem:s12], [sflag:$0x5], $0x80, $0x38;
	[tilespmem:$0x10A00] =	vst v63  }
.Ltmp10:
0x4f1: {  	s12 =	sadd.s32 $0x88E8, s10;
	s14 =	sadd.s32 $0xD0, s9;
	(pc) =	sbr.rel @p0 .LBB2_22-.Ltmp10, $4  }
0x4f2: {  	[hbm4b:s14+s2] =	stream.linear.scatter [tilespmem:s12], [sflag:$0x5], $0x80, $0x38;
	[tilespmem:$0x10A00] =	vst v63  }
0x4f3: {  	s12 =	sadd.s32 $0x8970, s10;
	s14 =	sadd.s32 $0xE0, s9;
	s10 =	sadd.s32 $0x89F8, s10  }
0x4f4: {  	[hbm4b:s14+s2] =	stream.linear.scatter [tilespmem:s12], [sflag:$0x5], $0x80, $0x38;
	[tilespmem:$0x10A00] =	vst v63  }
0x4f5: {  	s14 =	sadd.s32 $0xF0, s9;
	s9 =	sadd.s32 $0x4000, s9;
	s12 =	smov.u32 s1  }
0x4f6: {  	[hbm4b:s14+s2] =	stream.linear.scatter [tilespmem:s10], [sflag:$0x5], $0x80, $0x38;
	[tilespmem:$0x10A00] =	vst v63  }
0x4f7: {  	s1 =	sadd.s32 $0x8200, s7  }
0x4f8: {  	[hbm4b:s9+s2] =	stream.linear.scatter [tilespmem:s1], [sflag:$0x5], $0x80, $0x38;
	[tilespmem:$0x10A00] =	vst v63  }
0x4f9: {  	s12 =	sadd.s32 $0x8288, s7;
	s14 =	sadd.s32 $0x10, s9  }
0x4fa: {  	[hbm4b:s14+s2] =	stream.linear.scatter [tilespmem:s12], [sflag:$0x5], $0x80, $0x38;
	[tilespmem:$0x10A00] =	vst v63  }
0x4fb: {  	s15 =	sadd.s32 $0x8310, s7;
	s17 =	sadd.s32 $0x20, s9  }
0x4fc: {  	[hbm4b:s17+s2] =	stream.linear.scatter [tilespmem:s15], [sflag:$0x5], $0x80, $0x38;
	[tilespmem:$0x10A00] =	vst v63  }
0x4fd: {  	s12 =	sadd.s32 $0x8398, s7;
	s14 =	sadd.s32 $0x30, s9  }
0x4fe: {  	[hbm4b:s14+s2] =	stream.linear.scatter [tilespmem:s12], [sflag:$0x5], $0x80, $0x38;
	[tilespmem:$0x10A00] =	vst v63  }
0x4ff: {  	s15 =	sadd.s32 $0x8420, s7;
	s17 =	sadd.s32 $0x40, s9  }
0x500: {  	[hbm4b:s17+s2] =	stream.linear.scatter [tilespmem:s15], [sflag:$0x5], $0x80, $0x38;
	[tilespmem:$0x10A00] =	vst v63  }
0x501: {  	s12 =	sadd.s32 $0x84A8, s7;
	s14 =	sadd.s32 $0x50, s9  }
0x502: {  	[hbm4b:s14+s2] =	stream.linear.scatter [tilespmem:s12], [sflag:$0x5], $0x80, $0x38;
	[tilespmem:$0x10A00] =	vst v63  }
0x503: {  	s15 =	sadd.s32 $0x8530, s7;
	s17 =	sadd.s32 $0x60, s9  }
0x504: {  	[hbm4b:s17+s2] =	stream.linear.scatter [tilespmem:s15], [sflag:$0x5], $0x80, $0x38;
	[tilespmem:$0x10A00] =	vst v63  }
0x505: {  	s12 =	sadd.s32 $0x85B8, s7;
	s14 =	sadd.s32 $0x70, s9  }
0x506: {  	[hbm4b:s14+s2] =	stream.linear.scatter [tilespmem:s12], [sflag:$0x5], $0x80, $0x38;
	[tilespmem:$0x10A00] =	vst v63  }
0x507: {  	s15 =	sadd.s32 $0x8640, s7;
	s17 =	sadd.s32 $0x80, s9  }
0x508: {  	[hbm4b:s17+s2] =	stream.linear.scatter [tilespmem:s15], [sflag:$0x5], $0x80, $0x38;
	[tilespmem:$0x10A00] =	vst v63  }
0x509: {  	s12 =	sadd.s32 $0x86C8, s7;
	s14 =	sadd.s32 $0x90, s9  }
0x50a: {  	[hbm4b:s14+s2] =	stream.linear.scatter [tilespmem:s12], [sflag:$0x5], $0x80, $0x38;
	[tilespmem:$0x10A00] =	vst v63  }
0x50b: {  	s15 =	sadd.s32 $0x8750, s7;
	s17 =	sadd.s32 $0xA0, s9  }
0x50c: {  	[hbm4b:s17+s2] =	stream.linear.scatter [tilespmem:s15], [sflag:$0x5], $0x80, $0x38;
	[tilespmem:$0x10A00] =	vst v63  }
0x50d: {  	s12 =	sadd.s32 $0x87D8, s7;
	s14 =	sadd.s32 $0xB0, s9  }
0x50e: {  	[hbm4b:s14+s2] =	stream.linear.scatter [tilespmem:s12], [sflag:$0x5], $0x80, $0x38;
	[tilespmem:$0x10A00] =	vst v63  }
0x50f: {  	s15 =	sadd.s32 $0x8860, s7;
	s17 =	sadd.s32 $0xC0, s9  }
0x510: {  	[hbm4b:s17+s2] =	stream.linear.scatter [tilespmem:s15], [sflag:$0x5], $0x80, $0x38;
	[tilespmem:$0x10A00] =	vst v63  }
0x511: {  	s12 =	sadd.s32 $0x88E8, s7;
	s14 =	sadd.s32 $0xD0, s9  }
0x512: {  	[hbm4b:s14+s2] =	stream.linear.scatter [tilespmem:s12], [sflag:$0x5], $0x80, $0x38;
	[tilespmem:$0x10A00] =	vst v63  }
0x513: {  	s15 =	sadd.s32 $0x8970, s7;
	s17 =	sadd.s32 $0xE0, s9;
	s12 =	simm.s32 $0x0  }
0x514: {  	v4 =	vmov s12;
	[hbm4b:s17+s2] =	stream.linear.scatter [tilespmem:s15], [sflag:$0x5], $0x80, $0x38;
	[tilespmem:$0x10A00] =	vst v63  }
0x515: {  	s10 =	sadd.s32 $0x89F8, s7;
	s12 =	sadd.s32 $0xF0, s9;
	v4 =	vmul.u32 $0x440, v4  }
0x516: {  	[hbm4b:s12+s2] =	stream.linear.scatter [tilespmem:s10], [sflag:$0x5], $0x80, $0x38;
	[tilespmem:$0x10A00] =	vst v63  }
0x517: {  	s10 =	simm.s32 $0x0;
	v4 =	vbroadcast v4, $0x0  }
0x518: {  	_ =	swait.ge [sflag:s31], $0x4000;
	v5 =	vmov s10  }
0x519: {  	[sflag:s31] =	ssyncset.done $0x0;
	v6 =	vand.u32 $0x78, v5;
	v7 =	vadd.s32 v0, v4  }
0x51a: {  	s7 =	simm.s32 $0x4280;
	v5 =	vand.u32 $0x4, v5;
	[sflag:s31] =	ssyncadd.s32 $0xFFFFC000;
	v8 =	vadd.s32 v6, v7  }
0x51b: {  	v9 =	vld [tilespmem:s7+$0xFFFFFF80];
	v8 =	vor.u32 v5, v8;
	_ =	sdelay $0x3  }
0x51c: {  	v10 =	vadd.s32 v1, v4  }
0x51d: {  	[tilespmem:v8+s0+$0x0] =	vst.idx.msk $0xffff, v9;
	v8 =	vadd.s32 v6, v10  }
0x51e: {  	v9 =	vld [tilespmem:s7+$0xFFFFFF90];
	v8 =	vor.u32 v5, v8;
	_ =	sdelay $0x3  }
0x51f: {  	v11 =	vadd.s32 v2, v4  }
0x520: {  	[tilespmem:v8+s0+$0x0] =	vst.idx.msk $0xffff, v9;
	v8 =	vadd.s32 v6, v11  }
0x521: {  	v9 =	vld [tilespmem:s7+$0xFFFFFFA0];
	v8 =	vor.u32 v5, v8;
	_ =	sdelay $0x3  }
0x522: {  	v4 =	vadd.s32 v3, v4  }
0x523: {  	v6 =	vadd.s32 v6, v4;
	[tilespmem:v8+s0+$0x0] =	vst.idx.msk $0xffff, v9  }
0x524: {  	v5 =	vor.u32 v5, v6;
	v8 =	vld [tilespmem:s7+$0xFFFFFFB0];
	_ =	sdelay $0x1  }
0x525: {  	s14 =	simm.s32 $0x1  }
0x526: {  	v6 =	vmov s14  }
0x527: {  	v9 =	vand.u32 $0x78, v6  }
0x528: {  	[tilespmem:v5+s0+$0x0] =	vst.idx.msk $0xffff, v8;
	v5 =	vand.u32 $0x5, v6;
	v6 =	vadd.s32 v7, v9  }
0x529: {  	v8 =	vld [tilespmem:s7+$0xFFFFFFC0];
	v6 =	vor.u32 v5, v6;
	_ =	sdelay $0x4  }
0x52a: {  	[tilespmem:v6+s0+$0x0] =	vst.idx.msk $0xffff, v8;
	v6 =	vadd.s32 v10, v9  }
0x52b: {  	v8 =	vld [tilespmem:s7+$0xFFFFFFD0];
	v6 =	vor.u32 v5, v6;
	_ =	sdelay $0x4  }
0x52c: {  	[tilespmem:v6+s0+$0x0] =	vst.idx.msk $0xffff, v8;
	v6 =	vadd.s32 v11, v9  }
0x52d: {  	v8 =	vld [tilespmem:s7+$0xFFFFFFE0];
	v6 =	vor.u32 v5, v6;
	_ =	sdelay $0x4  }
0x52e: {  	[tilespmem:v6+s0+$0x0] =	vst.idx.msk $0xffff, v8;
	v6 =	vadd.s32 v4, v9  }
0x52f: {  	v8 =	vld [tilespmem:s7+$0xFFFFFFF0];
	v5 =	vor.u32 v5, v6;
	_ =	sdelay $0x1  }
0x530: {  	s15 =	simm.s32 $0x2  }
0x531: {  	v6 =	vmov s15  }
0x532: {  	v9 =	vand.u32 $0x78, v6  }
0x533: {  	[tilespmem:v5+s0+$0x0] =	vst.idx.msk $0xffff, v8;
	v5 =	vand.u32 $0x6, v6;
	v6 =	vadd.s32 v7, v9  }
0x534: {  	v8 =	vld [tilespmem:s7+$0x0];
	v6 =	vor.u32 v5, v6;
	_ =	sdelay $0x4  }
0x535: {  	[tilespmem:v6+s0+$0x0] =	vst.idx.msk $0xffff, v8;
	v6 =	vadd.s32 v10, v9  }
0x536: {  	v8 =	vld [tilespmem:s7+$0x10];
	v6 =	vor.u32 v5, v6;
	_ =	sdelay $0x4  }
0x537: {  	[tilespmem:v6+s0+$0x0] =	vst.idx.msk $0xffff, v8;
	v6 =	vadd.s32 v11, v9  }
0x538: {  	v8 =	vld [tilespmem:s7+$0x20];
	v6 =	vor.u32 v5, v6;
	_ =	sdelay $0x4  }
0x539: {  	[tilespmem:v6+s0+$0x0] =	vst.idx.msk $0xffff, v8;
	v6 =	vadd.s32 v4, v9  }
0x53a: {  	v8 =	vld [tilespmem:s7+$0x30];
	v5 =	vor.u32 v5, v6;
	_ =	sdelay $0x1  }
0x53b: {  	s17 =	simm.s32 $0x3  }
0x53c: {  	v6 =	vmov s17  }
0x53d: {  	v9 =	vand.u32 $0x78, v6  }
0x53e: {  	[tilespmem:v5+s0+$0x0] =	vst.idx.msk $0xffff, v8;
	v8 =	vand.u32 $0x7, v6;
	v5 =	vadd.s32 v7, v9  }
0x53f: {  	v6 =	vld [tilespmem:s7+$0x40];
	v5 =	vor.u32 v8, v5;
	_ =	sdelay $0x4  }
0x540: {  	[tilespmem:v5+s0+$0x0] =	vst.idx.msk $0xffff, v6;
	v5 =	vadd.s32 v10, v9  }
0x541: {  	v6 =	vld [tilespmem:s7+$0x50];
	v5 =	vor.u32 v8, v5;
	_ =	sdelay $0x4  }
0x542: {  	[tilespmem:v5+s0+$0x0] =	vst.idx.msk $0xffff, v6;
	v6 =	vadd.s32 v11, v9  }
0x543: {  	v5 =	vld [tilespmem:s7+$0x60];
	v6 =	vor.u32 v8, v6;
	_ =	sdelay $0x3  }
0x544: {  	s1 =	simm.s32 $0x0;
	s9 =	simm.s32 $0x2  }
.LBB2_24:
0x545: {  	p0 =	sne.s32 s9, $0x3F;
	v7 =	vmov s1;
	[tilespmem:v6+s0+$0x0] =	vst.idx.msk $0xffff, v5;
	v4 =	vadd.s32 v4, v9  }
0x546: {  	v5 =	vmul.u32 $0x440, v7;
	v6 =	vld [tilespmem:s7+$0x70];
	v4 =	vor.u32 v8, v4;
	_ =	sdelay $0x1  }
0x547: {  	s10 =	sadd.s32 $0x4, s10;
	v8 =	vbroadcast v5, $0x0  }
0x548: {  	v7 =	vmov s10  }
0x549: {  	v9 =	vand.u32 $0x78, v7;
	v5 =	vadd.s32 v0, v8  }
0x54a: {  	s7 =	sadd.s32 $0x100, s7;
	v10 =	vand.u32 $0x4, v7;
	v7 =	vadd.s32 v9, v5;
	[tilespmem:v4+s0+$0x0] =	vst.idx.msk $0xffff, v6  }
0x54b: {  	v4 =	vld [tilespmem:s7+$0xFFFFFF80];
	v7 =	vor.u32 v10, v7;
	_ =	sdelay $0x3  }
0x54c: {  	v6 =	vadd.s32 v1, v8  }
0x54d: {  	[tilespmem:v7+s0+$0x0] =	vst.idx.msk $0xffff, v4;
	v4 =	vadd.s32 v9, v6  }
0x54e: {  	v11 =	vld [tilespmem:s7+$0xFFFFFF90];
	v4 =	vor.u32 v10, v4;
	_ =	sdelay $0x3  }
0x54f: {  	v7 =	vadd.s32 v2, v8  }
0x550: {  	[tilespmem:v4+s0+$0x0] =	vst.idx.msk $0xffff, v11;
	v4 =	vadd.s32 v9, v7  }
0x551: {  	v11 =	vld [tilespmem:s7+$0xFFFFFFA0];
	v12 =	vor.u32 v10, v4;
	_ =	sdelay $0x3  }
0x552: {  	v4 =	vadd.s32 v3, v8  }
0x553: {  	v8 =	vadd.s32 v9, v4;
	[tilespmem:v12+s0+$0x0] =	vst.idx.msk $0xffff, v11  }
0x554: {  	v8 =	vor.u32 v10, v8;
	v9 =	vld [tilespmem:s7+$0xFFFFFFB0];
	_ =	sdelay $0x1  }
0x555: {  	s1 =	sadd.s32 $0x1, s10  }
0x556: {  	v10 =	vmov s1  }
0x557: {  	v11 =	vand.u32 $0x78, v10  }
0x558: {  	[tilespmem:v8+s0+$0x0] =	vst.idx.msk $0xffff, v9;
	v8 =	vand.u32 $0x5, v10;
	v9 =	vadd.s32 v5, v11  }
0x559: {  	v10 =	vld [tilespmem:s7+$0xFFFFFFC0];
	v9 =	vor.u32 v8, v9;
	_ =	sdelay $0x4  }
0x55a: {  	[tilespmem:v9+s0+$0x0] =	vst.idx.msk $0xffff, v10;
	v9 =	vadd.s32 v6, v11  }
0x55b: {  	v10 =	vld [tilespmem:s7+$0xFFFFFFD0];
	v9 =	vor.u32 v8, v9;
	_ =	sdelay $0x4  }
0x55c: {  	[tilespmem:v9+s0+$0x0] =	vst.idx.msk $0xffff, v10;
	v9 =	vadd.s32 v7, v11  }
0x55d: {  	v10 =	vld [tilespmem:s7+$0xFFFFFFE0];
	v9 =	vor.u32 v8, v9;
	_ =	sdelay $0x4  }
0x55e: {  	[tilespmem:v9+s0+$0x0] =	vst.idx.msk $0xffff, v10;
	v9 =	vadd.s32 v4, v11  }
0x55f: {  	v10 =	vld [tilespmem:s7+$0xFFFFFFF0];
	v8 =	vor.u32 v8, v9;
	_ =	sdelay $0x1  }
0x560: {  	s1 =	sadd.s32 $0x2, s10  }
0x561: {  	v9 =	vmov s1  }
0x562: {  	v11 =	vand.u32 $0x78, v9  }
0x563: {  	[tilespmem:v8+s0+$0x0] =	vst.idx.msk $0xffff, v10;
	v8 =	vand.u32 $0x6, v9;
	v9 =	vadd.s32 v5, v11  }
0x564: {  	v10 =	vld [tilespmem:s7+$0x0];
	v9 =	vor.u32 v8, v9;
	_ =	sdelay $0x4  }
0x565: {  	[tilespmem:v9+s0+$0x0] =	vst.idx.msk $0xffff, v10;
	v9 =	vadd.s32 v6, v11  }
0x566: {  	v10 =	vld [tilespmem:s7+$0x10];
	v9 =	vor.u32 v8, v9;
	_ =	sdelay $0x4  }
0x567: {  	[tilespmem:v9+s0+$0x0] =	vst.idx.msk $0xffff, v10;
	v9 =	vadd.s32 v7, v11  }
0x568: {  	v10 =	vld [tilespmem:s7+$0x20];
	v9 =	vor.u32 v8, v9;
	_ =	sdelay $0x4  }
0x569: {  	[tilespmem:v9+s0+$0x0] =	vst.idx.msk $0xffff, v10;
	v9 =	vadd.s32 v4, v11  }
0x56a: {  	v10 =	vld [tilespmem:s7+$0x30];
	v8 =	vor.u32 v8, v9;
	_ =	sdelay $0x1  }
0x56b: {  	s1 =	sadd.s32 $0x3, s10  }
0x56c: {  	v11 =	vmov s1  }
0x56d: {  	v9 =	vand.u32 $0x78, v11  }
0x56e: {  	v5 =	vadd.s32 v5, v9;
	[tilespmem:v8+s0+$0x0] =	vst.idx.msk $0xffff, v10;
	v8 =	vand.u32 $0x7, v11  }
0x56f: {  	v10 =	vld [tilespmem:s7+$0x40];
	v5 =	vor.u32 v8, v5;
	_ =	sdelay $0x4  }
0x570: {  	[tilespmem:v5+s0+$0x0] =	vst.idx.msk $0xffff, v10;
	v5 =	vadd.s32 v6, v9  }
0x571: {  	v6 =	vld [tilespmem:s7+$0x50];
	v5 =	vor.u32 v8, v5;
	_ =	sdelay $0x4  }
0x572: {  	[tilespmem:v5+s0+$0x0] =	vst.idx.msk $0xffff, v6;
	v6 =	vadd.s32 v7, v9  }
.Ltmp11:
0x573: {  	v5 =	vld [tilespmem:s7+$0x60];
	v6 =	vor.u32 v8, v6;
	(pc) =	sbr.rel @p0 .LBB2_24-.Ltmp11, $2  }
0x574: {  	_ =	sdelay $0x2  }
0x575: {  	s1 =	sshrl.u32 s9, $0x5;
	s9 =	sadd.s32 $0x1, s9  }
0x576: {  	_ =	sdelay $0x3  }
0x577: {  	v7 =	vmov s1;
	[tilespmem:v6+s0+$0x0] =	vst.idx.msk $0xffff, v5;
	v4 =	vadd.s32 v4, v9  }
0x578: {  	v5 =	vmul.u32 $0x440, v7;
	v6 =	vld [tilespmem:s7+$0x70];
	v4 =	vor.u32 v8, v4;
	_ =	sdelay $0x1  }
0x579: {  	s9 =	sadd.s32 $0x4, s10;
	v5 =	vbroadcast v5, $0x0  }
0x57a: {  	v41 =	vmov s9  }
0x57b: {  	v42 =	vand.u32 $0x78, v41;
	v43 =	vadd.s32 v0, v5  }
0x57c: {  	s14 =	sadd.s32 $0x100, s7;
	v7 =	vand.u32 $0x4, v41;
	v10 =	vadd.s32 v42, v43;
	[tilespmem:v4+s0+$0x0] =	vst.idx.msk $0xffff, v6  }
0x57d: {  	v4 =	vld [tilespmem:s14+$0xFFFFFF80];
	v44 =	vor.u32 v7, v10;
	_ =	sdelay $0x3  }
0x57e: {  	v45 =	vadd.s32 v1, v5  }
0x57f: {  	[tilespmem:v44+s0+$0x0] =	vst.idx.msk $0xffff, v4;
	v4 =	vadd.s32 v42, v45  }
0x580: {  	v6 =	vld [tilespmem:s14+$0xFFFFFF90];
	v4 =	vor.u32 v7, v4;
	_ =	sdelay $0x3  }
0x581: {  	v11 =	vadd.s32 v2, v5  }
0x582: {  	[tilespmem:v4+s0+$0x0] =	vst.idx.msk $0xffff, v6;
	v4 =	vadd.s32 v42, v11  }
0x583: {  	v6 =	vld [tilespmem:s14+$0xFFFFFFA0];
	v4 =	vor.u32 v7, v4;
	_ =	sdelay $0x3  }
0x584: {  	v5 =	vadd.s32 v3, v5  }
0x585: {  	[tilespmem:v4+s0+$0x0] =	vst.idx.msk $0xffff, v6;
	v4 =	vadd.s32 v42, v5  }
0x586: {  	v6 =	vld [tilespmem:s14+$0xFFFFFFB0];
	v4 =	vor.u32 v7, v4;
	_ =	sdelay $0x1  }
0x587: {  	s15 =	sadd.s32 $0x1, s9  }
0x588: {  	v46 =	vmov s15  }
0x589: {  	v47 =	vand.u32 $0x78, v46  }
0x58a: {  	v48 =	vadd.s32 v43, v47;
	[tilespmem:v4+s0+$0x0] =	vst.idx.msk $0xffff, v6;
	v4 =	vand.u32 $0x5, v46  }
0x58b: {  	v49 =	vld [tilespmem:s14+$0xFFFFFFC0];
	v6 =	vor.u32 v4, v48;
	_ =	sdelay $0x4  }
0x58c: {  	v50 =	vadd.s32 v45, v47;
	[tilespmem:v6+s0+$0x0] =	vst.idx.msk $0xffff, v49  }
0x58d: {  	v6 =	vor.u32 v4, v50;
	v7 =	vld [tilespmem:s14+$0xFFFFFFD0];
	_ =	sdelay $0x4  }
0x58e: {  	v51 =	vadd.s32 v11, v47;
	[tilespmem:v6+s0+$0x0] =	vst.idx.msk $0xffff, v7  }
0x58f: {  	v6 =	vor.u32 v4, v51;
	v7 =	vld [tilespmem:s14+$0xFFFFFFE0];
	_ =	sdelay $0x4  }
0x590: {  	v52 =	vadd.s32 v5, v47;
	[tilespmem:v6+s0+$0x0] =	vst.idx.msk $0xffff, v7  }
0x591: {  	v4 =	vor.u32 v4, v52;
	v7 =	vld [tilespmem:s14+$0xFFFFFFF0];
	_ =	sdelay $0x1  }
0x592: {  	s17 =	sadd.s32 $0x2, s9  }
0x593: {  	v53 =	vmov s17  }
0x594: {  	v54 =	vand.u32 $0x78, v53  }
0x595: {  	v55 =	vadd.s32 v43, v54;
	[tilespmem:v4+s0+$0x0] =	vst.idx.msk $0xffff, v7;
	v4 =	vand.u32 $0x6, v53  }
0x596: {  	v7 =	vld [tilespmem:s14+$0x0];
	v6 =	vor.u32 v4, v55;
	_ =	sdelay $0x4  }
0x597: {  	v56 =	vadd.s32 v45, v54;
	[tilespmem:v6+s0+$0x0] =	vst.idx.msk $0xffff, v7  }
0x598: {  	v6 =	vor.u32 v4, v56;
	v7 =	vld [tilespmem:s14+$0x10];
	_ =	sdelay $0x4  }
0x599: {  	v57 =	vadd.s32 v11, v54;
	[tilespmem:v6+s0+$0x0] =	vst.idx.msk $0xffff, v7  }
0x59a: {  	v6 =	vor.u32 v4, v57;
	v7 =	vld [tilespmem:s14+$0x20];
	_ =	sdelay $0x4  }
0x59b: {  	v58 =	vadd.s32 v5, v54;
	[tilespmem:v6+s0+$0x0] =	vst.idx.msk $0xffff, v7  }
0x59c: {  	v4 =	vor.u32 v4, v58;
	v7 =	vld [tilespmem:s14+$0x30];
	_ =	sdelay $0x1  }
0x59d: {  	s9 =	sadd.s32 $0x3, s9  }
0x59e: {  	v59 =	vmov s9  }
0x59f: {  	v60 =	vand.u32 $0x78, v59  }
0x5a0: {  	v61 =	vadd.s32 v43, v60;
	[tilespmem:v4+s0+$0x0] =	vst.idx.msk $0xffff, v7;
	v4 =	vand.u32 $0x7, v59  }
0x5a1: {  	v7 =	vld [tilespmem:s14+$0x40];
	v6 =	vor.u32 v4, v61;
	_ =	sdelay $0x4  }
0x5a2: {  	v62 =	vadd.s32 v45, v60;
	[tilespmem:v6+s0+$0x0] =	vst.idx.msk $0xffff, v7  }
0x5a3: {  	v6 =	vor.u32 v4, v62;
	v7 =	vld [tilespmem:s14+$0x50];
	_ =	sdelay $0x4  }
0x5a4: {  	v63 =	vadd.s32 v11, v60;
	[tilespmem:v6+s0+$0x0] =	vst.idx.msk $0xffff, v7  }
0x5a5: {  	v6 =	vor.u32 v4, v63;
	v7 =	vld [tilespmem:s14+$0x60];
	_ =	sdelay $0x4  }
0x5a6: {  	v5 =	vadd.s32 v5, v60;
	[tilespmem:v6+s0+$0x0] =	vst.idx.msk $0xffff, v7  }
0x5a7: {  	v4 =	vor.u32 v4, v5;
	v6 =	vld [tilespmem:s14+$0x70];
	_ =	sdelay $0x4  }
0x5a8: {  	s10 =	simm.s32 $0xC600;
	[tilespmem:v4+s0+$0x0] =	vst.idx.msk $0xffff, v6  }
0x5a9: {  	[hbm4b:s16+s2] =	stream.linear.scatter [tilespmem:s10], [sflag:$0x6], $0x80, $0x38;
	[tilespmem:$0x10A00] =	vst v63  }
0x5aa: {  	s12 =	simm.s32 $0xC688;
	s14 =	sadd.s32 $0x10, s16  }
0x5ab: {  	[hbm4b:s14+s2] =	stream.linear.scatter [tilespmem:s12], [sflag:$0x6], $0x80, $0x38;
	[tilespmem:$0x10A00] =	vst v63  }
0x5ac: {  	s15 =	simm.s32 $0xC710;
	s17 =	sadd.s32 $0x20, s16  }
0x5ad: {  	[hbm4b:s17+s2] =	stream.linear.scatter [tilespmem:s15], [sflag:$0x6], $0x80, $0x38;
	[tilespmem:$0x10A00] =	vst v63  }
0x5ae: {  	s9 =	simm.s32 $0xC798;
	s10 =	sadd.s32 $0x30, s16  }
0x5af: {  	[hbm4b:s10+s2] =	stream.linear.scatter [tilespmem:s9], [sflag:$0x6], $0x80, $0x38;
	[tilespmem:$0x10A00] =	vst v63  }
0x5b0: {  	s12 =	simm.s32 $0xC820;
	s14 =	sadd.s32 $0x40, s16  }
0x5b1: {  	[hbm4b:s14+s2] =	stream.linear.scatter [tilespmem:s12], [sflag:$0x6], $0x80, $0x38;
	[tilespmem:$0x10A00] =	vst v63  }
0x5b2: {  	s15 =	simm.s32 $0xC8A8;
	s17 =	sadd.s32 $0x50, s16  }
0x5b3: {  	[hbm4b:s17+s2] =	stream.linear.scatter [tilespmem:s15], [sflag:$0x6], $0x80, $0x38;
	[tilespmem:$0x10A00] =	vst v63  }
0x5b4: {  	s9 =	simm.s32 $0xC930;
	s10 =	sadd.s32 $0x60, s16  }
0x5b5: {  	[hbm4b:s10+s2] =	stream.linear.scatter [tilespmem:s9], [sflag:$0x6], $0x80, $0x38;
	[tilespmem:$0x10A00] =	vst v63  }
0x5b6: {  	s12 =	simm.s32 $0xC9B8;
	s14 =	sadd.s32 $0x70, s16  }
0x5b7: {  	[hbm4b:s14+s2] =	stream.linear.scatter [tilespmem:s12], [sflag:$0x6], $0x80, $0x38;
	[tilespmem:$0x10A00] =	vst v63  }
0x5b8: {  	s15 =	simm.s32 $0xCA40;
	s17 =	sadd.s32 $0x80, s16  }
0x5b9: {  	[hbm4b:s17+s2] =	stream.linear.scatter [tilespmem:s15], [sflag:$0x6], $0x80, $0x38;
	[tilespmem:$0x10A00] =	vst v63  }
0x5ba: {  	s9 =	simm.s32 $0xCAC8;
	s10 =	sadd.s32 $0x90, s16  }
0x5bb: {  	[hbm4b:s10+s2] =	stream.linear.scatter [tilespmem:s9], [sflag:$0x6], $0x80, $0x38;
	[tilespmem:$0x10A00] =	vst v63  }
0x5bc: {  	s7 =	simm.s32 $0x880;
	s12 =	simm.s32 $0xCB50;
	s14 =	sadd.s32 $0xA0, s16  }
0x5bd: {  	[hbm4b:s14+s2] =	stream.linear.scatter [tilespmem:s12], [sflag:$0x6], $0x80, $0x38;
	[tilespmem:$0x10A00] =	vst v63  }
0x5be: {  	s15 =	simm.s32 $0xCBD8;
	s17 =	sadd.s32 $0xB0, s16;
	s9 =	simm.s32 $0xCC60  }
0x5bf: {  	[hbm4b:s17+s2] =	stream.linear.scatter [tilespmem:s15], [sflag:$0x6], $0x80, $0x38;
	[tilespmem:$0x10A00] =	vst v63  }
0x5c0: {  	s10 =	sadd.s32 $0xC0, s16;
	s12 =	simm.s32 $0xCCE8;
	s14 =	sadd.s32 $0xD0, s16  }
0x5c1: {  	[hbm4b:s10+s2] =	stream.linear.scatter [tilespmem:s9], [sflag:$0x6], $0x80, $0x38;
	[tilespmem:$0x10A00] =	vst v63  }
0x5c2: {  	s15 =	simm.s32 $0xCD70;
	s17 =	sadd.s32 $0xE0, s16;
	s10 =	simm.s32 $0xCDF8  }
0x5c3: {  	[hbm4b:s14+s2] =	stream.linear.scatter [tilespmem:s12], [sflag:$0x6], $0x80, $0x38;
	[tilespmem:$0x10A00] =	vst v63  }
0x5c4: {  	s9 =	sadd.s32 $0x4000, s16;
	s12 =	simm.s32 $0x4400;
	s14 =	sadd.s32 $0xF0, s16  }
0x5c5: {  	[hbm4b:s17+s2] =	stream.linear.scatter [tilespmem:s15], [sflag:$0x6], $0x80, $0x38;
	[tilespmem:$0x10A00] =	vst v63  }
.LBB2_26:
0x5c6: {  	[hbm4b:s14+s2] =	stream.linear.scatter [tilespmem:s10], [sflag:$0x6], $0x80, $0x38;
	[tilespmem:$0x10A00] =	vst v63  }
0x5c7: {  	s10 =	smov.u32 s7;
	s1 =	smov.u32 s12  }
0x5c8: {  	s7 =	sshra.s32 s1, $0x2;
	s1 =	sadd.s32 $0x2200, s12;
	s14 =	sadd.s32 $0xC600, s10  }
0x5c9: {  	[hbm4b:s9+s2] =	stream.linear.scatter [tilespmem:s14], [sflag:$0x6], $0x80, $0x38;
	[tilespmem:$0x10A00] =	vst v63  }
0x5ca: {  	p0 =	sne.s32 s12, $0xEE00;
	s12 =	sadd.s32 $0xC688, s10;
	s14 =	sadd.s32 $0x10, s9  }
0x5cb: {  	[hbm4b:s14+s2] =	stream.linear.scatter [tilespmem:s12], [sflag:$0x6], $0x80, $0x38;
	[tilespmem:$0x10A00] =	vst v63  }
0x5cc: {  	s12 =	sadd.s32 $0xC710, s10;
	s14 =	sadd.s32 $0x20, s9  }
0x5cd: {  	[hbm4b:s14+s2] =	stream.linear.scatter [tilespmem:s12], [sflag:$0x6], $0x80, $0x38;
	[tilespmem:$0x10A00] =	vst v63  }
0x5ce: {  	s12 =	sadd.s32 $0xC798, s10;
	s14 =	sadd.s32 $0x30, s9  }
0x5cf: {  	[hbm4b:s14+s2] =	stream.linear.scatter [tilespmem:s12], [sflag:$0x6], $0x80, $0x38;
	[tilespmem:$0x10A00] =	vst v63  }
0x5d0: {  	s12 =	sadd.s32 $0xC820, s10;
	s14 =	sadd.s32 $0x40, s9  }
0x5d1: {  	[hbm4b:s14+s2] =	stream.linear.scatter [tilespmem:s12], [sflag:$0x6], $0x80, $0x38;
	[tilespmem:$0x10A00] =	vst v63  }
0x5d2: {  	s12 =	sadd.s32 $0xC8A8, s10;
	s14 =	sadd.s32 $0x50, s9  }
0x5d3: {  	[hbm4b:s14+s2] =	stream.linear.scatter [tilespmem:s12], [sflag:$0x6], $0x80, $0x38;
	[tilespmem:$0x10A00] =	vst v63  }
0x5d4: {  	s12 =	sadd.s32 $0xC930, s10;
	s14 =	sadd.s32 $0x60, s9  }
0x5d5: {  	[hbm4b:s14+s2] =	stream.linear.scatter [tilespmem:s12], [sflag:$0x6], $0x80, $0x38;
	[tilespmem:$0x10A00] =	vst v63  }
0x5d6: {  	s12 =	sadd.s32 $0xC9B8, s10;
	s14 =	sadd.s32 $0x70, s9  }
0x5d7: {  	[hbm4b:s14+s2] =	stream.linear.scatter [tilespmem:s12], [sflag:$0x6], $0x80, $0x38;
	[tilespmem:$0x10A00] =	vst v63  }
0x5d8: {  	s12 =	sadd.s32 $0xCA40, s10;
	s14 =	sadd.s32 $0x80, s9  }
0x5d9: {  	[hbm4b:s14+s2] =	stream.linear.scatter [tilespmem:s12], [sflag:$0x6], $0x80, $0x38;
	[tilespmem:$0x10A00] =	vst v63  }
0x5da: {  	s12 =	sadd.s32 $0xCAC8, s10;
	s14 =	sadd.s32 $0x90, s9  }
0x5db: {  	[hbm4b:s14+s2] =	stream.linear.scatter [tilespmem:s12], [sflag:$0x6], $0x80, $0x38;
	[tilespmem:$0x10A00] =	vst v63  }
0x5dc: {  	s12 =	sadd.s32 $0xCB50, s10;
	s14 =	sadd.s32 $0xA0, s9  }
0x5dd: {  	[hbm4b:s14+s2] =	stream.linear.scatter [tilespmem:s12], [sflag:$0x6], $0x80, $0x38;
	[tilespmem:$0x10A00] =	vst v63  }
0x5de: {  	s12 =	sadd.s32 $0xCBD8, s10;
	s14 =	sadd.s32 $0xB0, s9  }
0x5df: {  	[hbm4b:s14+s2] =	stream.linear.scatter [tilespmem:s12], [sflag:$0x6], $0x80, $0x38;
	[tilespmem:$0x10A00] =	vst v63  }
0x5e0: {  	s12 =	sadd.s32 $0xCC60, s10;
	s14 =	sadd.s32 $0xC0, s9  }
0x5e1: {  	[hbm4b:s14+s2] =	stream.linear.scatter [tilespmem:s12], [sflag:$0x6], $0x80, $0x38;
	[tilespmem:$0x10A00] =	vst v63  }
.Ltmp12:
0x5e2: {  	s12 =	sadd.s32 $0xCCE8, s10;
	s14 =	sadd.s32 $0xD0, s9;
	(pc) =	sbr.rel @p0 .LBB2_26-.Ltmp12, $4  }
0x5e3: {  	[hbm4b:s14+s2] =	stream.linear.scatter [tilespmem:s12], [sflag:$0x6], $0x80, $0x38;
	[tilespmem:$0x10A00] =	vst v63  }
0x5e4: {  	s12 =	sadd.s32 $0xCD70, s10;
	s14 =	sadd.s32 $0xE0, s9;
	s10 =	sadd.s32 $0xCDF8, s10  }
0x5e5: {  	[hbm4b:s14+s2] =	stream.linear.scatter [tilespmem:s12], [sflag:$0x6], $0x80, $0x38;
	[tilespmem:$0x10A00] =	vst v63  }
0x5e6: {  	s14 =	sadd.s32 $0xF0, s9;
	s9 =	sadd.s32 $0x4000, s9;
	s12 =	smov.u32 s1  }
0x5e7: {  	[hbm4b:s14+s2] =	stream.linear.scatter [tilespmem:s10], [sflag:$0x6], $0x80, $0x38;
	[tilespmem:$0x10A00] =	vst v63  }
0x5e8: {  	s1 =	sadd.s32 $0xC600, s7  }
0x5e9: {  	[hbm4b:s9+s2] =	stream.linear.scatter [tilespmem:s1], [sflag:$0x6], $0x80, $0x38;
	[tilespmem:$0x10A00] =	vst v63  }
0x5ea: {  	s12 =	sadd.s32 $0xC688, s7;
	s14 =	sadd.s32 $0x10, s9  }
0x5eb: {  	[hbm4b:s14+s2] =	stream.linear.scatter [tilespmem:s12], [sflag:$0x6], $0x80, $0x38;
	[tilespmem:$0x10A00] =	vst v63  }
0x5ec: {  	s15 =	sadd.s32 $0xC710, s7;
	s17 =	sadd.s32 $0x20, s9  }
0x5ed: {  	[hbm4b:s17+s2] =	stream.linear.scatter [tilespmem:s15], [sflag:$0x6], $0x80, $0x38;
	[tilespmem:$0x10A00] =	vst v63  }
0x5ee: {  	s12 =	sadd.s32 $0xC798, s7;
	s14 =	sadd.s32 $0x30, s9  }
0x5ef: {  	[hbm4b:s14+s2] =	stream.linear.scatter [tilespmem:s12], [sflag:$0x6], $0x80, $0x38;
	[tilespmem:$0x10A00] =	vst v63  }
0x5f0: {  	s15 =	sadd.s32 $0xC820, s7;
	s17 =	sadd.s32 $0x40, s9  }
0x5f1: {  	[hbm4b:s17+s2] =	stream.linear.scatter [tilespmem:s15], [sflag:$0x6], $0x80, $0x38;
	[tilespmem:$0x10A00] =	vst v63  }
0x5f2: {  	s12 =	sadd.s32 $0xC8A8, s7;
	s14 =	sadd.s32 $0x50, s9  }
0x5f3: {  	[hbm4b:s14+s2] =	stream.linear.scatter [tilespmem:s12], [sflag:$0x6], $0x80, $0x38;
	[tilespmem:$0x10A00] =	vst v63  }
0x5f4: {  	s15 =	sadd.s32 $0xC930, s7;
	s17 =	sadd.s32 $0x60, s9  }
0x5f5: {  	[hbm4b:s17+s2] =	stream.linear.scatter [tilespmem:s15], [sflag:$0x6], $0x80, $0x38;
	[tilespmem:$0x10A00] =	vst v63  }
0x5f6: {  	s12 =	sadd.s32 $0xC9B8, s7;
	s14 =	sadd.s32 $0x70, s9  }
0x5f7: {  	[hbm4b:s14+s2] =	stream.linear.scatter [tilespmem:s12], [sflag:$0x6], $0x80, $0x38;
	[tilespmem:$0x10A00] =	vst v63  }
0x5f8: {  	s15 =	sadd.s32 $0xCA40, s7;
	s17 =	sadd.s32 $0x80, s9  }
0x5f9: {  	[hbm4b:s17+s2] =	stream.linear.scatter [tilespmem:s15], [sflag:$0x6], $0x80, $0x38;
	[tilespmem:$0x10A00] =	vst v63  }
0x5fa: {  	s12 =	sadd.s32 $0xCAC8, s7;
	s14 =	sadd.s32 $0x90, s9  }
0x5fb: {  	[hbm4b:s14+s2] =	stream.linear.scatter [tilespmem:s12], [sflag:$0x6], $0x80, $0x38;
	[tilespmem:$0x10A00] =	vst v63  }
0x5fc: {  	s15 =	sadd.s32 $0xCB50, s7;
	s17 =	sadd.s32 $0xA0, s9  }
0x5fd: {  	[hbm4b:s17+s2] =	stream.linear.scatter [tilespmem:s15], [sflag:$0x6], $0x80, $0x38;
	[tilespmem:$0x10A00] =	vst v63  }
0x5fe: {  	s12 =	sadd.s32 $0xCBD8, s7;
	s14 =	sadd.s32 $0xB0, s9  }
0x5ff: {  	[hbm4b:s14+s2] =	stream.linear.scatter [tilespmem:s12], [sflag:$0x6], $0x80, $0x38;
	[tilespmem:$0x10A00] =	vst v63  }
0x600: {  	s15 =	sadd.s32 $0xCC60, s7;
	s17 =	sadd.s32 $0xC0, s9  }
0x601: {  	[hbm4b:s17+s2] =	stream.linear.scatter [tilespmem:s15], [sflag:$0x6], $0x80, $0x38;
	[tilespmem:$0x10A00] =	vst v63  }
0x602: {  	s12 =	sadd.s32 $0xCCE8, s7;
	s14 =	sadd.s32 $0xD0, s9  }
0x603: {  	[hbm4b:s14+s2] =	stream.linear.scatter [tilespmem:s12], [sflag:$0x6], $0x80, $0x38;
	[tilespmem:$0x10A00] =	vst v63  }
0x604: {  	s15 =	sadd.s32 $0xCD70, s7;
	s17 =	sadd.s32 $0xE0, s9  }
0x605: {  	[hbm4b:s17+s2] =	stream.linear.scatter [tilespmem:s15], [sflag:$0x6], $0x80, $0x38;
	[tilespmem:$0x10A00] =	vst v63  }
0x606: {  	s12 =	sadd.s32 $0xCDF8, s7;
	s14 =	sadd.s32 $0xF0, s9  }
0x607: {  	[hbm4b:s14+s2] =	stream.linear.scatter [tilespmem:s12], [sflag:$0x6], $0x80, $0x38;
	[tilespmem:$0x10A00] =	vst v63  }
0x608: {  	_ =	swait.ge [sflag:s30], $0x4000  }
0x609: {  	[sflag:s30] =	ssyncset.done $0x0  }
0x60a: {  	[sflag:s30] =	ssyncadd.s32 $0xFFFFC000  }
0x60b: {  	_ =	swait.ge [sflag:s3], $0x4000  }
0x60c: {  	s15 =	rddreg [dreg:$0xa]  }
0x60d: {  	s17 =	rddreg [dreg:$0x9];
	s7 =	sadd.s32 $0x1, s15  }
0x60e: {  	p0 =	sne.s32 s7, s17  }
.Ltmp13:
0x60f: {  	_ = 	snop;
	(pc) =	sbr.rel @p0 .LBB2_1-.Ltmp13, $3  }
0x610: {  	_ =	sdelay $0x1  }
0x611: {  	[sflag:s3] =	ssyncset.done $0x0  }
0x612: {  	[sflag:s3] =	ssyncadd.s32 $0xFFFFC000  }
0x613: {  	_ =	sfence.sel $0x180000  }
0x614: {  	[bflag:$0x0] =	sbarrier.arrive $0xFFFF  }
0x615: {  	_ =	strace $0x90000047  }
0x616: {  	s0 =	stileid.u32;
	[bflag:$0x2] =	sbarrier.arrive $0xFFFF  }
0x617: {  	p0 =	sne.s32 s0, $0x0;
	s0 =	rddreg [dreg:$0x2]  }
0x618: {  	s0 =	sadd.s32 @!p0 $0x100000, s0  }
0x619: {  	[sflag:s0] =	ssyncadd.tile.s32 @!p0 $0x1;
	_ =	shalt  }
.Lfunc_end2:
_tile_overlayer_lowered:
.L_overlay_start_2:
0x61a: {  	(tag) =	ssettag $0x2  }
0x61b: {  	s0 =	rddreg [dreg:$0x0];
	s2 =	stileid.u32  }
0x61c: {  	s1 =	rddreg [dreg:$0x1];
	p0 =	sne.s32 s2, $0x0  }
0x61d: {  	s3 =	rddreg [dreg:$0x2];
	[bflag:$0x3] =	sbarrier.arrive $0xFFFF;
	s2 =	simm.s32 @!p0 $0x1C07  }
0x61e: {  	[timem:s3], [sflag:s2] =	dma.local @!p0 [hbm:s0], s1  }
0x61f: {  	s0 =	simm.s32 @!p0 $0x7  }
0x620: {  	_ =	swait.ge @!p0 [sflag:s0], s1  }
0x621: {  	s1 =	ssub.s32 @!p0 $0x0, s1;
	[sflag:s0] =	ssyncset.done @!p0 $0x0  }
0x622: {  	[sflag:s0] =	ssyncadd.s32 @!p0 s1  }
0x623: {  	[bflag:$0x3] =	sbarrier.arrive $0xFFFF  }
0x624: {  	_ =	shalt  }

</sc_bundles>
